<compile_context>
chip_gen: v7x
topology: tpu7x:2x2x1
jax: 0.10.2.dev20260603
libtpu: 0.0.44.dev20260713+nightly
codegen_flags: <defaults>
</compile_context>

<pallas_src>
import functools

import jax
import jax.numpy as jnp
from jax import lax
from jax.experimental import pallas as pl
from jax.experimental.pallas import tpu as pltpu
from jax.experimental.pallas import tpu_sc as plsc

N_NODES = 10000
N_PAD = 10240
N_EDGES = 320000
NC = 2
NS = 16
NW = NC * NS
EPW = N_EDGES // NW
CHUNK = 128
NFULL = EPW // CHUNK
TAIL = EPW - NFULL * CHUNK
RPT = N_PAD // NS
RCH = 128
F32 = jnp.float32


def _sc_edge_kernel(D, with_cnt):
    gpr = D // 16

    def body(*refs):
        if with_cnt:
            (p_hbm, q_hbm, dst_hbm, src_hbm, s_out, cnt_out,
             dstv, srcv, dstv1, srcv1, dstv_t, srcv_t, a_v, b_v, a_t, b_t,
             ones_v, ones_t, s_sh, cnt_sh, sem1, sem2, sem3, sem4) = refs
        else:
            (p_hbm, q_hbm, dst_hbm, src_hbm, s_out,
             dstv, srcv, dstv1, srcv1, dstv_t, srcv_t, a_v, b_v, a_t, b_t,
             s_sh, sem1, sem2, sem3, sem4) = refs
        cid = lax.axis_index("c")
        sid = lax.axis_index("s")
        wid = sid * NC + cid
        zero16 = jnp.zeros((16,), F32)
        one16 = jnp.full((16,), 1.0, F32)

        def zrow(r, c):
            for g in range(gpr):
                a_v[r, pl.ds(g * 16, 16)] = zero16
            return c
        lax.fori_loop(0, CHUNK, zrow, 0)
        if with_cnt:
            for g in range(CHUNK // 16):
                ones_v[pl.ds(g * 16, 16)] = zero16
        for j in range(RPT // RCH):
            r0 = sid * RPT + j * RCH
            pltpu.sync_copy(a_v.at[pl.ds(0, RCH)], s_sh.at[pl.ds(r0, RCH)])
            if with_cnt:
                pltpu.sync_copy(ones_v.at[pl.ds(0, RCH)],
                                cnt_sh.at[pl.ds(r0, RCH)])
        if with_cnt:
            for g in range(CHUNK // 16):
                ones_v[pl.ds(g * 16, 16)] = one16
            ones_t[pl.ds(0, TAIL)] = one16
        plsc.subcore_barrier()

        ebase = wid * EPW

        def relu_add(av, bv, nrows):
            def row(r, c):
                for g in range(gpr):
                    sl = pl.ds(g * 16, 16)
                    av[r, sl] = jnp.maximum(av[r, sl] + bv[r, sl], 0.0)
                return c
            lax.fori_loop(0, nrows, row, 0)

        def pair_body(t, carry):
            off0 = ebase + (2 * t) * CHUNK
            off1 = off0 + CHUNK
            i00 = pltpu.async_copy(dst_hbm.at[pl.ds(off0, CHUNK)], dstv,
                                   sem1)
            i01 = pltpu.async_copy(src_hbm.at[pl.ds(off0, CHUNK)], srcv,
                                   sem2)
            i10 = pltpu.async_copy(dst_hbm.at[pl.ds(off1, CHUNK)], dstv1,
                                   sem3)
            i11 = pltpu.async_copy(src_hbm.at[pl.ds(off1, CHUNK)], srcv1,
                                   sem4)

            def half(iw0, iw1, dv, sv):
                iw0.wait()
                iw1.wait()
                cp1 = pltpu.async_copy(p_hbm.at[dv], a_v, sem1)
                cp2 = pltpu.async_copy(q_hbm.at[sv], b_v, sem2)
                cp1.wait()
                cp2.wait()
                relu_add(a_v, b_v, CHUNK)
                if with_cnt:
                    cs1 = pltpu.async_copy(a_v, s_sh.at[dv], sem1,
                                           add=True)
                    cs2 = pltpu.async_copy(ones_v, cnt_sh.at[dv], sem2,
                                           add=True)
                    cs1.wait()
                    cs2.wait()
                else:
                    pltpu.sync_copy(a_v, s_sh.at[dv], add=True)
            half(i00, i01, dstv, srcv)
            half(i10, i11, dstv1, srcv1)
            return carry
        lax.fori_loop(0, NFULL // 2, pair_body, 0)

        off = ebase + NFULL * CHUNK
        pltpu.sync_copy(dst_hbm.at[pl.ds(off, TAIL)], dstv_t)
        pltpu.sync_copy(src_hbm.at[pl.ds(off, TAIL)], srcv_t)
        cp1 = pltpu.async_copy(p_hbm.at[dstv_t], a_t, sem1)
        cp2 = pltpu.async_copy(q_hbm.at[srcv_t], b_t, sem2)
        cp1.wait()
        cp2.wait()
        relu_add(a_t, b_t, TAIL)
        pltpu.sync_copy(a_t, s_sh.at[dstv_t], add=True)
        if with_cnt:
            pltpu.sync_copy(ones_t, cnt_sh.at[dstv_t], add=True)

        plsc.subcore_barrier()

        for j in range(RPT // RCH):
            r0 = sid * RPT + j * RCH
            pltpu.sync_copy(s_sh.at[pl.ds(r0, RCH)],
                            s_out.at[cid, pl.ds(r0, RCH)])
            if with_cnt:
                pltpu.sync_copy(cnt_sh.at[pl.ds(r0, RCH)],
                                cnt_out.at[cid, pl.ds(r0, RCH)])

    out_type = [jax.ShapeDtypeStruct((NC, N_PAD, D), F32)]
    scratch = [
        pltpu.VMEM((CHUNK,), jnp.int32),
        pltpu.VMEM((CHUNK,), jnp.int32),
        pltpu.VMEM((CHUNK,), jnp.int32),
        pltpu.VMEM((CHUNK,), jnp.int32),
        pltpu.VMEM((TAIL,), jnp.int32),
        pltpu.VMEM((TAIL,), jnp.int32),
        pltpu.VMEM((CHUNK, D), F32),
        pltpu.VMEM((CHUNK, D), F32),
        pltpu.VMEM((TAIL, D), F32),
        pltpu.VMEM((TAIL, D), F32),
    ]
    if with_cnt:
        out_type.append(jax.ShapeDtypeStruct((NC, N_PAD), F32))
        scratch += [
            pltpu.VMEM((CHUNK,), F32),
            pltpu.VMEM((TAIL,), F32),
        ]
    scratch.append(pltpu.VMEM_SHARED((N_PAD, D), F32))
    if with_cnt:
        scratch.append(pltpu.VMEM_SHARED((N_PAD,), F32))
    scratch += [pltpu.SemaphoreType.DMA for _ in range(4)]

    mesh = plsc.VectorSubcoreMesh(core_axis_name="c", subcore_axis_name="s")
    return pl.kernel(body, out_type=out_type, mesh=mesh,
                     scratch_types=scratch, name=f"sc_edge_d{D}",
                     compiler_params=pltpu.CompilerParams(
                         use_tc_tiling_on_sc=False))


def _tc_proj1(x_ref, wdT_ref, wsT_ref, ba_ref, p_ref, q_ref):
    x = x_ref[...]
    p_ref[...] = jnp.dot(x, wdT_ref[...], preferred_element_type=F32) + ba_ref[...]
    q_ref[...] = jnp.dot(x, wsT_ref[...], preferred_element_type=F32)


def _tc_mid(sp_ref, cp_ref, wb1T_ref, bb1_ref, wd2T_ref, ws2T_ref, ba2_ref,
            p2_ref, q2_ref):
    s = sp_ref[0] + sp_ref[1]
    cnt = cp_ref[0] + cp_ref[1]
    inv = 1.0 / jnp.maximum(cnt, 1.0)
    ind = (cnt > 0.5).astype(F32)
    agg = jnp.dot(s * inv, wb1T_ref[...], preferred_element_type=F32)
    h1 = jnp.maximum(agg + bb1_ref[...] * ind, 0.0)
    p2_ref[...] = jnp.dot(h1, wd2T_ref[...], preferred_element_type=F32) + ba2_ref[...]
    q2_ref[...] = jnp.dot(h1, ws2T_ref[...], preferred_element_type=F32)


def _tc_head(sp2_ref, cp_ref, wb2T_ref, bb2_ref, state_ref,
             fc1T_ref, fc1b_ref, fc2T_ref, fc2b_ref,
             meanT_ref, meanb_ref, lsT_ref, lsb_ref,
             mean_ref, ls_ref):
    s = sp2_ref[0] + sp2_ref[1]
    cnt = cp_ref[0] + cp_ref[1]
    inv = 1.0 / jnp.maximum(cnt, 1.0)
    ind = (cnt > 0.5).astype(F32)
    agg = jnp.dot(s * inv, wb2T_ref[...], preferred_element_type=F32)
    agg = agg + bb2_ref[...] * ind
    ge = jnp.sum(agg, axis=0, keepdims=True) * (1.0 / N_NODES)
    z = jnp.concatenate([state_ref[...], ge], axis=1)
    z = jnp.maximum(jnp.dot(z, fc1T_ref[...], preferred_element_type=F32)
                    + fc1b_ref[...], 0.0)
    z = jnp.maximum(jnp.dot(z, fc2T_ref[...], preferred_element_type=F32)
                    + fc2b_ref[...], 0.0)
    mean_ref[...] = jnp.dot(z, meanT_ref[...], preferred_element_type=F32) + meanb_ref[...]
    ls_ref[...] = jnp.clip(
        jnp.dot(z, lsT_ref[...], preferred_element_type=F32) + lsb_ref[...],
        -20.0, 2.0)


def kernel(state, x, edge_index, g1_Wa, g1_ba, g1_Wb, g1_bb,
           g2_Wa, g2_ba, g2_Wb, g2_bb, fc1_W, fc1_b, fc2_W, fc2_b,
           mean_W, mean_b, ls_W, ls_b):
    S = x.shape[1]
    H = g1_Wb.shape[0]
    G = g2_Wb.shape[0]
    src = edge_index[0].astype(jnp.int32)
    dst = edge_index[1].astype(jnp.int32)

    p1, q1 = pl.pallas_call(
        _tc_proj1,
        out_shape=[jax.ShapeDtypeStruct((N_NODES, H), F32),
                   jax.ShapeDtypeStruct((N_NODES, H), F32)],
    )(x, g1_Wa[:, :S].T, g1_Wa[:, S:].T, g1_ba.reshape(1, H))

    sp1, cp = _sc_edge_kernel(H, True)(p1, q1, dst, src)
    cp3 = cp.reshape(NC, N_PAD, 1)

    p2, q2 = pl.pallas_call(
        _tc_mid,
        out_shape=[jax.ShapeDtypeStruct((N_PAD, G), F32),
                   jax.ShapeDtypeStruct((N_PAD, G), F32)],
    )(sp1, cp3, g1_Wb.T, g1_bb.reshape(1, H), g2_Wa[:, :H].T,
      g2_Wa[:, H:].T, g2_ba.reshape(1, G))

    (sp2,) = _sc_edge_kernel(G, False)(p2, q2, dst, src)

    mean, log_std = pl.pallas_call(
        _tc_head,
        out_shape=[jax.ShapeDtypeStruct((1, mean_W.shape[0]), F32),
                   jax.ShapeDtypeStruct((1, mean_W.shape[0]), F32)],
    )(sp2, cp3, g2_Wb.T, g2_bb.reshape(1, G), state,
      fc1_W.T, fc1_b.reshape(1, -1), fc2_W.T, fc2_b.reshape(1, -1),
      mean_W.T, mean_b.reshape(1, -1), ls_W.T, ls_b.reshape(1, -1))
    return (mean, log_std)

# --- scband reference (transcript-rebuilt; emitter-appended) ---
"""Pipeline reference for scband-actor-13125420056615 (READ-ONLY COPY).

The authoritative reference and input builder live on the scoring server;
editing this copy changes nothing except your own understanding.
"""

import jax, jax.numpy as jnp
import numpy as np

STATE_DIM = 128
HIDDEN_DIM = 256
GNN_DIM = 64
ACTION_DIM = 16
N_NODES = 10000
N_EDGES = 320000
BATCH = 1


def _linear_params(key, out_f, in_f):
    k1, k2 = jax.random.split(key)
    W = jax.random.normal(k1, (out_f, in_f), dtype=jnp.float32) * 0.05
    b = jax.random.normal(k2, (out_f,), dtype=jnp.float32) * 0.05
    return W, b


def setup_inputs(seed: int = 0) -> dict:
    key = jax.random.key(seed)
    ks = jax.random.split(key, 12)
    state = jax.random.normal(ks[0], (BATCH, STATE_DIM), dtype=jnp.float32)
    x = jax.random.normal(ks[1], (N_NODES, STATE_DIM), dtype=jnp.float32)
    edge_index = jax.random.randint(ks[2], (2, N_EDGES), 0, N_NODES, dtype=jnp.int64 if jax.config.jax_enable_x64 else jnp.int32)
    # GNN1: mlp Linear(2*state_dim -> hidden_dim//2), ReLU, Linear(hidden_dim//2 -> hidden_dim//2)
    g1_Wa, g1_ba = _linear_params(ks[3], HIDDEN_DIM // 2, STATE_DIM * 2)
    g1_Wb, g1_bb = _linear_params(ks[4], HIDDEN_DIM // 2, HIDDEN_DIM // 2)
    # GNN2: mlp Linear(2*(hidden_dim//2) -> gnn_dim), ReLU, Linear(gnn_dim -> gnn_dim)
    g2_Wa, g2_ba = _linear_params(ks[5], GNN_DIM, (HIDDEN_DIM // 2) * 2)
    g2_Wb, g2_bb = _linear_params(ks[6], GNN_DIM, GNN_DIM)
    fc1_W, fc1_b = _linear_params(ks[7], HIDDEN_DIM, STATE_DIM + GNN_DIM)
    fc2_W, fc2_b = _linear_params(ks[8], HIDDEN_DIM, HIDDEN_DIM)
    mean_W, mean_b = _linear_params(ks[9], ACTION_DIM, HIDDEN_DIM)
    ls_W, ls_b = _linear_params(ks[10], ACTION_DIM, HIDDEN_DIM)
    return {
        "state": state, "x": x, "edge_index": edge_index,
        "g1_Wa": g1_Wa, "g1_ba": g1_ba, "g1_Wb": g1_Wb, "g1_bb": g1_bb,
        "g2_Wa": g2_Wa, "g2_ba": g2_ba, "g2_Wb": g2_Wb, "g2_bb": g2_bb,
        "fc1_W": fc1_W, "fc1_b": fc1_b, "fc2_W": fc2_W, "fc2_b": fc2_b,
        "mean_W": mean_W, "mean_b": mean_b, "ls_W": ls_W, "ls_b": ls_b,
    }


def _gnn_layer(x, edge_index, Wa, ba, Wb, bb):
    src = edge_index[0]
    dst = edge_index[1]
    x_j = jnp.take(x, src, axis=0)  # source (neighbor) features
    x_i = jnp.take(x, dst, axis=0)  # target features
    m = jnp.concatenate([x_i, x_j], axis=-1)
    h = jax.nn.relu(m @ Wa.T + ba)
    h = h @ Wb.T + bb
    n = x.shape[0]
    s = jax.ops.segment_sum(h, dst, num_segments=n)
    cnt = jax.ops.segment_sum(jnp.ones((dst.shape[0],), dtype=h.dtype), dst, num_segments=n)
    return s / jnp.maximum(cnt, 1.0)[:, None]


def reference(state, x, edge_index,
              g1_Wa, g1_ba, g1_Wb, g1_bb,
              g2_Wa, g2_ba, g2_Wb, g2_bb,
              fc1_W, fc1_b, fc2_W, fc2_b,
              mean_W, mean_b, ls_W, ls_b):
    h = jax.nn.relu(_gnn_layer(x, edge_index, g1_Wa, g1_ba, g1_Wb, g1_bb))
    h = _gnn_layer(h, edge_index, g2_Wa, g2_ba, g2_Wb, g2_bb)
    graph_embed = jnp.mean(h, axis=0, keepdims=True)  # [1, gnn_dim]
    z = jnp.concatenate([state, graph_embed], axis=-1)  # batch must be 1 (as in torch)
    z = jax.nn.relu(z @ fc1_W.T + fc1_b)
    z = jax.nn.relu(z @ fc2_W.T + fc2_b)
    mean = z @ mean_W.T + mean_b
    log_std = jnp.clip(z @ ls_W.T + ls_b, -20.0, 2.0)
    return (mean, log_std)

if __name__ == "__main__":
    import jax
    _d = setup_inputs()
    print(jax.jit(kernel)(*tuple(_d.values())))

</pallas_src>

<mosaic_0001>
#map = affine_map<(d0, d1) -> (0, 0)>
#map1 = affine_map<(d0, d1) -> (0)>
#map2 = affine_map<(d0, d1) -> (0, 0, 0)>
module attributes {stable_mosaic.version = 14 : i64} {
  func.func @sc_edge_d64(%arg0: i32, %arg1: i32, %arg2: memref<10240x64xf32, #tpu.memory_space<hbm>>, %arg3: memref<10240x64xf32, #tpu.memory_space<hbm>>, %arg4: memref<320000xi32, #tpu.memory_space<hbm>>, %arg5: memref<320000xi32, #tpu.memory_space<hbm>>, %arg6: memref<2x10240x64xf32, #tpu.memory_space<hbm>>, %arg7: memref<128xi32, #tpu.memory_space<vmem>>, %arg8: memref<128xi32, #tpu.memory_space<vmem>>, %arg9: memref<128xi32, #tpu.memory_space<vmem>>, %arg10: memref<128xi32, #tpu.memory_space<vmem>>, %arg11: memref<16xi32, #tpu.memory_space<vmem>>, %arg12: memref<16xi32, #tpu.memory_space<vmem>>, %arg13: memref<128x64xf32, #tpu.memory_space<vmem>>, %arg14: memref<128x64xf32, #tpu.memory_space<vmem>>, %arg15: memref<16x64xf32, #tpu.memory_space<vmem>>, %arg16: memref<16x64xf32, #tpu.memory_space<vmem>>, %arg17: memref<10240x64xf32, #tpu.memory_space<vmem_shared>>, %arg18: memref<!tpu.dma_semaphore, #tpu.memory_space<semaphore_mem>>, %arg19: memref<!tpu.dma_semaphore, #tpu.memory_space<semaphore_mem>>, %arg20: memref<!tpu.dma_semaphore, #tpu.memory_space<semaphore_mem>>, %arg21: memref<!tpu.dma_semaphore, #tpu.memory_space<semaphore_mem>>) attributes {dimension_semantics = [#tpu.dimension_semantics<core_parallel>, #tpu.dimension_semantics<subcore_parallel>], iteration_bounds = array<i64: 2, 16>, scalar_prefetch = 0 : i64, scratch_operands = 15 : i64, tpu.core_type = #tpu.core_type<sc_vector_subcore>, window_params = [{transform_indices = #map}, {transform_indices = #map}, {transform_indices = #map1}, {transform_indices = #map1}, {transform_indices = #map2}]} {
    %mul3A = arith.constant 2 : i32
    %mul3A_0 = arith.muli %arg1, %mul3A : i32
    %add3A = arith.addi %mul3A_0, %arg0 : i32
    %broadcast_in_dim3A = arith.constant 0.000000e+00 : f32
    %broadcast_in_dim3A_1 = vector.broadcast %broadcast_in_dim3A : f32 to vector<16xf32>
    %broadcast_in_dim3A_2 = arith.constant 1.000000e+00 : f32
    %broadcast_in_dim3A_3 = vector.broadcast %broadcast_in_dim3A_2 : f32 to vector<16xf32>
    %scan3A = arith.constant 0 : i32
    %scan3A_4 = arith.constant 0 : i32
    %scan3A_5 = arith.constant 128 : i32
    %scan3A_6 = arith.addi %scan3A_4, %scan3A_5 : i32
    %scan3A_7 = arith.constant 1 : i32
    scf.for %scan3A_76 = %scan3A_4 to %scan3A_6 step %scan3A_7  : i32 {
      %swap3A = arith.index_cast %scan3A_76 : i32 to index
      %swap3A_77 = arith.constant 0 : index
      %swap3A_78 = tpu.vector_load %arg13[%swap3A, %swap3A_77] {strides = array<i32>} : memref<128x64xf32, #tpu.memory_space<vmem>>, vector<1x16xf32>,
      %swap3A_79 = vector.shape_cast %swap3A_78 : vector<1x16xf32> to vector<16xf32>
      %swap3A_80 = vector.shape_cast %broadcast_in_dim3A_1 : vector<16xf32> to vector<1x16xf32>
      tpu.vector_store %arg13[%swap3A, %swap3A_77], %swap3A_80 {strides = array<i32>} : memref<128x64xf32, #tpu.memory_space<vmem>>, vector<1x16xf32>,
      %swap3A_81 = arith.index_cast %scan3A_76 : i32 to index
      %swap3A_82 = arith.constant 16 : index
      %swap3A_83 = tpu.vector_load %arg13[%swap3A_81, %swap3A_82] {strides = array<i32>} : memref<128x64xf32, #tpu.memory_space<vmem>>, vector<1x16xf32>,
      %swap3A_84 = vector.shape_cast %swap3A_83 : vector<1x16xf32> to vector<16xf32>
      %swap3A_85 = vector.shape_cast %broadcast_in_dim3A_1 : vector<16xf32> to vector<1x16xf32>
      tpu.vector_store %arg13[%swap3A_81, %swap3A_82], %swap3A_85 {strides = array<i32>} : memref<128x64xf32, #tpu.memory_space<vmem>>, vector<1x16xf32>,
      %swap3A_86 = arith.index_cast %scan3A_76 : i32 to index
      %swap3A_87 = arith.constant 32 : index
      %swap3A_88 = tpu.vector_load %arg13[%swap3A_86, %swap3A_87] {strides = array<i32>} : memref<128x64xf32, #tpu.memory_space<vmem>>, vector<1x16xf32>,
      %swap3A_89 = vector.shape_cast %swap3A_88 : vector<1x16xf32> to vector<16xf32>
      %swap3A_90 = vector.shape_cast %broadcast_in_dim3A_1 : vector<16xf32> to vector<1x16xf32>
      tpu.vector_store %arg13[%swap3A_86, %swap3A_87], %swap3A_90 {strides = array<i32>} : memref<128x64xf32, #tpu.memory_space<vmem>>, vector<1x16xf32>,
      %swap3A_91 = arith.index_cast %scan3A_76 : i32 to index
      %swap3A_92 = arith.constant 48 : index
      %swap3A_93 = tpu.vector_load %arg13[%swap3A_91, %swap3A_92] {strides = array<i32>} : memref<128x64xf32, #tpu.memory_space<vmem>>, vector<1x16xf32>,
      %swap3A_94 = vector.shape_cast %swap3A_93 : vector<1x16xf32> to vector<16xf32>
      %swap3A_95 = vector.shape_cast %broadcast_in_dim3A_1 : vector<16xf32> to vector<1x16xf32>
      tpu.vector_store %arg13[%swap3A_91, %swap3A_92], %swap3A_95 {strides = array<i32>} : memref<128x64xf32, #tpu.memory_space<vmem>>, vector<1x16xf32>,
    }
    %scan3A_8 = arith.constant 128 : i32
    %mul3A_9 = arith.constant 640 : i32
    %mul3A_10 = arith.muli %arg1, %mul3A_9 : i32
    %add3A_11 = arith.constant 0 : i32
    %add3A_12 = arith.addi %mul3A_10, %add3A_11 : i32
    "tpu.region"() ({
      %run_scoped3A = tpu.sem_alloc : memref<!tpu.dma_semaphore, #tpu.memory_space<semaphore_mem>>
      %dma_start3A_76 = arith.constant 0 : i32
      %dma_start3A_77 = arith.constant 0 : i32
      %dma_start3A_78 = tpu.memref_slice %arg13[%dma_start3A_76, %dma_start3A_77] : memref<128x64xf32, #tpu.memory_space<vmem>> -> memref<128x64xf32, #tpu.memory_space<vmem>>
      %dma_start3A_79 = arith.constant 0 : i32
      %dma_start3A_80 = tpu.memref_slice %arg17[%add3A_12, %dma_start3A_79] : memref<10240x64xf32, #tpu.memory_space<vmem_shared>> -> memref<128x64xf32, #tpu.memory_space<vmem_shared>>
      %dma_start3A_81 = arith.constant 0 : i32
      %dma_start3A_82 = tpu.memref_slice %arg17[%add3A_12, %dma_start3A_81] : memref<10240x64xf32, #tpu.memory_space<vmem_shared>> -> memref<128x64xf32, #tpu.memory_space<vmem_shared>>
      %dma_start3A_83 = arith.constant 0 : i32
      %dma_start3A_84 = arith.constant 0 : i32
      %dma_start3A_85 = tpu.memref_slice %arg13[%dma_start3A_83, %dma_start3A_84] : memref<128x64xf32, #tpu.memory_space<vmem>> -> memref<128x64xf32, #tpu.memory_space<vmem>>
      tpu.enqueue_dma source(%dma_start3A_85 : memref<128x64xf32, #tpu.memory_space<vmem>>) target(%dma_start3A_82 : memref<128x64xf32, #tpu.memory_space<vmem_shared>>) target_semaphore(%run_scoped3A : memref<!tpu.dma_semaphore, #tpu.memory_space<semaphore_mem>>)
      %dma_wait3A_86 = arith.constant 0 : i32
      %dma_wait3A_87 = arith.constant 0 : i32
      %dma_wait3A_88 = tpu.memref_slice %arg13[%dma_wait3A_86, %dma_wait3A_87] : memref<128x64xf32, #tpu.memory_space<vmem>> -> memref<128x64xf32, #tpu.memory_space<vmem>>
      %dma_wait3A_89 = arith.constant 0 : i32
      %dma_wait3A_90 = tpu.memref_slice %arg17[%add3A_12, %dma_wait3A_89] : memref<10240x64xf32, #tpu.memory_space<vmem_shared>> -> memref<128x64xf32, #tpu.memory_space<vmem_shared>>
      %dma_wait3A_91 = arith.constant 0 : i32
      %dma_wait3A_92 = tpu.memref_slice %arg17[%add3A_12, %dma_wait3A_91] : memref<10240x64xf32, #tpu.memory_space<vmem_shared>> -> memref<128x64xf32, #tpu.memory_space<vmem_shared>>
      %dma_wait3A_93 = arith.constant 0 : i32
      %dma_wait3A_94 = arith.constant 0 : i32
      %dma_wait3A_95 = tpu.memref_slice %arg13[%dma_wait3A_93, %dma_wait3A_94] : memref<128x64xf32, #tpu.memory_space<vmem>> -> memref<128x64xf32, #tpu.memory_space<vmem>>
      tpu.wait_dma2 semaphore(%run_scoped3A : memref<!tpu.dma_semaphore, #tpu.memory_space<semaphore_mem>>) src(%dma_wait3A_95 : memref<128x64xf32, #tpu.memory_space<vmem>>) dst(%dma_wait3A_92 : memref<128x64xf32, #tpu.memory_space<vmem_shared>>)
      tpu.yield
    }) : () -> ()
    %mul3A_13 = arith.constant 640 : i32
    %mul3A_14 = arith.muli %arg1, %mul3A_13 : i32
    %add3A_15 = arith.constant 128 : i32
    %add3A_16 = arith.addi %mul3A_14, %add3A_15 : i32
    "tpu.region"() ({
      %run_scoped3A = tpu.sem_alloc : memref<!tpu.dma_semaphore, #tpu.memory_space<semaphore_mem>>
      %dma_start3A_76 = arith.constant 0 : i32
      %dma_start3A_77 = arith.constant 0 : i32
      %dma_start3A_78 = tpu.memref_slice %arg13[%dma_start3A_76, %dma_start3A_77] : memref<128x64xf32, #tpu.memory_space<vmem>> -> memref<128x64xf32, #tpu.memory_space<vmem>>
      %dma_start3A_79 = arith.constant 0 : i32
      %dma_start3A_80 = tpu.memref_slice %arg17[%add3A_16, %dma_start3A_79] : memref<10240x64xf32, #tpu.memory_space<vmem_shared>> -> memref<128x64xf32, #tpu.memory_space<vmem_shared>>
      %dma_start3A_81 = arith.constant 0 : i32
      %dma_start3A_82 = tpu.memref_slice %arg17[%add3A_16, %dma_start3A_81] : memref<10240x64xf32, #tpu.memory_space<vmem_shared>> -> memref<128x64xf32, #tpu.memory_space<vmem_shared>>
      %dma_start3A_83 = arith.constant 0 : i32
      %dma_start3A_84 = arith.constant 0 : i32
      %dma_start3A_85 = tpu.memref_slice %arg13[%dma_start3A_83, %dma_start3A_84] : memref<128x64xf32, #tpu.memory_space<vmem>> -> memref<128x64xf32, #tpu.memory_space<vmem>>
      tpu.enqueue_dma source(%dma_start3A_85 : memref<128x64xf32, #tpu.memory_space<vmem>>) target(%dma_start3A_82 : memref<128x64xf32, #tpu.memory_space<vmem_shared>>) target_semaphore(%run_scoped3A : memref<!tpu.dma_semaphore, #tpu.memory_space<semaphore_mem>>)
      %dma_wait3A_86 = arith.constant 0 : i32
      %dma_wait3A_87 = arith.constant 0 : i32
      %dma_wait3A_88 = tpu.memref_slice %arg13[%dma_wait3A_86, %dma_wait3A_87] : memref<128x64xf32, #tpu.memory_space<vmem>> -> memref<128x64xf32, #tpu.memory_space<vmem>>
      %dma_wait3A_89 = arith.constant 0 : i32
      %dma_wait3A_90 = tpu.memref_slice %arg17[%add3A_16, %dma_wait3A_89] : memref<10240x64xf32, #tpu.memory_space<vmem_shared>> -> memref<128x64xf32, #tpu.memory_space<vmem_shared>>
      %dma_wait3A_91 = arith.constant 0 : i32
      %dma_wait3A_92 = tpu.memref_slice %arg17[%add3A_16, %dma_wait3A_91] : memref<10240x64xf32, #tpu.memory_space<vmem_shared>> -> memref<128x64xf32, #tpu.memory_space<vmem_shared>>
      %dma_wait3A_93 = arith.constant 0 : i32
      %dma_wait3A_94 = arith.constant 0 : i32
      %dma_wait3A_95 = tpu.memref_slice %arg13[%dma_wait3A_93, %dma_wait3A_94] : memref<128x64xf32, #tpu.memory_space<vmem>> -> memref<128x64xf32, #tpu.memory_space<vmem>>
      tpu.wait_dma2 semaphore(%run_scoped3A : memref<!tpu.dma_semaphore, #tpu.memory_space<semaphore_mem>>) src(%dma_wait3A_95 : memref<128x64xf32, #tpu.memory_space<vmem>>) dst(%dma_wait3A_92 : memref<128x64xf32, #tpu.memory_space<vmem_shared>>)
      tpu.yield
    }) : () -> ()
    %mul3A_17 = arith.constant 640 : i32
    %mul3A_18 = arith.muli %arg1, %mul3A_17 : i32
    %add3A_19 = arith.constant 256 : i32
    %add3A_20 = arith.addi %mul3A_18, %add3A_19 : i32
    "tpu.region"() ({
      %run_scoped3A = tpu.sem_alloc : memref<!tpu.dma_semaphore, #tpu.memory_space<semaphore_mem>>
      %dma_start3A_76 = arith.constant 0 : i32
      %dma_start3A_77 = arith.constant 0 : i32
      %dma_start3A_78 = tpu.memref_slice %arg13[%dma_start3A_76, %dma_start3A_77] : memref<128x64xf32, #tpu.memory_space<vmem>> -> memref<128x64xf32, #tpu.memory_space<vmem>>
      %dma_start3A_79 = arith.constant 0 : i32
      %dma_start3A_80 = tpu.memref_slice %arg17[%add3A_20, %dma_start3A_79] : memref<10240x64xf32, #tpu.memory_space<vmem_shared>> -> memref<128x64xf32, #tpu.memory_space<vmem_shared>>
      %dma_start3A_81 = arith.constant 0 : i32
      %dma_start3A_82 = tpu.memref_slice %arg17[%add3A_20, %dma_start3A_81] : memref<10240x64xf32, #tpu.memory_space<vmem_shared>> -> memref<128x64xf32, #tpu.memory_space<vmem_shared>>
      %dma_start3A_83 = arith.constant 0 : i32
      %dma_start3A_84 = arith.constant 0 : i32
      %dma_start3A_85 = tpu.memref_slice %arg13[%dma_start3A_83, %dma_start3A_84] : memref<128x64xf32, #tpu.memory_space<vmem>> -> memref<128x64xf32, #tpu.memory_space<vmem>>
      tpu.enqueue_dma source(%dma_start3A_85 : memref<128x64xf32, #tpu.memory_space<vmem>>) target(%dma_start3A_82 : memref<128x64xf32, #tpu.memory_space<vmem_shared>>) target_semaphore(%run_scoped3A : memref<!tpu.dma_semaphore, #tpu.memory_space<semaphore_mem>>)
      %dma_wait3A_86 = arith.constant 0 : i32
      %dma_wait3A_87 = arith.constant 0 : i32
      %dma_wait3A_88 = tpu.memref_slice %arg13[%dma_wait3A_86, %dma_wait3A_87] : memref<128x64xf32, #tpu.memory_space<vmem>> -> memref<128x64xf32, #tpu.memory_space<vmem>>
      %dma_wait3A_89 = arith.constant 0 : i32
      %dma_wait3A_90 = tpu.memref_slice %arg17[%add3A_20, %dma_wait3A_89] : memref<10240x64xf32, #tpu.memory_space<vmem_shared>> -> memref<128x64xf32, #tpu.memory_space<vmem_shared>>
      %dma_wait3A_91 = arith.constant 0 : i32
      %dma_wait3A_92 = tpu.memref_slice %arg17[%add3A_20, %dma_wait3A_91] : memref<10240x64xf32, #tpu.memory_space<vmem_shared>> -> memref<128x64xf32, #tpu.memory_space<vmem_shared>>
      %dma_wait3A_93 = arith.constant 0 : i32
      %dma_wait3A_94 = arith.constant 0 : i32
      %dma_wait3A_95 = tpu.memref_slice %arg13[%dma_wait3A_93, %dma_wait3A_94] : memref<128x64xf32, #tpu.memory_space<vmem>> -> memref<128x64xf32, #tpu.memory_space<vmem>>
      tpu.wait_dma2 semaphore(%run_scoped3A : memref<!tpu.dma_semaphore, #tpu.memory_space<semaphore_mem>>) src(%dma_wait3A_95 : memref<128x64xf32, #tpu.memory_space<vmem>>) dst(%dma_wait3A_92 : memref<128x64xf32, #tpu.memory_space<vmem_shared>>)
      tpu.yield
    }) : () -> ()
    %mul3A_21 = arith.constant 640 : i32
    %mul3A_22 = arith.muli %arg1, %mul3A_21 : i32
    %add3A_23 = arith.constant 384 : i32
    %add3A_24 = arith.addi %mul3A_22, %add3A_23 : i32
    "tpu.region"() ({
      %run_scoped3A = tpu.sem_alloc : memref<!tpu.dma_semaphore, #tpu.memory_space<semaphore_mem>>
      %dma_start3A_76 = arith.constant 0 : i32
      %dma_start3A_77 = arith.constant 0 : i32
      %dma_start3A_78 = tpu.memref_slice %arg13[%dma_start3A_76, %dma_start3A_77] : memref<128x64xf32, #tpu.memory_space<vmem>> -> memref<128x64xf32, #tpu.memory_space<vmem>>
      %dma_start3A_79 = arith.constant 0 : i32
      %dma_start3A_80 = tpu.memref_slice %arg17[%add3A_24, %dma_start3A_79] : memref<10240x64xf32, #tpu.memory_space<vmem_shared>> -> memref<128x64xf32, #tpu.memory_space<vmem_shared>>
      %dma_start3A_81 = arith.constant 0 : i32
      %dma_start3A_82 = tpu.memref_slice %arg17[%add3A_24, %dma_start3A_81] : memref<10240x64xf32, #tpu.memory_space<vmem_shared>> -> memref<128x64xf32, #tpu.memory_space<vmem_shared>>
      %dma_start3A_83 = arith.constant 0 : i32
      %dma_start3A_84 = arith.constant 0 : i32
      %dma_start3A_85 = tpu.memref_slice %arg13[%dma_start3A_83, %dma_start3A_84] : memref<128x64xf32, #tpu.memory_space<vmem>> -> memref<128x64xf32, #tpu.memory_space<vmem>>
      tpu.enqueue_dma source(%dma_start3A_85 : memref<128x64xf32, #tpu.memory_space<vmem>>) target(%dma_start3A_82 : memref<128x64xf32, #tpu.memory_space<vmem_shared>>) target_semaphore(%run_scoped3A : memref<!tpu.dma_semaphore, #tpu.memory_space<semaphore_mem>>)
      %dma_wait3A_86 = arith.constant 0 : i32
      %dma_wait3A_87 = arith.constant 0 : i32
      %dma_wait3A_88 = tpu.memref_slice %arg13[%dma_wait3A_86, %dma_wait3A_87] : memref<128x64xf32, #tpu.memory_space<vmem>> -> memref<128x64xf32, #tpu.memory_space<vmem>>
      %dma_wait3A_89 = arith.constant 0 : i32
      %dma_wait3A_90 = tpu.memref_slice %arg17[%add3A_24, %dma_wait3A_89] : memref<10240x64xf32, #tpu.memory_space<vmem_shared>> -> memref<128x64xf32, #tpu.memory_space<vmem_shared>>
      %dma_wait3A_91 = arith.constant 0 : i32
      %dma_wait3A_92 = tpu.memref_slice %arg17[%add3A_24, %dma_wait3A_91] : memref<10240x64xf32, #tpu.memory_space<vmem_shared>> -> memref<128x64xf32, #tpu.memory_space<vmem_shared>>
      %dma_wait3A_93 = arith.constant 0 : i32
      %dma_wait3A_94 = arith.constant 0 : i32
      %dma_wait3A_95 = tpu.memref_slice %arg13[%dma_wait3A_93, %dma_wait3A_94] : memref<128x64xf32, #tpu.memory_space<vmem>> -> memref<128x64xf32, #tpu.memory_space<vmem>>
      tpu.wait_dma2 semaphore(%run_scoped3A : memref<!tpu.dma_semaphore, #tpu.memory_space<semaphore_mem>>) src(%dma_wait3A_95 : memref<128x64xf32, #tpu.memory_space<vmem>>) dst(%dma_wait3A_92 : memref<128x64xf32, #tpu.memory_space<vmem_shared>>)
      tpu.yield
    }) : () -> ()
    %mul3A_25 = arith.constant 640 : i32
    %mul3A_26 = arith.muli %arg1, %mul3A_25 : i32
    %add3A_27 = arith.constant 512 : i32
    %add3A_28 = arith.addi %mul3A_26, %add3A_27 : i32
    "tpu.region"() ({
      %run_scoped3A = tpu.sem_alloc : memref<!tpu.dma_semaphore, #tpu.memory_space<semaphore_mem>>
      %dma_start3A_76 = arith.constant 0 : i32
      %dma_start3A_77 = arith.constant 0 : i32
      %dma_start3A_78 = tpu.memref_slice %arg13[%dma_start3A_76, %dma_start3A_77] : memref<128x64xf32, #tpu.memory_space<vmem>> -> memref<128x64xf32, #tpu.memory_space<vmem>>
      %dma_start3A_79 = arith.constant 0 : i32
      %dma_start3A_80 = tpu.memref_slice %arg17[%add3A_28, %dma_start3A_79] : memref<10240x64xf32, #tpu.memory_space<vmem_shared>> -> memref<128x64xf32, #tpu.memory_space<vmem_shared>>
      %dma_start3A_81 = arith.constant 0 : i32
      %dma_start3A_82 = tpu.memref_slice %arg17[%add3A_28, %dma_start3A_81] : memref<10240x64xf32, #tpu.memory_space<vmem_shared>> -> memref<128x64xf32, #tpu.memory_space<vmem_shared>>
      %dma_start3A_83 = arith.constant 0 : i32
      %dma_start3A_84 = arith.constant 0 : i32
      %dma_start3A_85 = tpu.memref_slice %arg13[%dma_start3A_83, %dma_start3A_84] : memref<128x64xf32, #tpu.memory_space<vmem>> -> memref<128x64xf32, #tpu.memory_space<vmem>>
      tpu.enqueue_dma source(%dma_start3A_85 : memref<128x64xf32, #tpu.memory_space<vmem>>) target(%dma_start3A_82 : memref<128x64xf32, #tpu.memory_space<vmem_shared>>) target_semaphore(%run_scoped3A : memref<!tpu.dma_semaphore, #tpu.memory_space<semaphore_mem>>)
      %dma_wait3A_86 = arith.constant 0 : i32
      %dma_wait3A_87 = arith.constant 0 : i32
      %dma_wait3A_88 = tpu.memref_slice %arg13[%dma_wait3A_86, %dma_wait3A_87] : memref<128x64xf32, #tpu.memory_space<vmem>> -> memref<128x64xf32, #tpu.memory_space<vmem>>
      %dma_wait3A_89 = arith.constant 0 : i32
      %dma_wait3A_90 = tpu.memref_slice %arg17[%add3A_28, %dma_wait3A_89] : memref<10240x64xf32, #tpu.memory_space<vmem_shared>> -> memref<128x64xf32, #tpu.memory_space<vmem_shared>>
      %dma_wait3A_91 = arith.constant 0 : i32
      %dma_wait3A_92 = tpu.memref_slice %arg17[%add3A_28, %dma_wait3A_91] : memref<10240x64xf32, #tpu.memory_space<vmem_shared>> -> memref<128x64xf32, #tpu.memory_space<vmem_shared>>
      %dma_wait3A_93 = arith.constant 0 : i32
      %dma_wait3A_94 = arith.constant 0 : i32
      %dma_wait3A_95 = tpu.memref_slice %arg13[%dma_wait3A_93, %dma_wait3A_94] : memref<128x64xf32, #tpu.memory_space<vmem>> -> memref<128x64xf32, #tpu.memory_space<vmem>>
      tpu.wait_dma2 semaphore(%run_scoped3A : memref<!tpu.dma_semaphore, #tpu.memory_space<semaphore_mem>>) src(%dma_wait3A_95 : memref<128x64xf32, #tpu.memory_space<vmem>>) dst(%dma_wait3A_92 : memref<128x64xf32, #tpu.memory_space<vmem_shared>>)
      tpu.yield
    }) : () -> ()
    %barrier3A = arith.constant 0 : index
    tpu.barrier barrier_id(%barrier3A)
    %mul3A_29 = arith.constant 10000 : i32
    %mul3A_30 = arith.muli %add3A, %mul3A_29 : i32
    %scan3A_31 = arith.constant 0 : i32
    %scan3A_32 = arith.constant 0 : i32
    %scan3A_33 = arith.constant 39 : i32
    %scan3A_34 = arith.addi %scan3A_32, %scan3A_33 : i32
    %scan3A_35 = arith.constant 1 : i32
    scf.for %scan3A_76 = %scan3A_32 to %scan3A_34 step %scan3A_35  : i32 {
      %mul3A_77 = arith.constant 2 : i32
      %mul3A_78 = arith.muli %mul3A_77, %scan3A_76 : i32
      %mul3A_79 = arith.constant 128 : i32
      %mul3A_80 = arith.muli %mul3A_78, %mul3A_79 : i32
      %add3A_81 = arith.addi %mul3A_30, %mul3A_80 : i32
      %add3A_82 = arith.constant 128 : i32
      %add3A_83 = arith.addi %add3A_81, %add3A_82 : i32
      %dma_start3A_84 = tpu.memref_slice %arg4[%add3A_81] : memref<320000xi32, #tpu.memory_space<hbm>> -> memref<128xi32, #tpu.memory_space<hbm>>
      %dma_start3A_85 = tpu.memref_slice %arg4[%add3A_81] : memref<320000xi32, #tpu.memory_space<hbm>> -> memref<128xi32, #tpu.memory_space<hbm>>
      tpu.enqueue_dma source(%dma_start3A_85 : memref<128xi32, #tpu.memory_space<hbm>>) target(%arg7 : memref<128xi32, #tpu.memory_space<vmem>>) target_semaphore(%arg18 : memref<!tpu.dma_semaphore, #tpu.memory_space<semaphore_mem>>)
      %dma_start3A_86 = tpu.memref_slice %arg5[%add3A_81] : memref<320000xi32, #tpu.memory_space<hbm>> -> memref<128xi32, #tpu.memory_space<hbm>>
      %dma_start3A_87 = tpu.memref_slice %arg5[%add3A_81] : memref<320000xi32, #tpu.memory_space<hbm>> -> memref<128xi32, #tpu.memory_space<hbm>>
      tpu.enqueue_dma source(%dma_start3A_87 : memref<128xi32, #tpu.memory_space<hbm>>) target(%arg8 : memref<128xi32, #tpu.memory_space<vmem>>) target_semaphore(%arg19 : memref<!tpu.dma_semaphore, #tpu.memory_space<semaphore_mem>>)
      %dma_start3A_88 = tpu.memref_slice %arg4[%add3A_83] : memref<320000xi32, #tpu.memory_space<hbm>> -> memref<128xi32, #tpu.memory_space<hbm>>
      %dma_start3A_89 = tpu.memref_slice %arg4[%add3A_83] : memref<320000xi32, #tpu.memory_space<hbm>> -> memref<128xi32, #tpu.memory_space<hbm>>
      tpu.enqueue_dma source(%dma_start3A_89 : memref<128xi32, #tpu.memory_space<hbm>>) target(%arg9 : memref<128xi32, #tpu.memory_space<vmem>>) target_semaphore(%arg20 : memref<!tpu.dma_semaphore, #tpu.memory_space<semaphore_mem>>)
      %dma_start3A_90 = tpu.memref_slice %arg5[%add3A_83] : memref<320000xi32, #tpu.memory_space<hbm>> -> memref<128xi32, #tpu.memory_space<hbm>>
      %dma_start3A_91 = tpu.memref_slice %arg5[%add3A_83] : memref<320000xi32, #tpu.memory_space<hbm>> -> memref<128xi32, #tpu.memory_space<hbm>>
      tpu.enqueue_dma source(%dma_start3A_91 : memref<128xi32, #tpu.memory_space<hbm>>) target(%arg10 : memref<128xi32, #tpu.memory_space<vmem>>) target_semaphore(%arg21 : memref<!tpu.dma_semaphore, #tpu.memory_space<semaphore_mem>>)
      %dma_wait3A_92 = tpu.memref_slice %arg4[%add3A_81] : memref<320000xi32, #tpu.memory_space<hbm>> -> memref<128xi32, #tpu.memory_space<hbm>>
      %dma_wait3A_93 = tpu.memref_slice %arg4[%add3A_81] : memref<320000xi32, #tpu.memory_space<hbm>> -> memref<128xi32, #tpu.memory_space<hbm>>
      tpu.wait_dma2 semaphore(%arg18 : memref<!tpu.dma_semaphore, #tpu.memory_space<semaphore_mem>>) src(%dma_wait3A_93 : memref<128xi32, #tpu.memory_space<hbm>>) dst(%arg7 : memref<128xi32, #tpu.memory_space<vmem>>)
      %dma_wait3A_94 = tpu.memref_slice %arg5[%add3A_81] : memref<320000xi32, #tpu.memory_space<hbm>> -> memref<128xi32, #tpu.memory_space<hbm>>
      %dma_wait3A_95 = tpu.memref_slice %arg5[%add3A_81] : memref<320000xi32, #tpu.memory_space<hbm>> -> memref<128xi32, #tpu.memory_space<hbm>>
      tpu.wait_dma2 semaphore(%arg19 : memref<!tpu.dma_semaphore, #tpu.memory_space<semaphore_mem>>) src(%dma_wait3A_95 : memref<128xi32, #tpu.memory_space<hbm>>) dst(%arg8 : memref<128xi32, #tpu.memory_space<vmem>>)
      %dma_start3A_96 = arith.constant 0 : i32
      %dma_start3A_97 = arith.constant 0 : i32
      %dma_start3A_98 = tpu.memref_slice %arg2[%dma_start3A_96, %dma_start3A_97] : memref<10240x64xf32, #tpu.memory_space<hbm>> -> memref<10240x64xf32, #tpu.memory_space<hbm>>
      tpu.enqueue_indirect_dma source(%dma_start3A_98 : memref<10240x64xf32, #tpu.memory_space<hbm>>) target(%arg13 : memref<128x64xf32, #tpu.memory_space<vmem>>) offsets(%arg7 : memref<128xi32, #tpu.memory_space<vmem>>) semaphore(%arg18 : memref<!tpu.dma_semaphore, #tpu.memory_space<semaphore_mem>>)
      %dma_start3A_99 = arith.constant 0 : i32
      %dma_start3A_100 = arith.constant 0 : i32
      %dma_start3A_101 = tpu.memref_slice %arg3[%dma_start3A_99, %dma_start3A_100] : memref<10240x64xf32, #tpu.memory_space<hbm>> -> memref<10240x64xf32, #tpu.memory_space<hbm>>
      tpu.enqueue_indirect_dma source(%dma_start3A_101 : memref<10240x64xf32, #tpu.memory_space<hbm>>) target(%arg14 : memref<128x64xf32, #tpu.memory_space<vmem>>) offsets(%arg8 : memref<128xi32, #tpu.memory_space<vmem>>) semaphore(%arg19 : memref<!tpu.dma_semaphore, #tpu.memory_space<semaphore_mem>>)
      %dma_wait3A_102 = arith.constant 0 : i32
      %dma_wait3A_103 = arith.constant 0 : i32
      %dma_wait3A_104 = tpu.memref_slice %arg2[%dma_wait3A_102, %dma_wait3A_103] : memref<10240x64xf32, #tpu.memory_space<hbm>> -> memref<10240x64xf32, #tpu.memory_space<hbm>>
      tpu.wait_indirect_dma semaphore(%arg18 : memref<!tpu.dma_semaphore, #tpu.memory_space<semaphore_mem>>) src(%dma_wait3A_104 : memref<10240x64xf32, #tpu.memory_space<hbm>>) dst(%arg13 : memref<128x64xf32, #tpu.memory_space<vmem>>)
      %dma_wait3A_105 = arith.constant 0 : i32
      %dma_wait3A_106 = arith.constant 0 : i32
      %dma_wait3A_107 = tpu.memref_slice %arg3[%dma_wait3A_105, %dma_wait3A_106] : memref<10240x64xf32, #tpu.memory_space<hbm>> -> memref<10240x64xf32, #tpu.memory_space<hbm>>
      tpu.wait_indirect_dma semaphore(%arg19 : memref<!tpu.dma_semaphore, #tpu.memory_space<semaphore_mem>>) src(%dma_wait3A_107 : memref<10240x64xf32, #tpu.memory_space<hbm>>) dst(%arg14 : memref<128x64xf32, #tpu.memory_space<vmem>>)
      %scan3A_108 = arith.constant 0 : i32
      %scan3A_109 = arith.constant 0 : i32
      %scan3A_110 = arith.constant 128 : i32
      %scan3A_111 = arith.addi %scan3A_109, %scan3A_110 : i32
      %scan3A_112 = arith.constant 1 : i32
      scf.for %scan3A_136 = %scan3A_109 to %scan3A_111 step %scan3A_112  : i32 {
        %get3A = arith.index_cast %scan3A_136 : i32 to index
        %get3A_137 = arith.constant 0 : index
        %get3A_138 = tpu.vector_load %arg13[%get3A, %get3A_137] {strides = array<i32>} : memref<128x64xf32, #tpu.memory_space<vmem>>, vector<1x16xf32>,
        %get3A_139 = vector.shape_cast %get3A_138 : vector<1x16xf32> to vector<16xf32>
        %get3A_140 = arith.index_cast %scan3A_136 : i32 to index
        %get3A_141 = arith.constant 0 : index
        %get3A_142 = tpu.vector_load %arg14[%get3A_140, %get3A_141] {strides = array<i32>} : memref<128x64xf32, #tpu.memory_space<vmem>>, vector<1x16xf32>,
        %get3A_143 = vector.shape_cast %get3A_142 : vector<1x16xf32> to vector<16xf32>
        %add3A_144 = arith.addf %get3A_139, %get3A_143 : vector<16xf32>
        %max3A = arith.constant 0.000000e+00 : f32
        %max3A_145 = vector.broadcast %max3A : f32 to vector<16xf32>
        %max3A_146 = arith.maximumf %add3A_144, %max3A_145 : vector<16xf32>
        %swap3A = arith.index_cast %scan3A_136 : i32 to index
        %swap3A_147 = arith.constant 0 : index
        %swap3A_148 = tpu.vector_load %arg13[%swap3A, %swap3A_147] {strides = array<i32>} : memref<128x64xf32, #tpu.memory_space<vmem>>, vector<1x16xf32>,
        %swap3A_149 = vector.shape_cast %swap3A_148 : vector<1x16xf32> to vector<16xf32>
        %swap3A_150 = vector.shape_cast %max3A_146 : vector<16xf32> to vector<1x16xf32>
        tpu.vector_store %arg13[%swap3A, %swap3A_147], %swap3A_150 {strides = array<i32>} : memref<128x64xf32, #tpu.memory_space<vmem>>, vector<1x16xf32>,
        %get3A_151 = arith.index_cast %scan3A_136 : i32 to index
        %get3A_152 = arith.constant 16 : index
        %get3A_153 = tpu.vector_load %arg13[%get3A_151, %get3A_152] {strides = array<i32>} : memref<128x64xf32, #tpu.memory_space<vmem>>, vector<1x16xf32>,
        %get3A_154 = vector.shape_cast %get3A_153 : vector<1x16xf32> to vector<16xf32>
        %get3A_155 = arith.index_cast %scan3A_136 : i32 to index
        %get3A_156 = arith.constant 16 : index
        %get3A_157 = tpu.vector_load %arg14[%get3A_155, %get3A_156] {strides = array<i32>} : memref<128x64xf32, #tpu.memory_space<vmem>>, vector<1x16xf32>,
        %get3A_158 = vector.shape_cast %get3A_157 : vector<1x16xf32> to vector<16xf32>
        %add3A_159 = arith.addf %get3A_154, %get3A_158 : vector<16xf32>
        %max3A_160 = arith.constant 0.000000e+00 : f32
        %max3A_161 = vector.broadcast %max3A_160 : f32 to vector<16xf32>
        %max3A_162 = arith.maximumf %add3A_159, %max3A_161 : vector<16xf32>
        %swap3A_163 = arith.index_cast %scan3A_136 : i32 to index
        %swap3A_164 = arith.constant 16 : index
        %swap3A_165 = tpu.vector_load %arg13[%swap3A_163, %swap3A_164] {strides = array<i32>} : memref<128x64xf32, #tpu.memory_space<vmem>>, vector<1x16xf32>,
        %swap3A_166 = vector.shape_cast %swap3A_165 : vector<1x16xf32> to vector<16xf32>
        %swap3A_167 = vector.shape_cast %max3A_162 : vector<16xf32> to vector<1x16xf32>
        tpu.vector_store %arg13[%swap3A_163, %swap3A_164], %swap3A_167 {strides = array<i32>} : memref<128x64xf32, #tpu.memory_space<vmem>>, vector<1x16xf32>,
        %get3A_168 = arith.index_cast %scan3A_136 : i32 to index
        %get3A_169 = arith.constant 32 : index
        %get3A_170 = tpu.vector_load %arg13[%get3A_168, %get3A_169] {strides = array<i32>} : memref<128x64xf32, #tpu.memory_space<vmem>>, vector<1x16xf32>,
        %get3A_171 = vector.shape_cast %get3A_170 : vector<1x16xf32> to vector<16xf32>
        %get3A_172 = arith.index_cast %scan3A_136 : i32 to index
        %get3A_173 = arith.constant 32 : index
        %get3A_174 = tpu.vector_load %arg14[%get3A_172, %get3A_173] {strides = array<i32>} : memref<128x64xf32, #tpu.memory_space<vmem>>, vector<1x16xf32>,
        %get3A_175 = vector.shape_cast %get3A_174 : vector<1x16xf32> to vector<16xf32>
        %add3A_176 = arith.addf %get3A_171, %get3A_175 : vector<16xf32>
        %max3A_177 = arith.constant 0.000000e+00 : f32
        %max3A_178 = vector.broadcast %max3A_177 : f32 to vector<16xf32>
        %max3A_179 = arith.maximumf %add3A_176, %max3A_178 : vector<16xf32>
        %swap3A_180 = arith.index_cast %scan3A_136 : i32 to index
        %swap3A_181 = arith.constant 32 : index
        %swap3A_182 = tpu.vector_load %arg13[%swap3A_180, %swap3A_181] {strides = array<i32>} : memref<128x64xf32, #tpu.memory_space<vmem>>, vector<1x16xf32>,
        %swap3A_183 = vector.shape_cast %swap3A_182 : vector<1x16xf32> to vector<16xf32>
        %swap3A_184 = vector.shape_cast %max3A_179 : vector<16xf32> to vector<1x16xf32>
        tpu.vector_store %arg13[%swap3A_180, %swap3A_181], %swap3A_184 {strides = array<i32>} : memref<128x64xf32, #tpu.memory_space<vmem>>, vector<1x16xf32>,
        %get3A_185 = arith.index_cast %scan3A_136 : i32 to index
        %get3A_186 = arith.constant 48 : index
        %get3A_187 = tpu.vector_load %arg13[%get3A_185, %get3A_186] {strides = array<i32>} : memref<128x64xf32, #tpu.memory_space<vmem>>, vector<1x16xf32>,
        %get3A_188 = vector.shape_cast %get3A_187 : vector<1x16xf32> to vector<16xf32>
        %get3A_189 = arith.index_cast %scan3A_136 : i32 to index
        %get3A_190 = arith.constant 48 : index
        %get3A_191 = tpu.vector_load %arg14[%get3A_189, %get3A_190] {strides = array<i32>} : memref<128x64xf32, #tpu.memory_space<vmem>>, vector<1x16xf32>,
        %get3A_192 = vector.shape_cast %get3A_191 : vector<1x16xf32> to vector<16xf32>
        %add3A_193 = arith.addf %get3A_188, %get3A_192 : vector<16xf32>
        %max3A_194 = arith.constant 0.000000e+00 : f32
        %max3A_195 = vector.broadcast %max3A_194 : f32 to vector<16xf32>
        %max3A_196 = arith.maximumf %add3A_193, %max3A_195 : vector<16xf32>
        %swap3A_197 = arith.index_cast %scan3A_136 : i32 to index
        %swap3A_198 = arith.constant 48 : index
        %swap3A_199 = tpu.vector_load %arg13[%swap3A_197, %swap3A_198] {strides = array<i32>} : memref<128x64xf32, #tpu.memory_space<vmem>>, vector<1x16xf32>,
        %swap3A_200 = vector.shape_cast %swap3A_199 : vector<1x16xf32> to vector<16xf32>
        %swap3A_201 = vector.shape_cast %max3A_196 : vector<16xf32> to vector<1x16xf32>
        tpu.vector_store %arg13[%swap3A_197, %swap3A_198], %swap3A_201 {strides = array<i32>} : memref<128x64xf32, #tpu.memory_space<vmem>>, vector<1x16xf32>,
      }
      %scan3A_113 = arith.constant 128 : i32
      "tpu.region"() ({
        %run_scoped3A = tpu.sem_alloc : memref<!tpu.dma_semaphore, #tpu.memory_space<semaphore_mem>>
        %dma_start3A_136 = arith.constant 0 : i32
        %dma_start3A_137 = arith.constant 0 : i32
        %dma_start3A_138 = tpu.memref_slice %arg17[%dma_start3A_136, %dma_start3A_137] : memref<10240x64xf32, #tpu.memory_space<vmem_shared>> -> memref<10240x64xf32, #tpu.memory_space<vmem_shared>>
        tpu.enqueue_indirect_dma source(%arg13 : memref<128x64xf32, #tpu.memory_space<vmem>>) target(%dma_start3A_138 : memref<10240x64xf32, #tpu.memory_space<vmem_shared>>) offsets(%arg7 : memref<128xi32, #tpu.memory_space<vmem>>) semaphore(%run_scoped3A : memref<!tpu.dma_semaphore, #tpu.memory_space<semaphore_mem>>) {add = true}
        %dma_wait3A_139 = arith.constant 0 : i32
        %dma_wait3A_140 = arith.constant 0 : i32
        %dma_wait3A_141 = tpu.memref_slice %arg17[%dma_wait3A_139, %dma_wait3A_140] : memref<10240x64xf32, #tpu.memory_space<vmem_shared>> -> memref<10240x64xf32, #tpu.memory_space<vmem_shared>>
        tpu.wait_indirect_dma semaphore(%run_scoped3A : memref<!tpu.dma_semaphore, #tpu.memory_space<semaphore_mem>>) src(%arg13 : memref<128x64xf32, #tpu.memory_space<vmem>>) dst(%dma_wait3A_141 : memref<10240x64xf32, #tpu.memory_space<vmem_shared>>)
        tpu.yield
      }) : () -> ()
      %dma_wait3A_114 = tpu.memref_slice %arg4[%add3A_83] : memref<320000xi32, #tpu.memory_space<hbm>> -> memref<128xi32, #tpu.memory_space<hbm>>
      %dma_wait3A_115 = tpu.memref_slice %arg4[%add3A_83] : memref<320000xi32, #tpu.memory_space<hbm>> -> memref<128xi32, #tpu.memory_space<hbm>>
      tpu.wait_dma2 semaphore(%arg20 : memref<!tpu.dma_semaphore, #tpu.memory_space<semaphore_mem>>) src(%dma_wait3A_115 : memref<128xi32, #tpu.memory_space<hbm>>) dst(%arg9 : memref<128xi32, #tpu.memory_space<vmem>>)
      %dma_wait3A_116 = tpu.memref_slice %arg5[%add3A_83] : memref<320000xi32, #tpu.memory_space<hbm>> -> memref<128xi32, #tpu.memory_space<hbm>>
      %dma_wait3A_117 = tpu.memref_slice %arg5[%add3A_83] : memref<320000xi32, #tpu.memory_space<hbm>> -> memref<128xi32, #tpu.memory_space<hbm>>
      tpu.wait_dma2 semaphore(%arg21 : memref<!tpu.dma_semaphore, #tpu.memory_space<semaphore_mem>>) src(%dma_wait3A_117 : memref<128xi32, #tpu.memory_space<hbm>>) dst(%arg10 : memref<128xi32, #tpu.memory_space<vmem>>)
      %dma_start3A_118 = arith.constant 0 : i32
      %dma_start3A_119 = arith.constant 0 : i32
      %dma_start3A_120 = tpu.memref_slice %arg2[%dma_start3A_118, %dma_start3A_119] : memref<10240x64xf32, #tpu.memory_space<hbm>> -> memref<10240x64xf32, #tpu.memory_space<hbm>>
      tpu.enqueue_indirect_dma source(%dma_start3A_120 : memref<10240x64xf32, #tpu.memory_space<hbm>>) target(%arg13 : memref<128x64xf32, #tpu.memory_space<vmem>>) offsets(%arg9 : memref<128xi32, #tpu.memory_space<vmem>>) semaphore(%arg18 : memref<!tpu.dma_semaphore, #tpu.memory_space<semaphore_mem>>)
      %dma_start3A_121 = arith.constant 0 : i32
      %dma_start3A_122 = arith.constant 0 : i32
      %dma_start3A_123 = tpu.memref_slice %arg3[%dma_start3A_121, %dma_start3A_122] : memref<10240x64xf32, #tpu.memory_space<hbm>> -> memref<10240x64xf32, #tpu.memory_space<hbm>>
      tpu.enqueue_indirect_dma source(%dma_start3A_123 : memref<10240x64xf32, #tpu.memory_space<hbm>>) target(%arg14 : memref<128x64xf32, #tpu.memory_space<vmem>>) offsets(%arg10 : memref<128xi32, #tpu.memory_space<vmem>>) semaphore(%arg19 : memref<!tpu.dma_semaphore, #tpu.memory_space<semaphore_mem>>)
      %dma_wait3A_124 = arith.constant 0 : i32
      %dma_wait3A_125 = arith.constant 0 : i32
      %dma_wait3A_126 = tpu.memref_slice %arg2[%dma_wait3A_124, %dma_wait3A_125] : memref<10240x64xf32, #tpu.memory_space<hbm>> -> memref<10240x64xf32, #tpu.memory_space<hbm>>
      tpu.wait_indirect_dma semaphore(%arg18 : memref<!tpu.dma_semaphore, #tpu.memory_space<semaphore_mem>>) src(%dma_wait3A_126 : memref<10240x64xf32, #tpu.memory_space<hbm>>) dst(%arg13 : memref<128x64xf32, #tpu.memory_space<vmem>>)
      %dma_wait3A_127 = arith.constant 0 : i32
      %dma_wait3A_128 = arith.constant 0 : i32
      %dma_wait3A_129 = tpu.memref_slice %arg3[%dma_wait3A_127, %dma_wait3A_128] : memref<10240x64xf32, #tpu.memory_space<hbm>> -> memref<10240x64xf32, #tpu.memory_space<hbm>>
      tpu.wait_indirect_dma semaphore(%arg19 : memref<!tpu.dma_semaphore, #tpu.memory_space<semaphore_mem>>) src(%dma_wait3A_129 : memref<10240x64xf32, #tpu.memory_space<hbm>>) dst(%arg14 : memref<128x64xf32, #tpu.memory_space<vmem>>)
      %scan3A_130 = arith.constant 0 : i32
      %scan3A_131 = arith.constant 0 : i32
      %scan3A_132 = arith.constant 128 : i32
      %scan3A_133 = arith.addi %scan3A_131, %scan3A_132 : i32
      %scan3A_134 = arith.constant 1 : i32
      scf.for %scan3A_136 = %scan3A_131 to %scan3A_133 step %scan3A_134  : i32 {
        %get3A = arith.index_cast %scan3A_136 : i32 to index
        %get3A_137 = arith.constant 0 : index
        %get3A_138 = tpu.vector_load %arg13[%get3A, %get3A_137] {strides = array<i32>} : memref<128x64xf32, #tpu.memory_space<vmem>>, vector<1x16xf32>,
        %get3A_139 = vector.shape_cast %get3A_138 : vector<1x16xf32> to vector<16xf32>
        %get3A_140 = arith.index_cast %scan3A_136 : i32 to index
        %get3A_141 = arith.constant 0 : index
        %get3A_142 = tpu.vector_load %arg14[%get3A_140, %get3A_141] {strides = array<i32>} : memref<128x64xf32, #tpu.memory_space<vmem>>, vector<1x16xf32>,
        %get3A_143 = vector.shape_cast %get3A_142 : vector<1x16xf32> to vector<16xf32>
        %add3A_144 = arith.addf %get3A_139, %get3A_143 : vector<16xf32>
        %max3A = arith.constant 0.000000e+00 : f32
        %max3A_145 = vector.broadcast %max3A : f32 to vector<16xf32>
        %max3A_146 = arith.maximumf %add3A_144, %max3A_145 : vector<16xf32>
        %swap3A = arith.index_cast %scan3A_136 : i32 to index
        %swap3A_147 = arith.constant 0 : index
        %swap3A_148 = tpu.vector_load %arg13[%swap3A, %swap3A_147] {strides = array<i32>} : memref<128x64xf32, #tpu.memory_space<vmem>>, vector<1x16xf32>,
        %swap3A_149 = vector.shape_cast %swap3A_148 : vector<1x16xf32> to vector<16xf32>
        %swap3A_150 = vector.shape_cast %max3A_146 : vector<16xf32> to vector<1x16xf32>
        tpu.vector_store %arg13[%swap3A, %swap3A_147], %swap3A_150 {strides = array<i32>} : memref<128x64xf32, #tpu.memory_space<vmem>>, vector<1x16xf32>,
        %get3A_151 = arith.index_cast %scan3A_136 : i32 to index
        %get3A_152 = arith.constant 16 : index
        %get3A_153 = tpu.vector_load %arg13[%get3A_151, %get3A_152] {strides = array<i32>} : memref<128x64xf32, #tpu.memory_space<vmem>>, vector<1x16xf32>,
        %get3A_154 = vector.shape_cast %get3A_153 : vector<1x16xf32> to vector<16xf32>
        %get3A_155 = arith.index_cast %scan3A_136 : i32 to index
        %get3A_156 = arith.constant 16 : index
        %get3A_157 = tpu.vector_load %arg14[%get3A_155, %get3A_156] {strides = array<i32>} : memref<128x64xf32, #tpu.memory_space<vmem>>, vector<1x16xf32>,
        %get3A_158 = vector.shape_cast %get3A_157 : vector<1x16xf32> to vector<16xf32>
        %add3A_159 = arith.addf %get3A_154, %get3A_158 : vector<16xf32>
        %max3A_160 = arith.constant 0.000000e+00 : f32
        %max3A_161 = vector.broadcast %max3A_160 : f32 to vector<16xf32>
        %max3A_162 = arith.maximumf %add3A_159, %max3A_161 : vector<16xf32>
        %swap3A_163 = arith.index_cast %scan3A_136 : i32 to index
        %swap3A_164 = arith.constant 16 : index
        %swap3A_165 = tpu.vector_load %arg13[%swap3A_163, %swap3A_164] {strides = array<i32>} : memref<128x64xf32, #tpu.memory_space<vmem>>, vector<1x16xf32>,
        %swap3A_166 = vector.shape_cast %swap3A_165 : vector<1x16xf32> to vector<16xf32>
        %swap3A_167 = vector.shape_cast %max3A_162 : vector<16xf32> to vector<1x16xf32>
        tpu.vector_store %arg13[%swap3A_163, %swap3A_164], %swap3A_167 {strides = array<i32>} : memref<128x64xf32, #tpu.memory_space<vmem>>, vector<1x16xf32>,
        %get3A_168 = arith.index_cast %scan3A_136 : i32 to index
        %get3A_169 = arith.constant 32 : index
        %get3A_170 = tpu.vector_load %arg13[%get3A_168, %get3A_169] {strides = array<i32>} : memref<128x64xf32, #tpu.memory_space<vmem>>, vector<1x16xf32>,
        %get3A_171 = vector.shape_cast %get3A_170 : vector<1x16xf32> to vector<16xf32>
        %get3A_172 = arith.index_cast %scan3A_136 : i32 to index
        %get3A_173 = arith.constant 32 : index
        %get3A_174 = tpu.vector_load %arg14[%get3A_172, %get3A_173] {strides = array<i32>} : memref<128x64xf32, #tpu.memory_space<vmem>>, vector<1x16xf32>,
        %get3A_175 = vector.shape_cast %get3A_174 : vector<1x16xf32> to vector<16xf32>
        %add3A_176 = arith.addf %get3A_171, %get3A_175 : vector<16xf32>
        %max3A_177 = arith.constant 0.000000e+00 : f32
        %max3A_178 = vector.broadcast %max3A_177 : f32 to vector<16xf32>
        %max3A_179 = arith.maximumf %add3A_176, %max3A_178 : vector<16xf32>
        %swap3A_180 = arith.index_cast %scan3A_136 : i32 to index
        %swap3A_181 = arith.constant 32 : index
        %swap3A_182 = tpu.vector_load %arg13[%swap3A_180, %swap3A_181] {strides = array<i32>} : memref<128x64xf32, #tpu.memory_space<vmem>>, vector<1x16xf32>,
        %swap3A_183 = vector.shape_cast %swap3A_182 : vector<1x16xf32> to vector<16xf32>
        %swap3A_184 = vector.shape_cast %max3A_179 : vector<16xf32> to vector<1x16xf32>
        tpu.vector_store %arg13[%swap3A_180, %swap3A_181], %swap3A_184 {strides = array<i32>} : memref<128x64xf32, #tpu.memory_space<vmem>>, vector<1x16xf32>,
        %get3A_185 = arith.index_cast %scan3A_136 : i32 to index
        %get3A_186 = arith.constant 48 : index
        %get3A_187 = tpu.vector_load %arg13[%get3A_185, %get3A_186] {strides = array<i32>} : memref<128x64xf32, #tpu.memory_space<vmem>>, vector<1x16xf32>,
        %get3A_188 = vector.shape_cast %get3A_187 : vector<1x16xf32> to vector<16xf32>
        %get3A_189 = arith.index_cast %scan3A_136 : i32 to index
        %get3A_190 = arith.constant 48 : index
        %get3A_191 = tpu.vector_load %arg14[%get3A_189, %get3A_190] {strides = array<i32>} : memref<128x64xf32, #tpu.memory_space<vmem>>, vector<1x16xf32>,
        %get3A_192 = vector.shape_cast %get3A_191 : vector<1x16xf32> to vector<16xf32>
        %add3A_193 = arith.addf %get3A_188, %get3A_192 : vector<16xf32>
        %max3A_194 = arith.constant 0.000000e+00 : f32
        %max3A_195 = vector.broadcast %max3A_194 : f32 to vector<16xf32>
        %max3A_196 = arith.maximumf %add3A_193, %max3A_195 : vector<16xf32>
        %swap3A_197 = arith.index_cast %scan3A_136 : i32 to index
        %swap3A_198 = arith.constant 48 : index
        %swap3A_199 = tpu.vector_load %arg13[%swap3A_197, %swap3A_198] {strides = array<i32>} : memref<128x64xf32, #tpu.memory_space<vmem>>, vector<1x16xf32>,
        %swap3A_200 = vector.shape_cast %swap3A_199 : vector<1x16xf32> to vector<16xf32>
        %swap3A_201 = vector.shape_cast %max3A_196 : vector<16xf32> to vector<1x16xf32>
        tpu.vector_store %arg13[%swap3A_197, %swap3A_198], %swap3A_201 {strides = array<i32>} : memref<128x64xf32, #tpu.memory_space<vmem>>, vector<1x16xf32>,
      }
      %scan3A_135 = arith.constant 128 : i32
      "tpu.region"() ({
        %run_scoped3A = tpu.sem_alloc : memref<!tpu.dma_semaphore, #tpu.memory_space<semaphore_mem>>
        %dma_start3A_136 = arith.constant 0 : i32
        %dma_start3A_137 = arith.constant 0 : i32
        %dma_start3A_138 = tpu.memref_slice %arg17[%dma_start3A_136, %dma_start3A_137] : memref<10240x64xf32, #tpu.memory_space<vmem_shared>> -> memref<10240x64xf32, #tpu.memory_space<vmem_shared>>
        tpu.enqueue_indirect_dma source(%arg13 : memref<128x64xf32, #tpu.memory_space<vmem>>) target(%dma_start3A_138 : memref<10240x64xf32, #tpu.memory_space<vmem_shared>>) offsets(%arg9 : memref<128xi32, #tpu.memory_space<vmem>>) semaphore(%run_scoped3A : memref<!tpu.dma_semaphore, #tpu.memory_space<semaphore_mem>>) {add = true}
        %dma_wait3A_139 = arith.constant 0 : i32
        %dma_wait3A_140 = arith.constant 0 : i32
        %dma_wait3A_141 = tpu.memref_slice %arg17[%dma_wait3A_139, %dma_wait3A_140] : memref<10240x64xf32, #tpu.memory_space<vmem_shared>> -> memref<10240x64xf32, #tpu.memory_space<vmem_shared>>
        tpu.wait_indirect_dma semaphore(%run_scoped3A : memref<!tpu.dma_semaphore, #tpu.memory_space<semaphore_mem>>) src(%arg13 : memref<128x64xf32, #tpu.memory_space<vmem>>) dst(%dma_wait3A_141 : memref<10240x64xf32, #tpu.memory_space<vmem_shared>>)
        tpu.yield
      }) : () -> ()
    }
    %scan3A_36 = arith.constant 39 : i32
    %add3A_37 = arith.constant 9984 : i32
    %add3A_38 = arith.addi %mul3A_30, %add3A_37 : i32
    "tpu.region"() ({
      %run_scoped3A = tpu.sem_alloc : memref<!tpu.dma_semaphore, #tpu.memory_space<semaphore_mem>>
      %dma_start3A_76 = tpu.memref_slice %arg4[%add3A_38] : memref<320000xi32, #tpu.memory_space<hbm>> -> memref<16xi32, #tpu.memory_space<hbm>>
      %dma_start3A_77 = tpu.memref_slice %arg4[%add3A_38] : memref<320000xi32, #tpu.memory_space<hbm>> -> memref<16xi32, #tpu.memory_space<hbm>>
      tpu.enqueue_dma source(%dma_start3A_77 : memref<16xi32, #tpu.memory_space<hbm>>) target(%arg11 : memref<16xi32, #tpu.memory_space<vmem>>) target_semaphore(%run_scoped3A : memref<!tpu.dma_semaphore, #tpu.memory_space<semaphore_mem>>)
      %dma_wait3A_78 = tpu.memref_slice %arg4[%add3A_38] : memref<320000xi32, #tpu.memory_space<hbm>> -> memref<16xi32, #tpu.memory_space<hbm>>
      %dma_wait3A_79 = tpu.memref_slice %arg4[%add3A_38] : memref<320000xi32, #tpu.memory_space<hbm>> -> memref<16xi32, #tpu.memory_space<hbm>>
      tpu.wait_dma2 semaphore(%run_scoped3A : memref<!tpu.dma_semaphore, #tpu.memory_space<semaphore_mem>>) src(%dma_wait3A_79 : memref<16xi32, #tpu.memory_space<hbm>>) dst(%arg11 : memref<16xi32, #tpu.memory_space<vmem>>)
      tpu.yield
    }) : () -> ()
    "tpu.region"() ({
      %run_scoped3A = tpu.sem_alloc : memref<!tpu.dma_semaphore, #tpu.memory_space<semaphore_mem>>
      %dma_start3A_76 = tpu.memref_slice %arg5[%add3A_38] : memref<320000xi32, #tpu.memory_space<hbm>> -> memref<16xi32, #tpu.memory_space<hbm>>
      %dma_start3A_77 = tpu.memref_slice %arg5[%add3A_38] : memref<320000xi32, #tpu.memory_space<hbm>> -> memref<16xi32, #tpu.memory_space<hbm>>
      tpu.enqueue_dma source(%dma_start3A_77 : memref<16xi32, #tpu.memory_space<hbm>>) target(%arg12 : memref<16xi32, #tpu.memory_space<vmem>>) target_semaphore(%run_scoped3A : memref<!tpu.dma_semaphore, #tpu.memory_space<semaphore_mem>>)
      %dma_wait3A_78 = tpu.memref_slice %arg5[%add3A_38] : memref<320000xi32, #tpu.memory_space<hbm>> -> memref<16xi32, #tpu.memory_space<hbm>>
      %dma_wait3A_79 = tpu.memref_slice %arg5[%add3A_38] : memref<320000xi32, #tpu.memory_space<hbm>> -> memref<16xi32, #tpu.memory_space<hbm>>
      tpu.wait_dma2 semaphore(%run_scoped3A : memref<!tpu.dma_semaphore, #tpu.memory_space<semaphore_mem>>) src(%dma_wait3A_79 : memref<16xi32, #tpu.memory_space<hbm>>) dst(%arg12 : memref<16xi32, #tpu.memory_space<vmem>>)
      tpu.yield
    }) : () -> ()
    %dma_start3A = arith.constant 0 : i32
    %dma_start3A_39 = arith.constant 0 : i32
    %dma_start3A_40 = tpu.memref_slice %arg2[%dma_start3A, %dma_start3A_39] : memref<10240x64xf32, #tpu.memory_space<hbm>> -> memref<10240x64xf32, #tpu.memory_space<hbm>>
    tpu.enqueue_indirect_dma source(%dma_start3A_40 : memref<10240x64xf32, #tpu.memory_space<hbm>>) target(%arg15 : memref<16x64xf32, #tpu.memory_space<vmem>>) offsets(%arg11 : memref<16xi32, #tpu.memory_space<vmem>>) semaphore(%arg18 : memref<!tpu.dma_semaphore, #tpu.memory_space<semaphore_mem>>)
    %dma_start3A_41 = arith.constant 0 : i32
    %dma_start3A_42 = arith.constant 0 : i32
    %dma_start3A_43 = tpu.memref_slice %arg3[%dma_start3A_41, %dma_start3A_42] : memref<10240x64xf32, #tpu.memory_space<hbm>> -> memref<10240x64xf32, #tpu.memory_space<hbm>>
    tpu.enqueue_indirect_dma source(%dma_start3A_43 : memref<10240x64xf32, #tpu.memory_space<hbm>>) target(%arg16 : memref<16x64xf32, #tpu.memory_space<vmem>>) offsets(%arg12 : memref<16xi32, #tpu.memory_space<vmem>>) semaphore(%arg19 : memref<!tpu.dma_semaphore, #tpu.memory_space<semaphore_mem>>)
    %dma_wait3A = arith.constant 0 : i32
    %dma_wait3A_44 = arith.constant 0 : i32
    %dma_wait3A_45 = tpu.memref_slice %arg2[%dma_wait3A, %dma_wait3A_44] : memref<10240x64xf32, #tpu.memory_space<hbm>> -> memref<10240x64xf32, #tpu.memory_space<hbm>>
    tpu.wait_indirect_dma semaphore(%arg18 : memref<!tpu.dma_semaphore, #tpu.memory_space<semaphore_mem>>) src(%dma_wait3A_45 : memref<10240x64xf32, #tpu.memory_space<hbm>>) dst(%arg15 : memref<16x64xf32, #tpu.memory_space<vmem>>)
    %dma_wait3A_46 = arith.constant 0 : i32
    %dma_wait3A_47 = arith.constant 0 : i32
    %dma_wait3A_48 = tpu.memref_slice %arg3[%dma_wait3A_46, %dma_wait3A_47] : memref<10240x64xf32, #tpu.memory_space<hbm>> -> memref<10240x64xf32, #tpu.memory_space<hbm>>
    tpu.wait_indirect_dma semaphore(%arg19 : memref<!tpu.dma_semaphore, #tpu.memory_space<semaphore_mem>>) src(%dma_wait3A_48 : memref<10240x64xf32, #tpu.memory_space<hbm>>) dst(%arg16 : memref<16x64xf32, #tpu.memory_space<vmem>>)
    %scan3A_49 = arith.constant 0 : i32
    %scan3A_50 = arith.constant 0 : i32
    %scan3A_51 = arith.constant 16 : i32
    %scan3A_52 = arith.addi %scan3A_50, %scan3A_51 : i32
    %scan3A_53 = arith.constant 1 : i32
    scf.for %scan3A_76 = %scan3A_50 to %scan3A_52 step %scan3A_53  : i32 {
      %get3A = arith.index_cast %scan3A_76 : i32 to index
      %get3A_77 = arith.constant 0 : index
      %get3A_78 = tpu.vector_load %arg15[%get3A, %get3A_77] {strides = array<i32>} : memref<16x64xf32, #tpu.memory_space<vmem>>, vector<1x16xf32>,
      %get3A_79 = vector.shape_cast %get3A_78 : vector<1x16xf32> to vector<16xf32>
      %get3A_80 = arith.index_cast %scan3A_76 : i32 to index
      %get3A_81 = arith.constant 0 : index
      %get3A_82 = tpu.vector_load %arg16[%get3A_80, %get3A_81] {strides = array<i32>} : memref<16x64xf32, #tpu.memory_space<vmem>>, vector<1x16xf32>,
      %get3A_83 = vector.shape_cast %get3A_82 : vector<1x16xf32> to vector<16xf32>
      %add3A_84 = arith.addf %get3A_79, %get3A_83 : vector<16xf32>
      %max3A = arith.constant 0.000000e+00 : f32
      %max3A_85 = vector.broadcast %max3A : f32 to vector<16xf32>
      %max3A_86 = arith.maximumf %add3A_84, %max3A_85 : vector<16xf32>
      %swap3A = arith.index_cast %scan3A_76 : i32 to index
      %swap3A_87 = arith.constant 0 : index
      %swap3A_88 = tpu.vector_load %arg15[%swap3A, %swap3A_87] {strides = array<i32>} : memref<16x64xf32, #tpu.memory_space<vmem>>, vector<1x16xf32>,
      %swap3A_89 = vector.shape_cast %swap3A_88 : vector<1x16xf32> to vector<16xf32>
      %swap3A_90 = vector.shape_cast %max3A_86 : vector<16xf32> to vector<1x16xf32>
      tpu.vector_store %arg15[%swap3A, %swap3A_87], %swap3A_90 {strides = array<i32>} : memref<16x64xf32, #tpu.memory_space<vmem>>, vector<1x16xf32>,
      %get3A_91 = arith.index_cast %scan3A_76 : i32 to index
      %get3A_92 = arith.constant 16 : index
      %get3A_93 = tpu.vector_load %arg15[%get3A_91, %get3A_92] {strides = array<i32>} : memref<16x64xf32, #tpu.memory_space<vmem>>, vector<1x16xf32>,
      %get3A_94 = vector.shape_cast %get3A_93 : vector<1x16xf32> to vector<16xf32>
      %get3A_95 = arith.index_cast %scan3A_76 : i32 to index
      %get3A_96 = arith.constant 16 : index
      %get3A_97 = tpu.vector_load %arg16[%get3A_95, %get3A_96] {strides = array<i32>} : memref<16x64xf32, #tpu.memory_space<vmem>>, vector<1x16xf32>,
      %get3A_98 = vector.shape_cast %get3A_97 : vector<1x16xf32> to vector<16xf32>
      %add3A_99 = arith.addf %get3A_94, %get3A_98 : vector<16xf32>
      %max3A_100 = arith.constant 0.000000e+00 : f32
      %max3A_101 = vector.broadcast %max3A_100 : f32 to vector<16xf32>
      %max3A_102 = arith.maximumf %add3A_99, %max3A_101 : vector<16xf32>
      %swap3A_103 = arith.index_cast %scan3A_76 : i32 to index
      %swap3A_104 = arith.constant 16 : index
      %swap3A_105 = tpu.vector_load %arg15[%swap3A_103, %swap3A_104] {strides = array<i32>} : memref<16x64xf32, #tpu.memory_space<vmem>>, vector<1x16xf32>,
      %swap3A_106 = vector.shape_cast %swap3A_105 : vector<1x16xf32> to vector<16xf32>
      %swap3A_107 = vector.shape_cast %max3A_102 : vector<16xf32> to vector<1x16xf32>
      tpu.vector_store %arg15[%swap3A_103, %swap3A_104], %swap3A_107 {strides = array<i32>} : memref<16x64xf32, #tpu.memory_space<vmem>>, vector<1x16xf32>,
      %get3A_108 = arith.index_cast %scan3A_76 : i32 to index
      %get3A_109 = arith.constant 32 : index
      %get3A_110 = tpu.vector_load %arg15[%get3A_108, %get3A_109] {strides = array<i32>} : memref<16x64xf32, #tpu.memory_space<vmem>>, vector<1x16xf32>,
      %get3A_111 = vector.shape_cast %get3A_110 : vector<1x16xf32> to vector<16xf32>
      %get3A_112 = arith.index_cast %scan3A_76 : i32 to index
      %get3A_113 = arith.constant 32 : index
      %get3A_114 = tpu.vector_load %arg16[%get3A_112, %get3A_113] {strides = array<i32>} : memref<16x64xf32, #tpu.memory_space<vmem>>, vector<1x16xf32>,
      %get3A_115 = vector.shape_cast %get3A_114 : vector<1x16xf32> to vector<16xf32>
      %add3A_116 = arith.addf %get3A_111, %get3A_115 : vector<16xf32>
      %max3A_117 = arith.constant 0.000000e+00 : f32
      %max3A_118 = vector.broadcast %max3A_117 : f32 to vector<16xf32>
      %max3A_119 = arith.maximumf %add3A_116, %max3A_118 : vector<16xf32>
      %swap3A_120 = arith.index_cast %scan3A_76 : i32 to index
      %swap3A_121 = arith.constant 32 : index
      %swap3A_122 = tpu.vector_load %arg15[%swap3A_120, %swap3A_121] {strides = array<i32>} : memref<16x64xf32, #tpu.memory_space<vmem>>, vector<1x16xf32>,
      %swap3A_123 = vector.shape_cast %swap3A_122 : vector<1x16xf32> to vector<16xf32>
      %swap3A_124 = vector.shape_cast %max3A_119 : vector<16xf32> to vector<1x16xf32>
      tpu.vector_store %arg15[%swap3A_120, %swap3A_121], %swap3A_124 {strides = array<i32>} : memref<16x64xf32, #tpu.memory_space<vmem>>, vector<1x16xf32>,
      %get3A_125 = arith.index_cast %scan3A_76 : i32 to index
      %get3A_126 = arith.constant 48 : index
      %get3A_127 = tpu.vector_load %arg15[%get3A_125, %get3A_126] {strides = array<i32>} : memref<16x64xf32, #tpu.memory_space<vmem>>, vector<1x16xf32>,
      %get3A_128 = vector.shape_cast %get3A_127 : vector<1x16xf32> to vector<16xf32>
      %get3A_129 = arith.index_cast %scan3A_76 : i32 to index
      %get3A_130 = arith.constant 48 : index
      %get3A_131 = tpu.vector_load %arg16[%get3A_129, %get3A_130] {strides = array<i32>} : memref<16x64xf32, #tpu.memory_space<vmem>>, vector<1x16xf32>,
      %get3A_132 = vector.shape_cast %get3A_131 : vector<1x16xf32> to vector<16xf32>
      %add3A_133 = arith.addf %get3A_128, %get3A_132 : vector<16xf32>
      %max3A_134 = arith.constant 0.000000e+00 : f32
      %max3A_135 = vector.broadcast %max3A_134 : f32 to vector<16xf32>
      %max3A_136 = arith.maximumf %add3A_133, %max3A_135 : vector<16xf32>
      %swap3A_137 = arith.index_cast %scan3A_76 : i32 to index
      %swap3A_138 = arith.constant 48 : index
      %swap3A_139 = tpu.vector_load %arg15[%swap3A_137, %swap3A_138] {strides = array<i32>} : memref<16x64xf32, #tpu.memory_space<vmem>>, vector<1x16xf32>,
      %swap3A_140 = vector.shape_cast %swap3A_139 : vector<1x16xf32> to vector<16xf32>
      %swap3A_141 = vector.shape_cast %max3A_136 : vector<16xf32> to vector<1x16xf32>
      tpu.vector_store %arg15[%swap3A_137, %swap3A_138], %swap3A_141 {strides = array<i32>} : memref<16x64xf32, #tpu.memory_space<vmem>>, vector<1x16xf32>,
    }
    %scan3A_54 = arith.constant 16 : i32
    "tpu.region"() ({
      %run_scoped3A = tpu.sem_alloc : memref<!tpu.dma_semaphore, #tpu.memory_space<semaphore_mem>>
      %dma_start3A_76 = arith.constant 0 : i32
      %dma_start3A_77 = arith.constant 0 : i32
      %dma_start3A_78 = tpu.memref_slice %arg17[%dma_start3A_76, %dma_start3A_77] : memref<10240x64xf32, #tpu.memory_space<vmem_shared>> -> memref<10240x64xf32, #tpu.memory_space<vmem_shared>>
      tpu.enqueue_indirect_dma source(%arg15 : memref<16x64xf32, #tpu.memory_space<vmem>>) target(%dma_start3A_78 : memref<10240x64xf32, #tpu.memory_space<vmem_shared>>) offsets(%arg11 : memref<16xi32, #tpu.memory_space<vmem>>) semaphore(%run_scoped3A : memref<!tpu.dma_semaphore, #tpu.memory_space<semaphore_mem>>) {add = true}
      %dma_wait3A_79 = arith.constant 0 : i32
      %dma_wait3A_80 = arith.constant 0 : i32
      %dma_wait3A_81 = tpu.memref_slice %arg17[%dma_wait3A_79, %dma_wait3A_80] : memref<10240x64xf32, #tpu.memory_space<vmem_shared>> -> memref<10240x64xf32, #tpu.memory_space<vmem_shared>>
      tpu.wait_indirect_dma semaphore(%run_scoped3A : memref<!tpu.dma_semaphore, #tpu.memory_space<semaphore_mem>>) src(%arg15 : memref<16x64xf32, #tpu.memory_space<vmem>>) dst(%dma_wait3A_81 : memref<10240x64xf32, #tpu.memory_space<vmem_shared>>)
      tpu.yield
    }) : () -> ()
    %barrier3A_55 = arith.constant 0 : index
    tpu.barrier barrier_id(%barrier3A_55)
    %mul3A_56 = arith.constant 640 : i32
    %mul3A_57 = arith.muli %arg1, %mul3A_56 : i32
    %add3A_58 = arith.constant 0 : i32
    %add3A_59 = arith.addi %mul3A_57, %add3A_58 : i32
    "tpu.region"() ({
      %run_scoped3A = tpu.sem_alloc : memref<!tpu.dma_semaphore, #tpu.memory_space<semaphore_mem>>
      %dma_start3A_76 = arith.constant 0 : i32
      %dma_start3A_77 = tpu.memref_slice %arg6[%arg0, %add3A_59, %dma_start3A_76] : memref<2x10240x64xf32, #tpu.memory_space<hbm>> -> memref<1x128x64xf32, #tpu.memory_space<hbm>>
      %dma_start3A_78 = tpu.memref_squeeze %dma_start3A_77 : memref<1x128x64xf32, #tpu.memory_space<hbm>> -> memref<128x64xf32, #tpu.memory_space<hbm>>
      %dma_start3A_79 = arith.constant 0 : i32
      %dma_start3A_80 = tpu.memref_slice %arg17[%add3A_59, %dma_start3A_79] : memref<10240x64xf32, #tpu.memory_space<vmem_shared>> -> memref<128x64xf32, #tpu.memory_space<vmem_shared>>
      tpu.enqueue_dma source(%dma_start3A_80 : memref<128x64xf32, #tpu.memory_space<vmem_shared>>) target(%dma_start3A_78 : memref<128x64xf32, #tpu.memory_space<hbm>>) target_semaphore(%run_scoped3A : memref<!tpu.dma_semaphore, #tpu.memory_space<semaphore_mem>>)
      %dma_wait3A_81 = arith.constant 0 : i32
      %dma_wait3A_82 = tpu.memref_slice %arg6[%arg0, %add3A_59, %dma_wait3A_81] : memref<2x10240x64xf32, #tpu.memory_space<hbm>> -> memref<1x128x64xf32, #tpu.memory_space<hbm>>
      %dma_wait3A_83 = tpu.memref_squeeze %dma_wait3A_82 : memref<1x128x64xf32, #tpu.memory_space<hbm>> -> memref<128x64xf32, #tpu.memory_space<hbm>>
      %dma_wait3A_84 = arith.constant 0 : i32
      %dma_wait3A_85 = tpu.memref_slice %arg17[%add3A_59, %dma_wait3A_84] : memref<10240x64xf32, #tpu.memory_space<vmem_shared>> -> memref<128x64xf32, #tpu.memory_space<vmem_shared>>
      tpu.wait_dma2 semaphore(%run_scoped3A : memref<!tpu.dma_semaphore, #tpu.memory_space<semaphore_mem>>) src(%dma_wait3A_85 : memref<128x64xf32, #tpu.memory_space<vmem_shared>>) dst(%dma_wait3A_83 : memref<128x64xf32, #tpu.memory_space<hbm>>)
      tpu.yield
    }) : () -> ()
    %mul3A_60 = arith.constant 640 : i32
    %mul3A_61 = arith.muli %arg1, %mul3A_60 : i32
    %add3A_62 = arith.constant 128 : i32
    %add3A_63 = arith.addi %mul3A_61, %add3A_62 : i32
    "tpu.region"() ({
      %run_scoped3A = tpu.sem_alloc : memref<!tpu.dma_semaphore, #tpu.memory_space<semaphore_mem>>
      %dma_start3A_76 = arith.constant 0 : i32
      %dma_start3A_77 = tpu.memref_slice %arg6[%arg0, %add3A_63, %dma_start3A_76] : memref<2x10240x64xf32, #tpu.memory_space<hbm>> -> memref<1x128x64xf32, #tpu.memory_space<hbm>>
      %dma_start3A_78 = tpu.memref_squeeze %dma_start3A_77 : memref<1x128x64xf32, #tpu.memory_space<hbm>> -> memref<128x64xf32, #tpu.memory_space<hbm>>
      %dma_start3A_79 = arith.constant 0 : i32
      %dma_start3A_80 = tpu.memref_slice %arg17[%add3A_63, %dma_start3A_79] : memref<10240x64xf32, #tpu.memory_space<vmem_shared>> -> memref<128x64xf32, #tpu.memory_space<vmem_shared>>
      tpu.enqueue_dma source(%dma_start3A_80 : memref<128x64xf32, #tpu.memory_space<vmem_shared>>) target(%dma_start3A_78 : memref<128x64xf32, #tpu.memory_space<hbm>>) target_semaphore(%run_scoped3A : memref<!tpu.dma_semaphore, #tpu.memory_space<semaphore_mem>>)
      %dma_wait3A_81 = arith.constant 0 : i32
      %dma_wait3A_82 = tpu.memref_slice %arg6[%arg0, %add3A_63, %dma_wait3A_81] : memref<2x10240x64xf32, #tpu.memory_space<hbm>> -> memref<1x128x64xf32, #tpu.memory_space<hbm>>
      %dma_wait3A_83 = tpu.memref_squeeze %dma_wait3A_82 : memref<1x128x64xf32, #tpu.memory_space<hbm>> -> memref<128x64xf32, #tpu.memory_space<hbm>>
      %dma_wait3A_84 = arith.constant 0 : i32
      %dma_wait3A_85 = tpu.memref_slice %arg17[%add3A_63, %dma_wait3A_84] : memref<10240x64xf32, #tpu.memory_space<vmem_shared>> -> memref<128x64xf32, #tpu.memory_space<vmem_shared>>
      tpu.wait_dma2 semaphore(%run_scoped3A : memref<!tpu.dma_semaphore, #tpu.memory_space<semaphore_mem>>) src(%dma_wait3A_85 : memref<128x64xf32, #tpu.memory_space<vmem_shared>>) dst(%dma_wait3A_83 : memref<128x64xf32, #tpu.memory_space<hbm>>)
      tpu.yield
    }) : () -> ()
    %mul3A_64 = arith.constant 640 : i32
    %mul3A_65 = arith.muli %arg1, %mul3A_64 : i32
    %add3A_66 = arith.constant 256 : i32
    %add3A_67 = arith.addi %mul3A_65, %add3A_66 : i32
    "tpu.region"() ({
      %run_scoped3A = tpu.sem_alloc : memref<!tpu.dma_semaphore, #tpu.memory_space<semaphore_mem>>
      %dma_start3A_76 = arith.constant 0 : i32
      %dma_start3A_77 = tpu.memref_slice %arg6[%arg0, %add3A_67, %dma_start3A_76] : memref<2x10240x64xf32, #tpu.memory_space<hbm>> -> memref<1x128x64xf32, #tpu.memory_space<hbm>>
      %dma_start3A_78 = tpu.memref_squeeze %dma_start3A_77 : memref<1x128x64xf32, #tpu.memory_space<hbm>> -> memref<128x64xf32, #tpu.memory_space<hbm>>
      %dma_start3A_79 = arith.constant 0 : i32
      %dma_start3A_80 = tpu.memref_slice %arg17[%add3A_67, %dma_start3A_79] : memref<10240x64xf32, #tpu.memory_space<vmem_shared>> -> memref<128x64xf32, #tpu.memory_space<vmem_shared>>
      tpu.enqueue_dma source(%dma_start3A_80 : memref<128x64xf32, #tpu.memory_space<vmem_shared>>) target(%dma_start3A_78 : memref<128x64xf32, #tpu.memory_space<hbm>>) target_semaphore(%run_scoped3A : memref<!tpu.dma_semaphore, #tpu.memory_space<semaphore_mem>>)
      %dma_wait3A_81 = arith.constant 0 : i32
      %dma_wait3A_82 = tpu.memref_slice %arg6[%arg0, %add3A_67, %dma_wait3A_81] : memref<2x10240x64xf32, #tpu.memory_space<hbm>> -> memref<1x128x64xf32, #tpu.memory_space<hbm>>
      %dma_wait3A_83 = tpu.memref_squeeze %dma_wait3A_82 : memref<1x128x64xf32, #tpu.memory_space<hbm>> -> memref<128x64xf32, #tpu.memory_space<hbm>>
      %dma_wait3A_84 = arith.constant 0 : i32
      %dma_wait3A_85 = tpu.memref_slice %arg17[%add3A_67, %dma_wait3A_84] : memref<10240x64xf32, #tpu.memory_space<vmem_shared>> -> memref<128x64xf32, #tpu.memory_space<vmem_shared>>
      tpu.wait_dma2 semaphore(%run_scoped3A : memref<!tpu.dma_semaphore, #tpu.memory_space<semaphore_mem>>) src(%dma_wait3A_85 : memref<128x64xf32, #tpu.memory_space<vmem_shared>>) dst(%dma_wait3A_83 : memref<128x64xf32, #tpu.memory_space<hbm>>)
      tpu.yield
    }) : () -> ()
    %mul3A_68 = arith.constant 640 : i32
    %mul3A_69 = arith.muli %arg1, %mul3A_68 : i32
    %add3A_70 = arith.constant 384 : i32
    %add3A_71 = arith.addi %mul3A_69, %add3A_70 : i32
    "tpu.region"() ({
      %run_scoped3A = tpu.sem_alloc : memref<!tpu.dma_semaphore, #tpu.memory_space<semaphore_mem>>
      %dma_start3A_76 = arith.constant 0 : i32
      %dma_start3A_77 = tpu.memref_slice %arg6[%arg0, %add3A_71, %dma_start3A_76] : memref<2x10240x64xf32, #tpu.memory_space<hbm>> -> memref<1x128x64xf32, #tpu.memory_space<hbm>>
      %dma_start3A_78 = tpu.memref_squeeze %dma_start3A_77 : memref<1x128x64xf32, #tpu.memory_space<hbm>> -> memref<128x64xf32, #tpu.memory_space<hbm>>
      %dma_start3A_79 = arith.constant 0 : i32
      %dma_start3A_80 = tpu.memref_slice %arg17[%add3A_71, %dma_start3A_79] : memref<10240x64xf32, #tpu.memory_space<vmem_shared>> -> memref<128x64xf32, #tpu.memory_space<vmem_shared>>
      tpu.enqueue_dma source(%dma_start3A_80 : memref<128x64xf32, #tpu.memory_space<vmem_shared>>) target(%dma_start3A_78 : memref<128x64xf32, #tpu.memory_space<hbm>>) target_semaphore(%run_scoped3A : memref<!tpu.dma_semaphore, #tpu.memory_space<semaphore_mem>>)
      %dma_wait3A_81 = arith.constant 0 : i32
      %dma_wait3A_82 = tpu.memref_slice %arg6[%arg0, %add3A_71, %dma_wait3A_81] : memref<2x10240x64xf32, #tpu.memory_space<hbm>> -> memref<1x128x64xf32, #tpu.memory_space<hbm>>
      %dma_wait3A_83 = tpu.memref_squeeze %dma_wait3A_82 : memref<1x128x64xf32, #tpu.memory_space<hbm>> -> memref<128x64xf32, #tpu.memory_space<hbm>>
      %dma_wait3A_84 = arith.constant 0 : i32
      %dma_wait3A_85 = tpu.memref_slice %arg17[%add3A_71, %dma_wait3A_84] : memref<10240x64xf32, #tpu.memory_space<vmem_shared>> -> memref<128x64xf32, #tpu.memory_space<vmem_shared>>
      tpu.wait_dma2 semaphore(%run_scoped3A : memref<!tpu.dma_semaphore, #tpu.memory_space<semaphore_mem>>) src(%dma_wait3A_85 : memref<128x64xf32, #tpu.memory_space<vmem_shared>>) dst(%dma_wait3A_83 : memref<128x64xf32, #tpu.memory_space<hbm>>)
      tpu.yield
    }) : () -> ()
    %mul3A_72 = arith.constant 640 : i32
    %mul3A_73 = arith.muli %arg1, %mul3A_72 : i32
    %add3A_74 = arith.constant 512 : i32
    %add3A_75 = arith.addi %mul3A_73, %add3A_74 : i32
    "tpu.region"() ({
      %run_scoped3A = tpu.sem_alloc : memref<!tpu.dma_semaphore, #tpu.memory_space<semaphore_mem>>
      %dma_start3A_76 = arith.constant 0 : i32
      %dma_start3A_77 = tpu.memref_slice %arg6[%arg0, %add3A_75, %dma_start3A_76] : memref<2x10240x64xf32, #tpu.memory_space<hbm>> -> memref<1x128x64xf32, #tpu.memory_space<hbm>>
      %dma_start3A_78 = tpu.memref_squeeze %dma_start3A_77 : memref<1x128x64xf32, #tpu.memory_space<hbm>> -> memref<128x64xf32, #tpu.memory_space<hbm>>
      %dma_start3A_79 = arith.constant 0 : i32
      %dma_start3A_80 = tpu.memref_slice %arg17[%add3A_75, %dma_start3A_79] : memref<10240x64xf32, #tpu.memory_space<vmem_shared>> -> memref<128x64xf32, #tpu.memory_space<vmem_shared>>
      tpu.enqueue_dma source(%dma_start3A_80 : memref<128x64xf32, #tpu.memory_space<vmem_shared>>) target(%dma_start3A_78 : memref<128x64xf32, #tpu.memory_space<hbm>>) target_semaphore(%run_scoped3A : memref<!tpu.dma_semaphore, #tpu.memory_space<semaphore_mem>>)
      %dma_wait3A_81 = arith.constant 0 : i32
      %dma_wait3A_82 = tpu.memref_slice %arg6[%arg0, %add3A_75, %dma_wait3A_81] : memref<2x10240x64xf32, #tpu.memory_space<hbm>> -> memref<1x128x64xf32, #tpu.memory_space<hbm>>
      %dma_wait3A_83 = tpu.memref_squeeze %dma_wait3A_82 : memref<1x128x64xf32, #tpu.memory_space<hbm>> -> memref<128x64xf32, #tpu.memory_space<hbm>>
      %dma_wait3A_84 = arith.constant 0 : i32
      %dma_wait3A_85 = tpu.memref_slice %arg17[%add3A_75, %dma_wait3A_84] : memref<10240x64xf32, #tpu.memory_space<vmem_shared>> -> memref<128x64xf32, #tpu.memory_space<vmem_shared>>
      tpu.wait_dma2 semaphore(%run_scoped3A : memref<!tpu.dma_semaphore, #tpu.memory_space<semaphore_mem>>) src(%dma_wait3A_85 : memref<128x64xf32, #tpu.memory_space<vmem_shared>>) dst(%dma_wait3A_83 : memref<128x64xf32, #tpu.memory_space<hbm>>)
      tpu.yield
    }) : () -> ()
    return
  }
}

#map = affine_map<(d0, d1) -> (0, 0)>
#map1 = affine_map<(d0, d1) -> (0)>
#map2 = affine_map<(d0, d1) -> (0, 0, 0)>
module attributes {stable_mosaic.version = 14 : i64} {
  func.func @sc_edge_d128(%arg0: i32, %arg1: i32, %arg2: memref<10000x128xf32, #tpu.memory_space<hbm>>, %arg3: memref<10000x128xf32, #tpu.memory_space<hbm>>, %arg4: memref<320000xi32, #tpu.memory_space<hbm>>, %arg5: memref<320000xi32, #tpu.memory_space<hbm>>, %arg6: memref<2x10240x128xf32, #tpu.memory_space<hbm>>, %arg7: memref<2x10240xf32, #tpu.memory_space<hbm>>, %arg8: memref<128xi32, #tpu.memory_space<vmem>>, %arg9: memref<128xi32, #tpu.memory_space<vmem>>, %arg10: memref<128xi32, #tpu.memory_space<vmem>>, %arg11: memref<128xi32, #tpu.memory_space<vmem>>, %arg12: memref<16xi32, #tpu.memory_space<vmem>>, %arg13: memref<16xi32, #tpu.memory_space<vmem>>, %arg14: memref<128x128xf32, #tpu.memory_space<vmem>>, %arg15: memref<128x128xf32, #tpu.memory_space<vmem>>, %arg16: memref<16x128xf32, #tpu.memory_space<vmem>>, %arg17: memref<16x128xf32, #tpu.memory_space<vmem>>, %arg18: memref<128xf32, #tpu.memory_space<vmem>>, %arg19: memref<16xf32, #tpu.memory_space<vmem>>, %arg20: memref<10240x128xf32, #tpu.memory_space<vmem_shared>>, %arg21: memref<10240xf32, #tpu.memory_space<vmem_shared>>, %arg22: memref<!tpu.dma_semaphore, #tpu.memory_space<semaphore_mem>>, %arg23: memref<!tpu.dma_semaphore, #tpu.memory_space<semaphore_mem>>, %arg24: memref<!tpu.dma_semaphore, #tpu.memory_space<semaphore_mem>>, %arg25: memref<!tpu.dma_semaphore, #tpu.memory_space<semaphore_mem>>) attributes {dimension_semantics = [#tpu.dimension_semantics<core_parallel>, #tpu.dimension_semantics<subcore_parallel>], iteration_bounds = array<i64: 2, 16>, scalar_prefetch = 0 : i64, scratch_operands = 18 : i64, tpu.core_type = #tpu.core_type<sc_vector_subcore>, window_params = [{transform_indices = #map}, {transform_indices = #map}, {transform_indices = #map1}, {transform_indices = #map1}, {transform_indices = #map2}, {transform_indices = #map}]} {
    %mul3A = arith.constant 2 : i32
    %mul3A_0 = arith.muli %arg1, %mul3A : i32
    %add3A = arith.addi %mul3A_0, %arg0 : i32
    %broadcast_in_dim3A = arith.constant 0.000000e+00 : f32
    %broadcast_in_dim3A_1 = vector.broadcast %broadcast_in_dim3A : f32 to vector<16xf32>
    %broadcast_in_dim3A_2 = arith.constant 1.000000e+00 : f32
    %broadcast_in_dim3A_3 = vector.broadcast %broadcast_in_dim3A_2 : f32 to vector<16xf32>
    %scan3A = arith.constant 0 : i32
    %scan3A_4 = arith.constant 0 : i32
    %scan3A_5 = arith.constant 128 : i32
    %scan3A_6 = arith.addi %scan3A_4, %scan3A_5 : i32
    %scan3A_7 = arith.constant 1 : i32
    scf.for %scan3A_143 = %scan3A_4 to %scan3A_6 step %scan3A_7  : i32 {
      %swap3A_144 = arith.index_cast %scan3A_143 : i32 to index
      %swap3A_145 = arith.constant 0 : index
      %swap3A_146 = tpu.vector_load %arg14[%swap3A_144, %swap3A_145] {strides = array<i32>} : memref<128x128xf32, #tpu.memory_space<vmem>>, vector<1x16xf32>,
      %swap3A_147 = vector.shape_cast %swap3A_146 : vector<1x16xf32> to vector<16xf32>
      %swap3A_148 = vector.shape_cast %broadcast_in_dim3A_1 : vector<16xf32> to vector<1x16xf32>
      tpu.vector_store %arg14[%swap3A_144, %swap3A_145], %swap3A_148 {strides = array<i32>} : memref<128x128xf32, #tpu.memory_space<vmem>>, vector<1x16xf32>,
      %swap3A_149 = arith.index_cast %scan3A_143 : i32 to index
      %swap3A_150 = arith.constant 16 : index
      %swap3A_151 = tpu.vector_load %arg14[%swap3A_149, %swap3A_150] {strides = array<i32>} : memref<128x128xf32, #tpu.memory_space<vmem>>, vector<1x16xf32>,
      %swap3A_152 = vector.shape_cast %swap3A_151 : vector<1x16xf32> to vector<16xf32>
      %swap3A_153 = vector.shape_cast %broadcast_in_dim3A_1 : vector<16xf32> to vector<1x16xf32>
      tpu.vector_store %arg14[%swap3A_149, %swap3A_150], %swap3A_153 {strides = array<i32>} : memref<128x128xf32, #tpu.memory_space<vmem>>, vector<1x16xf32>,
      %swap3A_154 = arith.index_cast %scan3A_143 : i32 to index
      %swap3A_155 = arith.constant 32 : index
      %swap3A_156 = tpu.vector_load %arg14[%swap3A_154, %swap3A_155] {strides = array<i32>} : memref<128x128xf32, #tpu.memory_space<vmem>>, vector<1x16xf32>,
      %swap3A_157 = vector.shape_cast %swap3A_156 : vector<1x16xf32> to vector<16xf32>
      %swap3A_158 = vector.shape_cast %broadcast_in_dim3A_1 : vector<16xf32> to vector<1x16xf32>
      tpu.vector_store %arg14[%swap3A_154, %swap3A_155], %swap3A_158 {strides = array<i32>} : memref<128x128xf32, #tpu.memory_space<vmem>>, vector<1x16xf32>,
      %swap3A_159 = arith.index_cast %scan3A_143 : i32 to index
      %swap3A_160 = arith.constant 48 : index
      %swap3A_161 = tpu.vector_load %arg14[%swap3A_159, %swap3A_160] {strides = array<i32>} : memref<128x128xf32, #tpu.memory_space<vmem>>, vector<1x16xf32>,
      %swap3A_162 = vector.shape_cast %swap3A_161 : vector<1x16xf32> to vector<16xf32>
      %swap3A_163 = vector.shape_cast %broadcast_in_dim3A_1 : vector<16xf32> to vector<1x16xf32>
      tpu.vector_store %arg14[%swap3A_159, %swap3A_160], %swap3A_163 {strides = array<i32>} : memref<128x128xf32, #tpu.memory_space<vmem>>, vector<1x16xf32>,
      %swap3A_164 = arith.index_cast %scan3A_143 : i32 to index
      %swap3A_165 = arith.constant 64 : index
      %swap3A_166 = tpu.vector_load %arg14[%swap3A_164, %swap3A_165] {strides = array<i32>} : memref<128x128xf32, #tpu.memory_space<vmem>>, vector<1x16xf32>,
      %swap3A_167 = vector.shape_cast %swap3A_166 : vector<1x16xf32> to vector<16xf32>
      %swap3A_168 = vector.shape_cast %broadcast_in_dim3A_1 : vector<16xf32> to vector<1x16xf32>
      tpu.vector_store %arg14[%swap3A_164, %swap3A_165], %swap3A_168 {strides = array<i32>} : memref<128x128xf32, #tpu.memory_space<vmem>>, vector<1x16xf32>,
      %swap3A_169 = arith.index_cast %scan3A_143 : i32 to index
      %swap3A_170 = arith.constant 80 : index
      %swap3A_171 = tpu.vector_load %arg14[%swap3A_169, %swap3A_170] {strides = array<i32>} : memref<128x128xf32, #tpu.memory_space<vmem>>, vector<1x16xf32>,
      %swap3A_172 = vector.shape_cast %swap3A_171 : vector<1x16xf32> to vector<16xf32>
      %swap3A_173 = vector.shape_cast %broadcast_in_dim3A_1 : vector<16xf32> to vector<1x16xf32>
      tpu.vector_store %arg14[%swap3A_169, %swap3A_170], %swap3A_173 {strides = array<i32>} : memref<128x128xf32, #tpu.memory_space<vmem>>, vector<1x16xf32>,
      %swap3A_174 = arith.index_cast %scan3A_143 : i32 to index
      %swap3A_175 = arith.constant 96 : index
      %swap3A_176 = tpu.vector_load %arg14[%swap3A_174, %swap3A_175] {strides = array<i32>} : memref<128x128xf32, #tpu.memory_space<vmem>>, vector<1x16xf32>,
      %swap3A_177 = vector.shape_cast %swap3A_176 : vector<1x16xf32> to vector<16xf32>
      %swap3A_178 = vector.shape_cast %broadcast_in_dim3A_1 : vector<16xf32> to vector<1x16xf32>
      tpu.vector_store %arg14[%swap3A_174, %swap3A_175], %swap3A_178 {strides = array<i32>} : memref<128x128xf32, #tpu.memory_space<vmem>>, vector<1x16xf32>,
      %swap3A_179 = arith.index_cast %scan3A_143 : i32 to index
      %swap3A_180 = arith.constant 112 : index
      %swap3A_181 = tpu.vector_load %arg14[%swap3A_179, %swap3A_180] {strides = array<i32>} : memref<128x128xf32, #tpu.memory_space<vmem>>, vector<1x16xf32>,
      %swap3A_182 = vector.shape_cast %swap3A_181 : vector<1x16xf32> to vector<16xf32>
      %swap3A_183 = vector.shape_cast %broadcast_in_dim3A_1 : vector<16xf32> to vector<1x16xf32>
      tpu.vector_store %arg14[%swap3A_179, %swap3A_180], %swap3A_183 {strides = array<i32>} : memref<128x128xf32, #tpu.memory_space<vmem>>, vector<1x16xf32>,
    }
    %scan3A_8 = arith.constant 128 : i32
    %swap3A = arith.constant 0 : index
    %swap3A_9 = tpu.vector_load %arg18[%swap3A] {strides = array<i32>} : memref<128xf32, #tpu.memory_space<vmem>>, vector<16xf32>,
    %swap3A_10 = vector.shape_cast %swap3A_9 : vector<16xf32> to vector<16xf32>
    %swap3A_11 = vector.shape_cast %broadcast_in_dim3A_1 : vector<16xf32> to vector<16xf32>
    tpu.vector_store %arg18[%swap3A], %swap3A_11 {strides = array<i32>} : memref<128xf32, #tpu.memory_space<vmem>>, vector<16xf32>,
    %swap3A_12 = arith.constant 16 : index
    %swap3A_13 = tpu.vector_load %arg18[%swap3A_12] {strides = array<i32>} : memref<128xf32, #tpu.memory_space<vmem>>, vector<16xf32>,
    %swap3A_14 = vector.shape_cast %swap3A_13 : vector<16xf32> to vector<16xf32>
    %swap3A_15 = vector.shape_cast %broadcast_in_dim3A_1 : vector<16xf32> to vector<16xf32>
    tpu.vector_store %arg18[%swap3A_12], %swap3A_15 {strides = array<i32>} : memref<128xf32, #tpu.memory_space<vmem>>, vector<16xf32>,
    %swap3A_16 = arith.constant 32 : index
    %swap3A_17 = tpu.vector_load %arg18[%swap3A_16] {strides = array<i32>} : memref<128xf32, #tpu.memory_space<vmem>>, vector<16xf32>,
    %swap3A_18 = vector.shape_cast %swap3A_17 : vector<16xf32> to vector<16xf32>
    %swap3A_19 = vector.shape_cast %broadcast_in_dim3A_1 : vector<16xf32> to vector<16xf32>
    tpu.vector_store %arg18[%swap3A_16], %swap3A_19 {strides = array<i32>} : memref<128xf32, #tpu.memory_space<vmem>>, vector<16xf32>,
    %swap3A_20 = arith.constant 48 : index
    %swap3A_21 = tpu.vector_load %arg18[%swap3A_20] {strides = array<i32>} : memref<128xf32, #tpu.memory_space<vmem>>, vector<16xf32>,
    %swap3A_22 = vector.shape_cast %swap3A_21 : vector<16xf32> to vector<16xf32>
    %swap3A_23 = vector.shape_cast %broadcast_in_dim3A_1 : vector<16xf32> to vector<16xf32>
    tpu.vector_store %arg18[%swap3A_20], %swap3A_23 {strides = array<i32>} : memref<128xf32, #tpu.memory_space<vmem>>, vector<16xf32>,
    %swap3A_24 = arith.constant 64 : index
    %swap3A_25 = tpu.vector_load %arg18[%swap3A_24] {strides = array<i32>} : memref<128xf32, #tpu.memory_space<vmem>>, vector<16xf32>,
    %swap3A_26 = vector.shape_cast %swap3A_25 : vector<16xf32> to vector<16xf32>
    %swap3A_27 = vector.shape_cast %broadcast_in_dim3A_1 : vector<16xf32> to vector<16xf32>
    tpu.vector_store %arg18[%swap3A_24], %swap3A_27 {strides = array<i32>} : memref<128xf32, #tpu.memory_space<vmem>>, vector<16xf32>,
    %swap3A_28 = arith.constant 80 : index
    %swap3A_29 = tpu.vector_load %arg18[%swap3A_28] {strides = array<i32>} : memref<128xf32, #tpu.memory_space<vmem>>, vector<16xf32>,
    %swap3A_30 = vector.shape_cast %swap3A_29 : vector<16xf32> to vector<16xf32>
    %swap3A_31 = vector.shape_cast %broadcast_in_dim3A_1 : vector<16xf32> to vector<16xf32>
    tpu.vector_store %arg18[%swap3A_28], %swap3A_31 {strides = array<i32>} : memref<128xf32, #tpu.memory_space<vmem>>, vector<16xf32>,
    %swap3A_32 = arith.constant 96 : index
    %swap3A_33 = tpu.vector_load %arg18[%swap3A_32] {strides = array<i32>} : memref<128xf32, #tpu.memory_space<vmem>>, vector<16xf32>,
    %swap3A_34 = vector.shape_cast %swap3A_33 : vector<16xf32> to vector<16xf32>
    %swap3A_35 = vector.shape_cast %broadcast_in_dim3A_1 : vector<16xf32> to vector<16xf32>
    tpu.vector_store %arg18[%swap3A_32], %swap3A_35 {strides = array<i32>} : memref<128xf32, #tpu.memory_space<vmem>>, vector<16xf32>,
    %swap3A_36 = arith.constant 112 : index
    %swap3A_37 = tpu.vector_load %arg18[%swap3A_36] {strides = array<i32>} : memref<128xf32, #tpu.memory_space<vmem>>, vector<16xf32>,
    %swap3A_38 = vector.shape_cast %swap3A_37 : vector<16xf32> to vector<16xf32>
    %swap3A_39 = vector.shape_cast %broadcast_in_dim3A_1 : vector<16xf32> to vector<16xf32>
    tpu.vector_store %arg18[%swap3A_36], %swap3A_39 {strides = array<i32>} : memref<128xf32, #tpu.memory_space<vmem>>, vector<16xf32>,
    %mul3A_40 = arith.constant 640 : i32
    %mul3A_41 = arith.muli %arg1, %mul3A_40 : i32
    %add3A_42 = arith.constant 0 : i32
    %add3A_43 = arith.addi %mul3A_41, %add3A_42 : i32
    "tpu.region"() ({
      %run_scoped3A = tpu.sem_alloc : memref<!tpu.dma_semaphore, #tpu.memory_space<semaphore_mem>>
      %dma_start3A_143 = arith.constant 0 : i32
      %dma_start3A_144 = arith.constant 0 : i32
      %dma_start3A_145 = tpu.memref_slice %arg14[%dma_start3A_143, %dma_start3A_144] : memref<128x128xf32, #tpu.memory_space<vmem>> -> memref<128x128xf32, #tpu.memory_space<vmem>>
      %dma_start3A_146 = arith.constant 0 : i32
      %dma_start3A_147 = tpu.memref_slice %arg20[%add3A_43, %dma_start3A_146] : memref<10240x128xf32, #tpu.memory_space<vmem_shared>> -> memref<128x128xf32, #tpu.memory_space<vmem_shared>>
      %dma_start3A_148 = arith.constant 0 : i32
      %dma_start3A_149 = tpu.memref_slice %arg20[%add3A_43, %dma_start3A_148] : memref<10240x128xf32, #tpu.memory_space<vmem_shared>> -> memref<128x128xf32, #tpu.memory_space<vmem_shared>>
      %dma_start3A_150 = arith.constant 0 : i32
      %dma_start3A_151 = arith.constant 0 : i32
      %dma_start3A_152 = tpu.memref_slice %arg14[%dma_start3A_150, %dma_start3A_151] : memref<128x128xf32, #tpu.memory_space<vmem>> -> memref<128x128xf32, #tpu.memory_space<vmem>>
      tpu.enqueue_dma source(%dma_start3A_152 : memref<128x128xf32, #tpu.memory_space<vmem>>) target(%dma_start3A_149 : memref<128x128xf32, #tpu.memory_space<vmem_shared>>) target_semaphore(%run_scoped3A : memref<!tpu.dma_semaphore, #tpu.memory_space<semaphore_mem>>)
      %dma_wait3A_153 = arith.constant 0 : i32
      %dma_wait3A_154 = arith.constant 0 : i32
      %dma_wait3A_155 = tpu.memref_slice %arg14[%dma_wait3A_153, %dma_wait3A_154] : memref<128x128xf32, #tpu.memory_space<vmem>> -> memref<128x128xf32, #tpu.memory_space<vmem>>
      %dma_wait3A_156 = arith.constant 0 : i32
      %dma_wait3A_157 = tpu.memref_slice %arg20[%add3A_43, %dma_wait3A_156] : memref<10240x128xf32, #tpu.memory_space<vmem_shared>> -> memref<128x128xf32, #tpu.memory_space<vmem_shared>>
      %dma_wait3A_158 = arith.constant 0 : i32
      %dma_wait3A_159 = tpu.memref_slice %arg20[%add3A_43, %dma_wait3A_158] : memref<10240x128xf32, #tpu.memory_space<vmem_shared>> -> memref<128x128xf32, #tpu.memory_space<vmem_shared>>
      %dma_wait3A_160 = arith.constant 0 : i32
      %dma_wait3A_161 = arith.constant 0 : i32
      %dma_wait3A_162 = tpu.memref_slice %arg14[%dma_wait3A_160, %dma_wait3A_161] : memref<128x128xf32, #tpu.memory_space<vmem>> -> memref<128x128xf32, #tpu.memory_space<vmem>>
      tpu.wait_dma2 semaphore(%run_scoped3A : memref<!tpu.dma_semaphore, #tpu.memory_space<semaphore_mem>>) src(%dma_wait3A_162 : memref<128x128xf32, #tpu.memory_space<vmem>>) dst(%dma_wait3A_159 : memref<128x128xf32, #tpu.memory_space<vmem_shared>>)
      tpu.yield
    }) : () -> ()
    "tpu.region"() ({
      %run_scoped3A = tpu.sem_alloc : memref<!tpu.dma_semaphore, #tpu.memory_space<semaphore_mem>>
      %dma_start3A_143 = arith.constant 0 : i32
      %dma_start3A_144 = tpu.memref_slice %arg18[%dma_start3A_143] : memref<128xf32, #tpu.memory_space<vmem>> -> memref<128xf32, #tpu.memory_space<vmem>>
      %dma_start3A_145 = tpu.memref_slice %arg21[%add3A_43] : memref<10240xf32, #tpu.memory_space<vmem_shared>> -> memref<128xf32, #tpu.memory_space<vmem_shared>>
      %dma_start3A_146 = tpu.memref_slice %arg21[%add3A_43] : memref<10240xf32, #tpu.memory_space<vmem_shared>> -> memref<128xf32, #tpu.memory_space<vmem_shared>>
      %dma_start3A_147 = arith.constant 0 : i32
      %dma_start3A_148 = tpu.memref_slice %arg18[%dma_start3A_147] : memref<128xf32, #tpu.memory_space<vmem>> -> memref<128xf32, #tpu.memory_space<vmem>>
      tpu.enqueue_dma source(%dma_start3A_148 : memref<128xf32, #tpu.memory_space<vmem>>) target(%dma_start3A_146 : memref<128xf32, #tpu.memory_space<vmem_shared>>) target_semaphore(%run_scoped3A : memref<!tpu.dma_semaphore, #tpu.memory_space<semaphore_mem>>)
      %dma_wait3A_149 = arith.constant 0 : i32
      %dma_wait3A_150 = tpu.memref_slice %arg18[%dma_wait3A_149] : memref<128xf32, #tpu.memory_space<vmem>> -> memref<128xf32, #tpu.memory_space<vmem>>
      %dma_wait3A_151 = tpu.memref_slice %arg21[%add3A_43] : memref<10240xf32, #tpu.memory_space<vmem_shared>> -> memref<128xf32, #tpu.memory_space<vmem_shared>>
      %dma_wait3A_152 = tpu.memref_slice %arg21[%add3A_43] : memref<10240xf32, #tpu.memory_space<vmem_shared>> -> memref<128xf32, #tpu.memory_space<vmem_shared>>
      %dma_wait3A_153 = arith.constant 0 : i32
      %dma_wait3A_154 = tpu.memref_slice %arg18[%dma_wait3A_153] : memref<128xf32, #tpu.memory_space<vmem>> -> memref<128xf32, #tpu.memory_space<vmem>>
      tpu.wait_dma2 semaphore(%run_scoped3A : memref<!tpu.dma_semaphore, #tpu.memory_space<semaphore_mem>>) src(%dma_wait3A_154 : memref<128xf32, #tpu.memory_space<vmem>>) dst(%dma_wait3A_152 : memref<128xf32, #tpu.memory_space<vmem_shared>>)
      tpu.yield
    }) : () -> ()
    %mul3A_44 = arith.constant 640 : i32
    %mul3A_45 = arith.muli %arg1, %mul3A_44 : i32
    %add3A_46 = arith.constant 128 : i32
    %add3A_47 = arith.addi %mul3A_45, %add3A_46 : i32
    "tpu.region"() ({
      %run_scoped3A = tpu.sem_alloc : memref<!tpu.dma_semaphore, #tpu.memory_space<semaphore_mem>>
      %dma_start3A_143 = arith.constant 0 : i32
      %dma_start3A_144 = arith.constant 0 : i32
      %dma_start3A_145 = tpu.memref_slice %arg14[%dma_start3A_143, %dma_start3A_144] : memref<128x128xf32, #tpu.memory_space<vmem>> -> memref<128x128xf32, #tpu.memory_space<vmem>>
      %dma_start3A_146 = arith.constant 0 : i32
      %dma_start3A_147 = tpu.memref_slice %arg20[%add3A_47, %dma_start3A_146] : memref<10240x128xf32, #tpu.memory_space<vmem_shared>> -> memref<128x128xf32, #tpu.memory_space<vmem_shared>>
      %dma_start3A_148 = arith.constant 0 : i32
      %dma_start3A_149 = tpu.memref_slice %arg20[%add3A_47, %dma_start3A_148] : memref<10240x128xf32, #tpu.memory_space<vmem_shared>> -> memref<128x128xf32, #tpu.memory_space<vmem_shared>>
      %dma_start3A_150 = arith.constant 0 : i32
      %dma_start3A_151 = arith.constant 0 : i32
      %dma_start3A_152 = tpu.memref_slice %arg14[%dma_start3A_150, %dma_start3A_151] : memref<128x128xf32, #tpu.memory_space<vmem>> -> memref<128x128xf32, #tpu.memory_space<vmem>>
      tpu.enqueue_dma source(%dma_start3A_152 : memref<128x128xf32, #tpu.memory_space<vmem>>) target(%dma_start3A_149 : memref<128x128xf32, #tpu.memory_space<vmem_shared>>) target_semaphore(%run_scoped3A : memref<!tpu.dma_semaphore, #tpu.memory_space<semaphore_mem>>)
      %dma_wait3A_153 = arith.constant 0 : i32
      %dma_wait3A_154 = arith.constant 0 : i32
      %dma_wait3A_155 = tpu.memref_slice %arg14[%dma_wait3A_153, %dma_wait3A_154] : memref<128x128xf32, #tpu.memory_space<vmem>> -> memref<128x128xf32, #tpu.memory_space<vmem>>
      %dma_wait3A_156 = arith.constant 0 : i32
      %dma_wait3A_157 = tpu.memref_slice %arg20[%add3A_47, %dma_wait3A_156] : memref<10240x128xf32, #tpu.memory_space<vmem_shared>> -> memref<128x128xf32, #tpu.memory_space<vmem_shared>>
      %dma_wait3A_158 = arith.constant 0 : i32
      %dma_wait3A_159 = tpu.memref_slice %arg20[%add3A_47, %dma_wait3A_158] : memref<10240x128xf32, #tpu.memory_space<vmem_shared>> -> memref<128x128xf32, #tpu.memory_space<vmem_shared>>
      %dma_wait3A_160 = arith.constant 0 : i32
      %dma_wait3A_161 = arith.constant 0 : i32
      %dma_wait3A_162 = tpu.memref_slice %arg14[%dma_wait3A_160, %dma_wait3A_161] : memref<128x128xf32, #tpu.memory_space<vmem>> -> memref<128x128xf32, #tpu.memory_space<vmem>>
      tpu.wait_dma2 semaphore(%run_scoped3A : memref<!tpu.dma_semaphore, #tpu.memory_space<semaphore_mem>>) src(%dma_wait3A_162 : memref<128x128xf32, #tpu.memory_space<vmem>>) dst(%dma_wait3A_159 : memref<128x128xf32, #tpu.memory_space<vmem_shared>>)
      tpu.yield
    }) : () -> ()
    "tpu.region"() ({
      %run_scoped3A = tpu.sem_alloc : memref<!tpu.dma_semaphore, #tpu.memory_space<semaphore_mem>>
      %dma_start3A_143 = arith.constant 0 : i32
      %dma_start3A_144 = tpu.memref_slice %arg18[%dma_start3A_143] : memref<128xf32, #tpu.memory_space<vmem>> -> memref<128xf32, #tpu.memory_space<vmem>>
      %dma_start3A_145 = tpu.memref_slice %arg21[%add3A_47] : memref<10240xf32, #tpu.memory_space<vmem_shared>> -> memref<128xf32, #tpu.memory_space<vmem_shared>>
      %dma_start3A_146 = tpu.memref_slice %arg21[%add3A_47] : memref<10240xf32, #tpu.memory_space<vmem_shared>> -> memref<128xf32, #tpu.memory_space<vmem_shared>>
      %dma_start3A_147 = arith.constant 0 : i32
      %dma_start3A_148 = tpu.memref_slice %arg18[%dma_start3A_147] : memref<128xf32, #tpu.memory_space<vmem>> -> memref<128xf32, #tpu.memory_space<vmem>>
      tpu.enqueue_dma source(%dma_start3A_148 : memref<128xf32, #tpu.memory_space<vmem>>) target(%dma_start3A_146 : memref<128xf32, #tpu.memory_space<vmem_shared>>) target_semaphore(%run_scoped3A : memref<!tpu.dma_semaphore, #tpu.memory_space<semaphore_mem>>)
      %dma_wait3A_149 = arith.constant 0 : i32
      %dma_wait3A_150 = tpu.memref_slice %arg18[%dma_wait3A_149] : memref<128xf32, #tpu.memory_space<vmem>> -> memref<128xf32, #tpu.memory_space<vmem>>
      %dma_wait3A_151 = tpu.memref_slice %arg21[%add3A_47] : memref<10240xf32, #tpu.memory_space<vmem_shared>> -> memref<128xf32, #tpu.memory_space<vmem_shared>>
      %dma_wait3A_152 = tpu.memref_slice %arg21[%add3A_47] : memref<10240xf32, #tpu.memory_space<vmem_shared>> -> memref<128xf32, #tpu.memory_space<vmem_shared>>
      %dma_wait3A_153 = arith.constant 0 : i32
      %dma_wait3A_154 = tpu.memref_slice %arg18[%dma_wait3A_153] : memref<128xf32, #tpu.memory_space<vmem>> -> memref<128xf32, #tpu.memory_space<vmem>>
      tpu.wait_dma2 semaphore(%run_scoped3A : memref<!tpu.dma_semaphore, #tpu.memory_space<semaphore_mem>>) src(%dma_wait3A_154 : memref<128xf32, #tpu.memory_space<vmem>>) dst(%dma_wait3A_152 : memref<128xf32, #tpu.memory_space<vmem_shared>>)
      tpu.yield
    }) : () -> ()
    %mul3A_48 = arith.constant 640 : i32
    %mul3A_49 = arith.muli %arg1, %mul3A_48 : i32
    %add3A_50 = arith.constant 256 : i32
    %add3A_51 = arith.addi %mul3A_49, %add3A_50 : i32
    "tpu.region"() ({
      %run_scoped3A = tpu.sem_alloc : memref<!tpu.dma_semaphore, #tpu.memory_space<semaphore_mem>>
      %dma_start3A_143 = arith.constant 0 : i32
      %dma_start3A_144 = arith.constant 0 : i32
      %dma_start3A_145 = tpu.memref_slice %arg14[%dma_start3A_143, %dma_start3A_144] : memref<128x128xf32, #tpu.memory_space<vmem>> -> memref<128x128xf32, #tpu.memory_space<vmem>>
      %dma_start3A_146 = arith.constant 0 : i32
      %dma_start3A_147 = tpu.memref_slice %arg20[%add3A_51, %dma_start3A_146] : memref<10240x128xf32, #tpu.memory_space<vmem_shared>> -> memref<128x128xf32, #tpu.memory_space<vmem_shared>>
      %dma_start3A_148 = arith.constant 0 : i32
      %dma_start3A_149 = tpu.memref_slice %arg20[%add3A_51, %dma_start3A_148] : memref<10240x128xf32, #tpu.memory_space<vmem_shared>> -> memref<128x128xf32, #tpu.memory_space<vmem_shared>>
      %dma_start3A_150 = arith.constant 0 : i32
      %dma_start3A_151 = arith.constant 0 : i32
      %dma_start3A_152 = tpu.memref_slice %arg14[%dma_start3A_150, %dma_start3A_151] : memref<128x128xf32, #tpu.memory_space<vmem>> -> memref<128x128xf32, #tpu.memory_space<vmem>>
      tpu.enqueue_dma source(%dma_start3A_152 : memref<128x128xf32, #tpu.memory_space<vmem>>) target(%dma_start3A_149 : memref<128x128xf32, #tpu.memory_space<vmem_shared>>) target_semaphore(%run_scoped3A : memref<!tpu.dma_semaphore, #tpu.memory_space<semaphore_mem>>)
      %dma_wait3A_153 = arith.constant 0 : i32
      %dma_wait3A_154 = arith.constant 0 : i32
      %dma_wait3A_155 = tpu.memref_slice %arg14[%dma_wait3A_153, %dma_wait3A_154] : memref<128x128xf32, #tpu.memory_space<vmem>> -> memref<128x128xf32, #tpu.memory_space<vmem>>
      %dma_wait3A_156 = arith.constant 0 : i32
      %dma_wait3A_157 = tpu.memref_slice %arg20[%add3A_51, %dma_wait3A_156] : memref<10240x128xf32, #tpu.memory_space<vmem_shared>> -> memref<128x128xf32, #tpu.memory_space<vmem_shared>>
      %dma_wait3A_158 = arith.constant 0 : i32
      %dma_wait3A_159 = tpu.memref_slice %arg20[%add3A_51, %dma_wait3A_158] : memref<10240x128xf32, #tpu.memory_space<vmem_shared>> -> memref<128x128xf32, #tpu.memory_space<vmem_shared>>
      %dma_wait3A_160 = arith.constant 0 : i32
      %dma_wait3A_161 = arith.constant 0 : i32
      %dma_wait3A_162 = tpu.memref_slice %arg14[%dma_wait3A_160, %dma_wait3A_161] : memref<128x128xf32, #tpu.memory_space<vmem>> -> memref<128x128xf32, #tpu.memory_space<vmem>>
      tpu.wait_dma2 semaphore(%run_scoped3A : memref<!tpu.dma_semaphore, #tpu.memory_space<semaphore_mem>>) src(%dma_wait3A_162 : memref<128x128xf32, #tpu.memory_space<vmem>>) dst(%dma_wait3A_159 : memref<128x128xf32, #tpu.memory_space<vmem_shared>>)
      tpu.yield
    }) : () -> ()
    "tpu.region"() ({
      %run_scoped3A = tpu.sem_alloc : memref<!tpu.dma_semaphore, #tpu.memory_space<semaphore_mem>>
      %dma_start3A_143 = arith.constant 0 : i32
      %dma_start3A_144 = tpu.memref_slice %arg18[%dma_start3A_143] : memref<128xf32, #tpu.memory_space<vmem>> -> memref<128xf32, #tpu.memory_space<vmem>>
      %dma_start3A_145 = tpu.memref_slice %arg21[%add3A_51] : memref<10240xf32, #tpu.memory_space<vmem_shared>> -> memref<128xf32, #tpu.memory_space<vmem_shared>>
      %dma_start3A_146 = tpu.memref_slice %arg21[%add3A_51] : memref<10240xf32, #tpu.memory_space<vmem_shared>> -> memref<128xf32, #tpu.memory_space<vmem_shared>>
      %dma_start3A_147 = arith.constant 0 : i32
      %dma_start3A_148 = tpu.memref_slice %arg18[%dma_start3A_147] : memref<128xf32, #tpu.memory_space<vmem>> -> memref<128xf32, #tpu.memory_space<vmem>>
      tpu.enqueue_dma source(%dma_start3A_148 : memref<128xf32, #tpu.memory_space<vmem>>) target(%dma_start3A_146 : memref<128xf32, #tpu.memory_space<vmem_shared>>) target_semaphore(%run_scoped3A : memref<!tpu.dma_semaphore, #tpu.memory_space<semaphore_mem>>)
      %dma_wait3A_149 = arith.constant 0 : i32
      %dma_wait3A_150 = tpu.memref_slice %arg18[%dma_wait3A_149] : memref<128xf32, #tpu.memory_space<vmem>> -> memref<128xf32, #tpu.memory_space<vmem>>
      %dma_wait3A_151 = tpu.memref_slice %arg21[%add3A_51] : memref<10240xf32, #tpu.memory_space<vmem_shared>> -> memref<128xf32, #tpu.memory_space<vmem_shared>>
      %dma_wait3A_152 = tpu.memref_slice %arg21[%add3A_51] : memref<10240xf32, #tpu.memory_space<vmem_shared>> -> memref<128xf32, #tpu.memory_space<vmem_shared>>
      %dma_wait3A_153 = arith.constant 0 : i32
      %dma_wait3A_154 = tpu.memref_slice %arg18[%dma_wait3A_153] : memref<128xf32, #tpu.memory_space<vmem>> -> memref<128xf32, #tpu.memory_space<vmem>>
      tpu.wait_dma2 semaphore(%run_scoped3A : memref<!tpu.dma_semaphore, #tpu.memory_space<semaphore_mem>>) src(%dma_wait3A_154 : memref<128xf32, #tpu.memory_space<vmem>>) dst(%dma_wait3A_152 : memref<128xf32, #tpu.memory_space<vmem_shared>>)
      tpu.yield
    }) : () -> ()
    %mul3A_52 = arith.constant 640 : i32
    %mul3A_53 = arith.muli %arg1, %mul3A_52 : i32
    %add3A_54 = arith.constant 384 : i32
    %add3A_55 = arith.addi %mul3A_53, %add3A_54 : i32
    "tpu.region"() ({
      %run_scoped3A = tpu.sem_alloc : memref<!tpu.dma_semaphore, #tpu.memory_space<semaphore_mem>>
      %dma_start3A_143 = arith.constant 0 : i32
      %dma_start3A_144 = arith.constant 0 : i32
      %dma_start3A_145 = tpu.memref_slice %arg14[%dma_start3A_143, %dma_start3A_144] : memref<128x128xf32, #tpu.memory_space<vmem>> -> memref<128x128xf32, #tpu.memory_space<vmem>>
      %dma_start3A_146 = arith.constant 0 : i32
      %dma_start3A_147 = tpu.memref_slice %arg20[%add3A_55, %dma_start3A_146] : memref<10240x128xf32, #tpu.memory_space<vmem_shared>> -> memref<128x128xf32, #tpu.memory_space<vmem_shared>>
      %dma_start3A_148 = arith.constant 0 : i32
      %dma_start3A_149 = tpu.memref_slice %arg20[%add3A_55, %dma_start3A_148] : memref<10240x128xf32, #tpu.memory_space<vmem_shared>> -> memref<128x128xf32, #tpu.memory_space<vmem_shared>>
      %dma_start3A_150 = arith.constant 0 : i32
      %dma_start3A_151 = arith.constant 0 : i32
      %dma_start3A_152 = tpu.memref_slice %arg14[%dma_start3A_150, %dma_start3A_151] : memref<128x128xf32, #tpu.memory_space<vmem>> -> memref<128x128xf32, #tpu.memory_space<vmem>>
      tpu.enqueue_dma source(%dma_start3A_152 : memref<128x128xf32, #tpu.memory_space<vmem>>) target(%dma_start3A_149 : memref<128x128xf32, #tpu.memory_space<vmem_shared>>) target_semaphore(%run_scoped3A : memref<!tpu.dma_semaphore, #tpu.memory_space<semaphore_mem>>)
      %dma_wait3A_153 = arith.constant 0 : i32
      %dma_wait3A_154 = arith.constant 0 : i32
      %dma_wait3A_155 = tpu.memref_slice %arg14[%dma_wait3A_153, %dma_wait3A_154] : memref<128x128xf32, #tpu.memory_space<vmem>> -> memref<128x128xf32, #tpu.memory_space<vmem>>
      %dma_wait3A_156 = arith.constant 0 : i32
      %dma_wait3A_157 = tpu.memref_slice %arg20[%add3A_55, %dma_wait3A_156] : memref<10240x128xf32, #tpu.memory_space<vmem_shared>> -> memref<128x128xf32, #tpu.memory_space<vmem_shared>>
      %dma_wait3A_158 = arith.constant 0 : i32
      %dma_wait3A_159 = tpu.memref_slice %arg20[%add3A_55, %dma_wait3A_158] : memref<10240x128xf32, #tpu.memory_space<vmem_shared>> -> memref<128x128xf32, #tpu.memory_space<vmem_shared>>
      %dma_wait3A_160 = arith.constant 0 : i32
      %dma_wait3A_161 = arith.constant 0 : i32
      %dma_wait3A_162 = tpu.memref_slice %arg14[%dma_wait3A_160, %dma_wait3A_161] : memref<128x128xf32, #tpu.memory_space<vmem>> -> memref<128x128xf32, #tpu.memory_space<vmem>>
      tpu.wait_dma2 semaphore(%run_scoped3A : memref<!tpu.dma_semaphore, #tpu.memory_space<semaphore_mem>>) src(%dma_wait3A_162 : memref<128x128xf32, #tpu.memory_space<vmem>>) dst(%dma_wait3A_159 : memref<128x128xf32, #tpu.memory_space<vmem_shared>>)
      tpu.yield
    }) : () -> ()
    "tpu.region"() ({
      %run_scoped3A = tpu.sem_alloc : memref<!tpu.dma_semaphore, #tpu.memory_space<semaphore_mem>>
      %dma_start3A_143 = arith.constant 0 : i32
      %dma_start3A_144 = tpu.memref_slice %arg18[%dma_start3A_143] : memref<128xf32, #tpu.memory_space<vmem>> -> memref<128xf32, #tpu.memory_space<vmem>>
      %dma_start3A_145 = tpu.memref_slice %arg21[%add3A_55] : memref<10240xf32, #tpu.memory_space<vmem_shared>> -> memref<128xf32, #tpu.memory_space<vmem_shared>>
      %dma_start3A_146 = tpu.memref_slice %arg21[%add3A_55] : memref<10240xf32, #tpu.memory_space<vmem_shared>> -> memref<128xf32, #tpu.memory_space<vmem_shared>>
      %dma_start3A_147 = arith.constant 0 : i32
      %dma_start3A_148 = tpu.memref_slice %arg18[%dma_start3A_147] : memref<128xf32, #tpu.memory_space<vmem>> -> memref<128xf32, #tpu.memory_space<vmem>>
      tpu.enqueue_dma source(%dma_start3A_148 : memref<128xf32, #tpu.memory_space<vmem>>) target(%dma_start3A_146 : memref<128xf32, #tpu.memory_space<vmem_shared>>) target_semaphore(%run_scoped3A : memref<!tpu.dma_semaphore, #tpu.memory_space<semaphore_mem>>)
      %dma_wait3A_149 = arith.constant 0 : i32
      %dma_wait3A_150 = tpu.memref_slice %arg18[%dma_wait3A_149] : memref<128xf32, #tpu.memory_space<vmem>> -> memref<128xf32, #tpu.memory_space<vmem>>
      %dma_wait3A_151 = tpu.memref_slice %arg21[%add3A_55] : memref<10240xf32, #tpu.memory_space<vmem_shared>> -> memref<128xf32, #tpu.memory_space<vmem_shared>>
      %dma_wait3A_152 = tpu.memref_slice %arg21[%add3A_55] : memref<10240xf32, #tpu.memory_space<vmem_shared>> -> memref<128xf32, #tpu.memory_space<vmem_shared>>
      %dma_wait3A_153 = arith.constant 0 : i32
      %dma_wait3A_154 = tpu.memref_slice %arg18[%dma_wait3A_153] : memref<128xf32, #tpu.memory_space<vmem>> -> memref<128xf32, #tpu.memory_space<vmem>>
      tpu.wait_dma2 semaphore(%run_scoped3A : memref<!tpu.dma_semaphore, #tpu.memory_space<semaphore_mem>>) src(%dma_wait3A_154 : memref<128xf32, #tpu.memory_space<vmem>>) dst(%dma_wait3A_152 : memref<128xf32, #tpu.memory_space<vmem_shared>>)
      tpu.yield
    }) : () -> ()
    %mul3A_56 = arith.constant 640 : i32
    %mul3A_57 = arith.muli %arg1, %mul3A_56 : i32
    %add3A_58 = arith.constant 512 : i32
    %add3A_59 = arith.addi %mul3A_57, %add3A_58 : i32
    "tpu.region"() ({
      %run_scoped3A = tpu.sem_alloc : memref<!tpu.dma_semaphore, #tpu.memory_space<semaphore_mem>>
      %dma_start3A_143 = arith.constant 0 : i32
      %dma_start3A_144 = arith.constant 0 : i32
      %dma_start3A_145 = tpu.memref_slice %arg14[%dma_start3A_143, %dma_start3A_144] : memref<128x128xf32, #tpu.memory_space<vmem>> -> memref<128x128xf32, #tpu.memory_space<vmem>>
      %dma_start3A_146 = arith.constant 0 : i32
      %dma_start3A_147 = tpu.memref_slice %arg20[%add3A_59, %dma_start3A_146] : memref<10240x128xf32, #tpu.memory_space<vmem_shared>> -> memref<128x128xf32, #tpu.memory_space<vmem_shared>>
      %dma_start3A_148 = arith.constant 0 : i32
      %dma_start3A_149 = tpu.memref_slice %arg20[%add3A_59, %dma_start3A_148] : memref<10240x128xf32, #tpu.memory_space<vmem_shared>> -> memref<128x128xf32, #tpu.memory_space<vmem_shared>>
      %dma_start3A_150 = arith.constant 0 : i32
      %dma_start3A_151 = arith.constant 0 : i32
      %dma_start3A_152 = tpu.memref_slice %arg14[%dma_start3A_150, %dma_start3A_151] : memref<128x128xf32, #tpu.memory_space<vmem>> -> memref<128x128xf32, #tpu.memory_space<vmem>>
      tpu.enqueue_dma source(%dma_start3A_152 : memref<128x128xf32, #tpu.memory_space<vmem>>) target(%dma_start3A_149 : memref<128x128xf32, #tpu.memory_space<vmem_shared>>) target_semaphore(%run_scoped3A : memref<!tpu.dma_semaphore, #tpu.memory_space<semaphore_mem>>)
      %dma_wait3A_153 = arith.constant 0 : i32
      %dma_wait3A_154 = arith.constant 0 : i32
      %dma_wait3A_155 = tpu.memref_slice %arg14[%dma_wait3A_153, %dma_wait3A_154] : memref<128x128xf32, #tpu.memory_space<vmem>> -> memref<128x128xf32, #tpu.memory_space<vmem>>
      %dma_wait3A_156 = arith.constant 0 : i32
      %dma_wait3A_157 = tpu.memref_slice %arg20[%add3A_59, %dma_wait3A_156] : memref<10240x128xf32, #tpu.memory_space<vmem_shared>> -> memref<128x128xf32, #tpu.memory_space<vmem_shared>>
      %dma_wait3A_158 = arith.constant 0 : i32
      %dma_wait3A_159 = tpu.memref_slice %arg20[%add3A_59, %dma_wait3A_158] : memref<10240x128xf32, #tpu.memory_space<vmem_shared>> -> memref<128x128xf32, #tpu.memory_space<vmem_shared>>
      %dma_wait3A_160 = arith.constant 0 : i32
      %dma_wait3A_161 = arith.constant 0 : i32
      %dma_wait3A_162 = tpu.memref_slice %arg14[%dma_wait3A_160, %dma_wait3A_161] : memref<128x128xf32, #tpu.memory_space<vmem>> -> memref<128x128xf32, #tpu.memory_space<vmem>>
      tpu.wait_dma2 semaphore(%run_scoped3A : memref<!tpu.dma_semaphore, #tpu.memory_space<semaphore_mem>>) src(%dma_wait3A_162 : memref<128x128xf32, #tpu.memory_space<vmem>>) dst(%dma_wait3A_159 : memref<128x128xf32, #tpu.memory_space<vmem_shared>>)
      tpu.yield
    }) : () -> ()
    "tpu.region"() ({
      %run_scoped3A = tpu.sem_alloc : memref<!tpu.dma_semaphore, #tpu.memory_space<semaphore_mem>>
      %dma_start3A_143 = arith.constant 0 : i32
      %dma_start3A_144 = tpu.memref_slice %arg18[%dma_start3A_143] : memref<128xf32, #tpu.memory_space<vmem>> -> memref<128xf32, #tpu.memory_space<vmem>>
      %dma_start3A_145 = tpu.memref_slice %arg21[%add3A_59] : memref<10240xf32, #tpu.memory_space<vmem_shared>> -> memref<128xf32, #tpu.memory_space<vmem_shared>>
      %dma_start3A_146 = tpu.memref_slice %arg21[%add3A_59] : memref<10240xf32, #tpu.memory_space<vmem_shared>> -> memref<128xf32, #tpu.memory_space<vmem_shared>>
      %dma_start3A_147 = arith.constant 0 : i32
      %dma_start3A_148 = tpu.memref_slice %arg18[%dma_start3A_147] : memref<128xf32, #tpu.memory_space<vmem>> -> memref<128xf32, #tpu.memory_space<vmem>>
      tpu.enqueue_dma source(%dma_start3A_148 : memref<128xf32, #tpu.memory_space<vmem>>) target(%dma_start3A_146 : memref<128xf32, #tpu.memory_space<vmem_shared>>) target_semaphore(%run_scoped3A : memref<!tpu.dma_semaphore, #tpu.memory_space<semaphore_mem>>)
      %dma_wait3A_149 = arith.constant 0 : i32
      %dma_wait3A_150 = tpu.memref_slice %arg18[%dma_wait3A_149] : memref<128xf32, #tpu.memory_space<vmem>> -> memref<128xf32, #tpu.memory_space<vmem>>
      %dma_wait3A_151 = tpu.memref_slice %arg21[%add3A_59] : memref<10240xf32, #tpu.memory_space<vmem_shared>> -> memref<128xf32, #tpu.memory_space<vmem_shared>>
      %dma_wait3A_152 = tpu.memref_slice %arg21[%add3A_59] : memref<10240xf32, #tpu.memory_space<vmem_shared>> -> memref<128xf32, #tpu.memory_space<vmem_shared>>
      %dma_wait3A_153 = arith.constant 0 : i32
      %dma_wait3A_154 = tpu.memref_slice %arg18[%dma_wait3A_153] : memref<128xf32, #tpu.memory_space<vmem>> -> memref<128xf32, #tpu.memory_space<vmem>>
      tpu.wait_dma2 semaphore(%run_scoped3A : memref<!tpu.dma_semaphore, #tpu.memory_space<semaphore_mem>>) src(%dma_wait3A_154 : memref<128xf32, #tpu.memory_space<vmem>>) dst(%dma_wait3A_152 : memref<128xf32, #tpu.memory_space<vmem_shared>>)
      tpu.yield
    }) : () -> ()
    %swap3A_60 = arith.constant 0 : index
    %swap3A_61 = tpu.vector_load %arg18[%swap3A_60] {strides = array<i32>} : memref<128xf32, #tpu.memory_space<vmem>>, vector<16xf32>,
    %swap3A_62 = vector.shape_cast %swap3A_61 : vector<16xf32> to vector<16xf32>
    %swap3A_63 = vector.shape_cast %broadcast_in_dim3A_3 : vector<16xf32> to vector<16xf32>
    tpu.vector_store %arg18[%swap3A_60], %swap3A_63 {strides = array<i32>} : memref<128xf32, #tpu.memory_space<vmem>>, vector<16xf32>,
    %swap3A_64 = arith.constant 16 : index
    %swap3A_65 = tpu.vector_load %arg18[%swap3A_64] {strides = array<i32>} : memref<128xf32, #tpu.memory_space<vmem>>, vector<16xf32>,
    %swap3A_66 = vector.shape_cast %swap3A_65 : vector<16xf32> to vector<16xf32>
    %swap3A_67 = vector.shape_cast %broadcast_in_dim3A_3 : vector<16xf32> to vector<16xf32>
    tpu.vector_store %arg18[%swap3A_64], %swap3A_67 {strides = array<i32>} : memref<128xf32, #tpu.memory_space<vmem>>, vector<16xf32>,
    %swap3A_68 = arith.constant 32 : index
    %swap3A_69 = tpu.vector_load %arg18[%swap3A_68] {strides = array<i32>} : memref<128xf32, #tpu.memory_space<vmem>>, vector<16xf32>,
    %swap3A_70 = vector.shape_cast %swap3A_69 : vector<16xf32> to vector<16xf32>
    %swap3A_71 = vector.shape_cast %broadcast_in_dim3A_3 : vector<16xf32> to vector<16xf32>
    tpu.vector_store %arg18[%swap3A_68], %swap3A_71 {strides = array<i32>} : memref<128xf32, #tpu.memory_space<vmem>>, vector<16xf32>,
    %swap3A_72 = arith.constant 48 : index
    %swap3A_73 = tpu.vector_load %arg18[%swap3A_72] {strides = array<i32>} : memref<128xf32, #tpu.memory_space<vmem>>, vector<16xf32>,
    %swap3A_74 = vector.shape_cast %swap3A_73 : vector<16xf32> to vector<16xf32>
    %swap3A_75 = vector.shape_cast %broadcast_in_dim3A_3 : vector<16xf32> to vector<16xf32>
    tpu.vector_store %arg18[%swap3A_72], %swap3A_75 {strides = array<i32>} : memref<128xf32, #tpu.memory_space<vmem>>, vector<16xf32>,
    %swap3A_76 = arith.constant 64 : index
    %swap3A_77 = tpu.vector_load %arg18[%swap3A_76] {strides = array<i32>} : memref<128xf32, #tpu.memory_space<vmem>>, vector<16xf32>,
    %swap3A_78 = vector.shape_cast %swap3A_77 : vector<16xf32> to vector<16xf32>
    %swap3A_79 = vector.shape_cast %broadcast_in_dim3A_3 : vector<16xf32> to vector<16xf32>
    tpu.vector_store %arg18[%swap3A_76], %swap3A_79 {strides = array<i32>} : memref<128xf32, #tpu.memory_space<vmem>>, vector<16xf32>,
    %swap3A_80 = arith.constant 80 : index
    %swap3A_81 = tpu.vector_load %arg18[%swap3A_80] {strides = array<i32>} : memref<128xf32, #tpu.memory_space<vmem>>, vector<16xf32>,
    %swap3A_82 = vector.shape_cast %swap3A_81 : vector<16xf32> to vector<16xf32>
    %swap3A_83 = vector.shape_cast %broadcast_in_dim3A_3 : vector<16xf32> to vector<16xf32>
    tpu.vector_store %arg18[%swap3A_80], %swap3A_83 {strides = array<i32>} : memref<128xf32, #tpu.memory_space<vmem>>, vector<16xf32>,
    %swap3A_84 = arith.constant 96 : index
    %swap3A_85 = tpu.vector_load %arg18[%swap3A_84] {strides = array<i32>} : memref<128xf32, #tpu.memory_space<vmem>>, vector<16xf32>,
    %swap3A_86 = vector.shape_cast %swap3A_85 : vector<16xf32> to vector<16xf32>
    %swap3A_87 = vector.shape_cast %broadcast_in_dim3A_3 : vector<16xf32> to vector<16xf32>
    tpu.vector_store %arg18[%swap3A_84], %swap3A_87 {strides = array<i32>} : memref<128xf32, #tpu.memory_space<vmem>>, vector<16xf32>,
    %swap3A_88 = arith.constant 112 : index
    %swap3A_89 = tpu.vector_load %arg18[%swap3A_88] {strides = array<i32>} : memref<128xf32, #tpu.memory_space<vmem>>, vector<16xf32>,
    %swap3A_90 = vector.shape_cast %swap3A_89 : vector<16xf32> to vector<16xf32>
    %swap3A_91 = vector.shape_cast %broadcast_in_dim3A_3 : vector<16xf32> to vector<16xf32>
    tpu.vector_store %arg18[%swap3A_88], %swap3A_91 {strides = array<i32>} : memref<128xf32, #tpu.memory_space<vmem>>, vector<16xf32>,
    %swap3A_92 = arith.constant 0 : index
    %swap3A_93 = tpu.vector_load %arg19[%swap3A_92] {strides = array<i32>} : memref<16xf32, #tpu.memory_space<vmem>>, vector<16xf32>,
    %swap3A_94 = vector.shape_cast %swap3A_93 : vector<16xf32> to vector<16xf32>
    %swap3A_95 = vector.shape_cast %broadcast_in_dim3A_3 : vector<16xf32> to vector<16xf32>
    tpu.vector_store %arg19[%swap3A_92], %swap3A_95 {strides = array<i32>} : memref<16xf32, #tpu.memory_space<vmem>>, vector<16xf32>,
    %barrier3A = arith.constant 0 : index
    tpu.barrier barrier_id(%barrier3A)
    %mul3A_96 = arith.constant 10000 : i32
    %mul3A_97 = arith.muli %add3A, %mul3A_96 : i32
    %scan3A_98 = arith.constant 0 : i32
    %scan3A_99 = arith.constant 0 : i32
    %scan3A_100 = arith.constant 39 : i32
    %scan3A_101 = arith.addi %scan3A_99, %scan3A_100 : i32
    %scan3A_102 = arith.constant 1 : i32
    scf.for %scan3A_143 = %scan3A_99 to %scan3A_101 step %scan3A_102  : i32 {
      %mul3A_144 = arith.constant 2 : i32
      %mul3A_145 = arith.muli %mul3A_144, %scan3A_143 : i32
      %mul3A_146 = arith.constant 128 : i32
      %mul3A_147 = arith.muli %mul3A_145, %mul3A_146 : i32
      %add3A_148 = arith.addi %mul3A_97, %mul3A_147 : i32
      %add3A_149 = arith.constant 128 : i32
      %add3A_150 = arith.addi %add3A_148, %add3A_149 : i32
      %dma_start3A_151 = tpu.memref_slice %arg4[%add3A_148] : memref<320000xi32, #tpu.memory_space<hbm>> -> memref<128xi32, #tpu.memory_space<hbm>>
      %dma_start3A_152 = tpu.memref_slice %arg4[%add3A_148] : memref<320000xi32, #tpu.memory_space<hbm>> -> memref<128xi32, #tpu.memory_space<hbm>>
      tpu.enqueue_dma source(%dma_start3A_152 : memref<128xi32, #tpu.memory_space<hbm>>) target(%arg8 : memref<128xi32, #tpu.memory_space<vmem>>) target_semaphore(%arg22 : memref<!tpu.dma_semaphore, #tpu.memory_space<semaphore_mem>>)
      %dma_start3A_153 = tpu.memref_slice %arg5[%add3A_148] : memref<320000xi32, #tpu.memory_space<hbm>> -> memref<128xi32, #tpu.memory_space<hbm>>
      %dma_start3A_154 = tpu.memref_slice %arg5[%add3A_148] : memref<320000xi32, #tpu.memory_space<hbm>> -> memref<128xi32, #tpu.memory_space<hbm>>
      tpu.enqueue_dma source(%dma_start3A_154 : memref<128xi32, #tpu.memory_space<hbm>>) target(%arg9 : memref<128xi32, #tpu.memory_space<vmem>>) target_semaphore(%arg23 : memref<!tpu.dma_semaphore, #tpu.memory_space<semaphore_mem>>)
      %dma_start3A_155 = tpu.memref_slice %arg4[%add3A_150] : memref<320000xi32, #tpu.memory_space<hbm>> -> memref<128xi32, #tpu.memory_space<hbm>>
      %dma_start3A_156 = tpu.memref_slice %arg4[%add3A_150] : memref<320000xi32, #tpu.memory_space<hbm>> -> memref<128xi32, #tpu.memory_space<hbm>>
      tpu.enqueue_dma source(%dma_start3A_156 : memref<128xi32, #tpu.memory_space<hbm>>) target(%arg10 : memref<128xi32, #tpu.memory_space<vmem>>) target_semaphore(%arg24 : memref<!tpu.dma_semaphore, #tpu.memory_space<semaphore_mem>>)
      %dma_start3A_157 = tpu.memref_slice %arg5[%add3A_150] : memref<320000xi32, #tpu.memory_space<hbm>> -> memref<128xi32, #tpu.memory_space<hbm>>
      %dma_start3A_158 = tpu.memref_slice %arg5[%add3A_150] : memref<320000xi32, #tpu.memory_space<hbm>> -> memref<128xi32, #tpu.memory_space<hbm>>
      tpu.enqueue_dma source(%dma_start3A_158 : memref<128xi32, #tpu.memory_space<hbm>>) target(%arg11 : memref<128xi32, #tpu.memory_space<vmem>>) target_semaphore(%arg25 : memref<!tpu.dma_semaphore, #tpu.memory_space<semaphore_mem>>)
      %dma_wait3A_159 = tpu.memref_slice %arg4[%add3A_148] : memref<320000xi32, #tpu.memory_space<hbm>> -> memref<128xi32, #tpu.memory_space<hbm>>
      %dma_wait3A_160 = tpu.memref_slice %arg4[%add3A_148] : memref<320000xi32, #tpu.memory_space<hbm>> -> memref<128xi32, #tpu.memory_space<hbm>>
      tpu.wait_dma2 semaphore(%arg22 : memref<!tpu.dma_semaphore, #tpu.memory_space<semaphore_mem>>) src(%dma_wait3A_160 : memref<128xi32, #tpu.memory_space<hbm>>) dst(%arg8 : memref<128xi32, #tpu.memory_space<vmem>>)
      %dma_wait3A_161 = tpu.memref_slice %arg5[%add3A_148] : memref<320000xi32, #tpu.memory_space<hbm>> -> memref<128xi32, #tpu.memory_space<hbm>>
      %dma_wait3A_162 = tpu.memref_slice %arg5[%add3A_148] : memref<320000xi32, #tpu.memory_space<hbm>> -> memref<128xi32, #tpu.memory_space<hbm>>
      tpu.wait_dma2 semaphore(%arg23 : memref<!tpu.dma_semaphore, #tpu.memory_space<semaphore_mem>>) src(%dma_wait3A_162 : memref<128xi32, #tpu.memory_space<hbm>>) dst(%arg9 : memref<128xi32, #tpu.memory_space<vmem>>)
      %dma_start3A_163 = arith.constant 0 : i32
      %dma_start3A_164 = arith.constant 0 : i32
      %dma_start3A_165 = tpu.memref_slice %arg2[%dma_start3A_163, %dma_start3A_164] : memref<10000x128xf32, #tpu.memory_space<hbm>> -> memref<10000x128xf32, #tpu.memory_space<hbm>>
      tpu.enqueue_indirect_dma source(%dma_start3A_165 : memref<10000x128xf32, #tpu.memory_space<hbm>>) target(%arg14 : memref<128x128xf32, #tpu.memory_space<vmem>>) offsets(%arg8 : memref<128xi32, #tpu.memory_space<vmem>>) semaphore(%arg22 : memref<!tpu.dma_semaphore, #tpu.memory_space<semaphore_mem>>)
      %dma_start3A_166 = arith.constant 0 : i32
      %dma_start3A_167 = arith.constant 0 : i32
      %dma_start3A_168 = tpu.memref_slice %arg3[%dma_start3A_166, %dma_start3A_167] : memref<10000x128xf32, #tpu.memory_space<hbm>> -> memref<10000x128xf32, #tpu.memory_space<hbm>>
      tpu.enqueue_indirect_dma source(%dma_start3A_168 : memref<10000x128xf32, #tpu.memory_space<hbm>>) target(%arg15 : memref<128x128xf32, #tpu.memory_space<vmem>>) offsets(%arg9 : memref<128xi32, #tpu.memory_space<vmem>>) semaphore(%arg23 : memref<!tpu.dma_semaphore, #tpu.memory_space<semaphore_mem>>)
      %dma_wait3A_169 = arith.constant 0 : i32
      %dma_wait3A_170 = arith.constant 0 : i32
      %dma_wait3A_171 = tpu.memref_slice %arg2[%dma_wait3A_169, %dma_wait3A_170] : memref<10000x128xf32, #tpu.memory_space<hbm>> -> memref<10000x128xf32, #tpu.memory_space<hbm>>
      tpu.wait_indirect_dma semaphore(%arg22 : memref<!tpu.dma_semaphore, #tpu.memory_space<semaphore_mem>>) src(%dma_wait3A_171 : memref<10000x128xf32, #tpu.memory_space<hbm>>) dst(%arg14 : memref<128x128xf32, #tpu.memory_space<vmem>>)
      %dma_wait3A_172 = arith.constant 0 : i32
      %dma_wait3A_173 = arith.constant 0 : i32
      %dma_wait3A_174 = tpu.memref_slice %arg3[%dma_wait3A_172, %dma_wait3A_173] : memref<10000x128xf32, #tpu.memory_space<hbm>> -> memref<10000x128xf32, #tpu.memory_space<hbm>>
      tpu.wait_indirect_dma semaphore(%arg23 : memref<!tpu.dma_semaphore, #tpu.memory_space<semaphore_mem>>) src(%dma_wait3A_174 : memref<10000x128xf32, #tpu.memory_space<hbm>>) dst(%arg15 : memref<128x128xf32, #tpu.memory_space<vmem>>)
      %scan3A_175 = arith.constant 0 : i32
      %scan3A_176 = arith.constant 0 : i32
      %scan3A_177 = arith.constant 128 : i32
      %scan3A_178 = arith.addi %scan3A_176, %scan3A_177 : i32
      %scan3A_179 = arith.constant 1 : i32
      scf.for %scan3A_223 = %scan3A_176 to %scan3A_178 step %scan3A_179  : i32 {
        %get3A = arith.index_cast %scan3A_223 : i32 to index
        %get3A_224 = arith.constant 0 : index
        %get3A_225 = tpu.vector_load %arg14[%get3A, %get3A_224] {strides = array<i32>} : memref<128x128xf32, #tpu.memory_space<vmem>>, vector<1x16xf32>,
        %get3A_226 = vector.shape_cast %get3A_225 : vector<1x16xf32> to vector<16xf32>
        %get3A_227 = arith.index_cast %scan3A_223 : i32 to index
        %get3A_228 = arith.constant 0 : index
        %get3A_229 = tpu.vector_load %arg15[%get3A_227, %get3A_228] {strides = array<i32>} : memref<128x128xf32, #tpu.memory_space<vmem>>, vector<1x16xf32>,
        %get3A_230 = vector.shape_cast %get3A_229 : vector<1x16xf32> to vector<16xf32>
        %add3A_231 = arith.addf %get3A_226, %get3A_230 : vector<16xf32>
        %max3A = arith.constant 0.000000e+00 : f32
        %max3A_232 = vector.broadcast %max3A : f32 to vector<16xf32>
        %max3A_233 = arith.maximumf %add3A_231, %max3A_232 : vector<16xf32>
        %swap3A_234 = arith.index_cast %scan3A_223 : i32 to index
        %swap3A_235 = arith.constant 0 : index
        %swap3A_236 = tpu.vector_load %arg14[%swap3A_234, %swap3A_235] {strides = array<i32>} : memref<128x128xf32, #tpu.memory_space<vmem>>, vector<1x16xf32>,
        %swap3A_237 = vector.shape_cast %swap3A_236 : vector<1x16xf32> to vector<16xf32>
        %swap3A_238 = vector.shape_cast %max3A_233 : vector<16xf32> to vector<1x16xf32>
        tpu.vector_store %arg14[%swap3A_234, %swap3A_235], %swap3A_238 {strides = array<i32>} : memref<128x128xf32, #tpu.memory_space<vmem>>, vector<1x16xf32>,
        %get3A_239 = arith.index_cast %scan3A_223 : i32 to index
        %get3A_240 = arith.constant 16 : index
        %get3A_241 = tpu.vector_load %arg14[%get3A_239, %get3A_240] {strides = array<i32>} : memref<128x128xf32, #tpu.memory_space<vmem>>, vector<1x16xf32>,
        %get3A_242 = vector.shape_cast %get3A_241 : vector<1x16xf32> to vector<16xf32>
        %get3A_243 = arith.index_cast %scan3A_223 : i32 to index
        %get3A_244 = arith.constant 16 : index
        %get3A_245 = tpu.vector_load %arg15[%get3A_243, %get3A_244] {strides = array<i32>} : memref<128x128xf32, #tpu.memory_space<vmem>>, vector<1x16xf32>,
        %get3A_246 = vector.shape_cast %get3A_245 : vector<1x16xf32> to vector<16xf32>
        %add3A_247 = arith.addf %get3A_242, %get3A_246 : vector<16xf32>
        %max3A_248 = arith.constant 0.000000e+00 : f32
        %max3A_249 = vector.broadcast %max3A_248 : f32 to vector<16xf32>
        %max3A_250 = arith.maximumf %add3A_247, %max3A_249 : vector<16xf32>
        %swap3A_251 = arith.index_cast %scan3A_223 : i32 to index
        %swap3A_252 = arith.constant 16 : index
        %swap3A_253 = tpu.vector_load %arg14[%swap3A_251, %swap3A_252] {strides = array<i32>} : memref<128x128xf32, #tpu.memory_space<vmem>>, vector<1x16xf32>,
        %swap3A_254 = vector.shape_cast %swap3A_253 : vector<1x16xf32> to vector<16xf32>
        %swap3A_255 = vector.shape_cast %max3A_250 : vector<16xf32> to vector<1x16xf32>
        tpu.vector_store %arg14[%swap3A_251, %swap3A_252], %swap3A_255 {strides = array<i32>} : memref<128x128xf32, #tpu.memory_space<vmem>>, vector<1x16xf32>,
        %get3A_256 = arith.index_cast %scan3A_223 : i32 to index
        %get3A_257 = arith.constant 32 : index
        %get3A_258 = tpu.vector_load %arg14[%get3A_256, %get3A_257] {strides = array<i32>} : memref<128x128xf32, #tpu.memory_space<vmem>>, vector<1x16xf32>,
        %get3A_259 = vector.shape_cast %get3A_258 : vector<1x16xf32> to vector<16xf32>
        %get3A_260 = arith.index_cast %scan3A_223 : i32 to index
        %get3A_261 = arith.constant 32 : index
        %get3A_262 = tpu.vector_load %arg15[%get3A_260, %get3A_261] {strides = array<i32>} : memref<128x128xf32, #tpu.memory_space<vmem>>, vector<1x16xf32>,
        %get3A_263 = vector.shape_cast %get3A_262 : vector<1x16xf32> to vector<16xf32>
        %add3A_264 = arith.addf %get3A_259, %get3A_263 : vector<16xf32>
        %max3A_265 = arith.constant 0.000000e+00 : f32
        %max3A_266 = vector.broadcast %max3A_265 : f32 to vector<16xf32>
        %max3A_267 = arith.maximumf %add3A_264, %max3A_266 : vector<16xf32>
        %swap3A_268 = arith.index_cast %scan3A_223 : i32 to index
        %swap3A_269 = arith.constant 32 : index
        %swap3A_270 = tpu.vector_load %arg14[%swap3A_268, %swap3A_269] {strides = array<i32>} : memref<128x128xf32, #tpu.memory_space<vmem>>, vector<1x16xf32>,
        %swap3A_271 = vector.shape_cast %swap3A_270 : vector<1x16xf32> to vector<16xf32>
        %swap3A_272 = vector.shape_cast %max3A_267 : vector<16xf32> to vector<1x16xf32>
        tpu.vector_store %arg14[%swap3A_268, %swap3A_269], %swap3A_272 {strides = array<i32>} : memref<128x128xf32, #tpu.memory_space<vmem>>, vector<1x16xf32>,
        %get3A_273 = arith.index_cast %scan3A_223 : i32 to index
        %get3A_274 = arith.constant 48 : index
        %get3A_275 = tpu.vector_load %arg14[%get3A_273, %get3A_274] {strides = array<i32>} : memref<128x128xf32, #tpu.memory_space<vmem>>, vector<1x16xf32>,
        %get3A_276 = vector.shape_cast %get3A_275 : vector<1x16xf32> to vector<16xf32>
        %get3A_277 = arith.index_cast %scan3A_223 : i32 to index
        %get3A_278 = arith.constant 48 : index
        %get3A_279 = tpu.vector_load %arg15[%get3A_277, %get3A_278] {strides = array<i32>} : memref<128x128xf32, #tpu.memory_space<vmem>>, vector<1x16xf32>,
        %get3A_280 = vector.shape_cast %get3A_279 : vector<1x16xf32> to vector<16xf32>
        %add3A_281 = arith.addf %get3A_276, %get3A_280 : vector<16xf32>
        %max3A_282 = arith.constant 0.000000e+00 : f32
        %max3A_283 = vector.broadcast %max3A_282 : f32 to vector<16xf32>
        %max3A_284 = arith.maximumf %add3A_281, %max3A_283 : vector<16xf32>
        %swap3A_285 = arith.index_cast %scan3A_223 : i32 to index
        %swap3A_286 = arith.constant 48 : index
        %swap3A_287 = tpu.vector_load %arg14[%swap3A_285, %swap3A_286] {strides = array<i32>} : memref<128x128xf32, #tpu.memory_space<vmem>>, vector<1x16xf32>,
        %swap3A_288 = vector.shape_cast %swap3A_287 : vector<1x16xf32> to vector<16xf32>
        %swap3A_289 = vector.shape_cast %max3A_284 : vector<16xf32> to vector<1x16xf32>
        tpu.vector_store %arg14[%swap3A_285, %swap3A_286], %swap3A_289 {strides = array<i32>} : memref<128x128xf32, #tpu.memory_space<vmem>>, vector<1x16xf32>,
        %get3A_290 = arith.index_cast %scan3A_223 : i32 to index
        %get3A_291 = arith.constant 64 : index
        %get3A_292 = tpu.vector_load %arg14[%get3A_290, %get3A_291] {strides = array<i32>} : memref<128x128xf32, #tpu.memory_space<vmem>>, vector<1x16xf32>,
        %get3A_293 = vector.shape_cast %get3A_292 : vector<1x16xf32> to vector<16xf32>
        %get3A_294 = arith.index_cast %scan3A_223 : i32 to index
        %get3A_295 = arith.constant 64 : index
        %get3A_296 = tpu.vector_load %arg15[%get3A_294, %get3A_295] {strides = array<i32>} : memref<128x128xf32, #tpu.memory_space<vmem>>, vector<1x16xf32>,
        %get3A_297 = vector.shape_cast %get3A_296 : vector<1x16xf32> to vector<16xf32>
        %add3A_298 = arith.addf %get3A_293, %get3A_297 : vector<16xf32>
        %max3A_299 = arith.constant 0.000000e+00 : f32
        %max3A_300 = vector.broadcast %max3A_299 : f32 to vector<16xf32>
        %max3A_301 = arith.maximumf %add3A_298, %max3A_300 : vector<16xf32>
        %swap3A_302 = arith.index_cast %scan3A_223 : i32 to index
        %swap3A_303 = arith.constant 64 : index
        %swap3A_304 = tpu.vector_load %arg14[%swap3A_302, %swap3A_303] {strides = array<i32>} : memref<128x128xf32, #tpu.memory_space<vmem>>, vector<1x16xf32>,
        %swap3A_305 = vector.shape_cast %swap3A_304 : vector<1x16xf32> to vector<16xf32>
        %swap3A_306 = vector.shape_cast %max3A_301 : vector<16xf32> to vector<1x16xf32>
        tpu.vector_store %arg14[%swap3A_302, %swap3A_303], %swap3A_306 {strides = array<i32>} : memref<128x128xf32, #tpu.memory_space<vmem>>, vector<1x16xf32>,
        %get3A_307 = arith.index_cast %scan3A_223 : i32 to index
        %get3A_308 = arith.constant 80 : index
        %get3A_309 = tpu.vector_load %arg14[%get3A_307, %get3A_308] {strides = array<i32>} : memref<128x128xf32, #tpu.memory_space<vmem>>, vector<1x16xf32>,
        %get3A_310 = vector.shape_cast %get3A_309 : vector<1x16xf32> to vector<16xf32>
        %get3A_311 = arith.index_cast %scan3A_223 : i32 to index
        %get3A_312 = arith.constant 80 : index
        %get3A_313 = tpu.vector_load %arg15[%get3A_311, %get3A_312] {strides = array<i32>} : memref<128x128xf32, #tpu.memory_space<vmem>>, vector<1x16xf32>,
        %get3A_314 = vector.shape_cast %get3A_313 : vector<1x16xf32> to vector<16xf32>
        %add3A_315 = arith.addf %get3A_310, %get3A_314 : vector<16xf32>
        %max3A_316 = arith.constant 0.000000e+00 : f32
        %max3A_317 = vector.broadcast %max3A_316 : f32 to vector<16xf32>
        %max3A_318 = arith.maximumf %add3A_315, %max3A_317 : vector<16xf32>
        %swap3A_319 = arith.index_cast %scan3A_223 : i32 to index
        %swap3A_320 = arith.constant 80 : index
        %swap3A_321 = tpu.vector_load %arg14[%swap3A_319, %swap3A_320] {strides = array<i32>} : memref<128x128xf32, #tpu.memory_space<vmem>>, vector<1x16xf32>,
        %swap3A_322 = vector.shape_cast %swap3A_321 : vector<1x16xf32> to vector<16xf32>
        %swap3A_323 = vector.shape_cast %max3A_318 : vector<16xf32> to vector<1x16xf32>
        tpu.vector_store %arg14[%swap3A_319, %swap3A_320], %swap3A_323 {strides = array<i32>} : memref<128x128xf32, #tpu.memory_space<vmem>>, vector<1x16xf32>,
        %get3A_324 = arith.index_cast %scan3A_223 : i32 to index
        %get3A_325 = arith.constant 96 : index
        %get3A_326 = tpu.vector_load %arg14[%get3A_324, %get3A_325] {strides = array<i32>} : memref<128x128xf32, #tpu.memory_space<vmem>>, vector<1x16xf32>,
        %get3A_327 = vector.shape_cast %get3A_326 : vector<1x16xf32> to vector<16xf32>
        %get3A_328 = arith.index_cast %scan3A_223 : i32 to index
        %get3A_329 = arith.constant 96 : index
        %get3A_330 = tpu.vector_load %arg15[%get3A_328, %get3A_329] {strides = array<i32>} : memref<128x128xf32, #tpu.memory_space<vmem>>, vector<1x16xf32>,
        %get3A_331 = vector.shape_cast %get3A_330 : vector<1x16xf32> to vector<16xf32>
        %add3A_332 = arith.addf %get3A_327, %get3A_331 : vector<16xf32>
        %max3A_333 = arith.constant 0.000000e+00 : f32
        %max3A_334 = vector.broadcast %max3A_333 : f32 to vector<16xf32>
        %max3A_335 = arith.maximumf %add3A_332, %max3A_334 : vector<16xf32>
        %swap3A_336 = arith.index_cast %scan3A_223 : i32 to index
        %swap3A_337 = arith.constant 96 : index
        %swap3A_338 = tpu.vector_load %arg14[%swap3A_336, %swap3A_337] {strides = array<i32>} : memref<128x128xf32, #tpu.memory_space<vmem>>, vector<1x16xf32>,
        %swap3A_339 = vector.shape_cast %swap3A_338 : vector<1x16xf32> to vector<16xf32>
        %swap3A_340 = vector.shape_cast %max3A_335 : vector<16xf32> to vector<1x16xf32>
        tpu.vector_store %arg14[%swap3A_336, %swap3A_337], %swap3A_340 {strides = array<i32>} : memref<128x128xf32, #tpu.memory_space<vmem>>, vector<1x16xf32>,
        %get3A_341 = arith.index_cast %scan3A_223 : i32 to index
        %get3A_342 = arith.constant 112 : index
        %get3A_343 = tpu.vector_load %arg14[%get3A_341, %get3A_342] {strides = array<i32>} : memref<128x128xf32, #tpu.memory_space<vmem>>, vector<1x16xf32>,
        %get3A_344 = vector.shape_cast %get3A_343 : vector<1x16xf32> to vector<16xf32>
        %get3A_345 = arith.index_cast %scan3A_223 : i32 to index
        %get3A_346 = arith.constant 112 : index
        %get3A_347 = tpu.vector_load %arg15[%get3A_345, %get3A_346] {strides = array<i32>} : memref<128x128xf32, #tpu.memory_space<vmem>>, vector<1x16xf32>,
        %get3A_348 = vector.shape_cast %get3A_347 : vector<1x16xf32> to vector<16xf32>
        %add3A_349 = arith.addf %get3A_344, %get3A_348 : vector<16xf32>
        %max3A_350 = arith.constant 0.000000e+00 : f32
        %max3A_351 = vector.broadcast %max3A_350 : f32 to vector<16xf32>
        %max3A_352 = arith.maximumf %add3A_349, %max3A_351 : vector<16xf32>
        %swap3A_353 = arith.index_cast %scan3A_223 : i32 to index
        %swap3A_354 = arith.constant 112 : index
        %swap3A_355 = tpu.vector_load %arg14[%swap3A_353, %swap3A_354] {strides = array<i32>} : memref<128x128xf32, #tpu.memory_space<vmem>>, vector<1x16xf32>,
        %swap3A_356 = vector.shape_cast %swap3A_355 : vector<1x16xf32> to vector<16xf32>
        %swap3A_357 = vector.shape_cast %max3A_352 : vector<16xf32> to vector<1x16xf32>
        tpu.vector_store %arg14[%swap3A_353, %swap3A_354], %swap3A_357 {strides = array<i32>} : memref<128x128xf32, #tpu.memory_space<vmem>>, vector<1x16xf32>,
      }
      %scan3A_180 = arith.constant 128 : i32
      %dma_start3A_181 = arith.constant 0 : i32
      %dma_start3A_182 = arith.constant 0 : i32
      %dma_start3A_183 = tpu.memref_slice %arg20[%dma_start3A_181, %dma_start3A_182] : memref<10240x128xf32, #tpu.memory_space<vmem_shared>> -> memref<10240x128xf32, #tpu.memory_space<vmem_shared>>
      tpu.enqueue_indirect_dma source(%arg14 : memref<128x128xf32, #tpu.memory_space<vmem>>) target(%dma_start3A_183 : memref<10240x128xf32, #tpu.memory_space<vmem_shared>>) offsets(%arg8 : memref<128xi32, #tpu.memory_space<vmem>>) semaphore(%arg22 : memref<!tpu.dma_semaphore, #tpu.memory_space<semaphore_mem>>) {add = true}
      %dma_start3A_184 = arith.constant 0 : i32
      %dma_start3A_185 = tpu.memref_slice %arg21[%dma_start3A_184] : memref<10240xf32, #tpu.memory_space<vmem_shared>> -> memref<10240xf32, #tpu.memory_space<vmem_shared>>
      tpu.enqueue_indirect_dma source(%arg18 : memref<128xf32, #tpu.memory_space<vmem>>) target(%dma_start3A_185 : memref<10240xf32, #tpu.memory_space<vmem_shared>>) offsets(%arg8 : memref<128xi32, #tpu.memory_space<vmem>>) semaphore(%arg23 : memref<!tpu.dma_semaphore, #tpu.memory_space<semaphore_mem>>) {add = true}
      %dma_wait3A_186 = arith.constant 0 : i32
      %dma_wait3A_187 = arith.constant 0 : i32
      %dma_wait3A_188 = tpu.memref_slice %arg20[%dma_wait3A_186, %dma_wait3A_187] : memref<10240x128xf32, #tpu.memory_space<vmem_shared>> -> memref<10240x128xf32, #tpu.memory_space<vmem_shared>>
      tpu.wait_indirect_dma semaphore(%arg22 : memref<!tpu.dma_semaphore, #tpu.memory_space<semaphore_mem>>) src(%arg14 : memref<128x128xf32, #tpu.memory_space<vmem>>) dst(%dma_wait3A_188 : memref<10240x128xf32, #tpu.memory_space<vmem_shared>>)
      %dma_wait3A_189 = arith.constant 0 : i32
      %dma_wait3A_190 = tpu.memref_slice %arg21[%dma_wait3A_189] : memref<10240xf32, #tpu.memory_space<vmem_shared>> -> memref<10240xf32, #tpu.memory_space<vmem_shared>>
      tpu.wait_indirect_dma semaphore(%arg23 : memref<!tpu.dma_semaphore, #tpu.memory_space<semaphore_mem>>) src(%arg18 : memref<128xf32, #tpu.memory_space<vmem>>) dst(%dma_wait3A_190 : memref<10240xf32, #tpu.memory_space<vmem_shared>>)
      %dma_wait3A_191 = tpu.memref_slice %arg4[%add3A_150] : memref<320000xi32, #tpu.memory_space<hbm>> -> memref<128xi32, #tpu.memory_space<hbm>>
      %dma_wait3A_192 = tpu.memref_slice %arg4[%add3A_150] : memref<320000xi32, #tpu.memory_space<hbm>> -> memref<128xi32, #tpu.memory_space<hbm>>
      tpu.wait_dma2 semaphore(%arg24 : memref<!tpu.dma_semaphore, #tpu.memory_space<semaphore_mem>>) src(%dma_wait3A_192 : memref<128xi32, #tpu.memory_space<hbm>>) dst(%arg10 : memref<128xi32, #tpu.memory_space<vmem>>)
      %dma_wait3A_193 = tpu.memref_slice %arg5[%add3A_150] : memref<320000xi32, #tpu.memory_space<hbm>> -> memref<128xi32, #tpu.memory_space<hbm>>
      %dma_wait3A_194 = tpu.memref_slice %arg5[%add3A_150] : memref<320000xi32, #tpu.memory_space<hbm>> -> memref<128xi32, #tpu.memory_space<hbm>>
      tpu.wait_dma2 semaphore(%arg25 : memref<!tpu.dma_semaphore, #tpu.memory_space<semaphore_mem>>) src(%dma_wait3A_194 : memref<128xi32, #tpu.memory_space<hbm>>) dst(%arg11 : memref<128xi32, #tpu.memory_space<vmem>>)
      %dma_start3A_195 = arith.constant 0 : i32
      %dma_start3A_196 = arith.constant 0 : i32
      %dma_start3A_197 = tpu.memref_slice %arg2[%dma_start3A_195, %dma_start3A_196] : memref<10000x128xf32, #tpu.memory_space<hbm>> -> memref<10000x128xf32, #tpu.memory_space<hbm>>
      tpu.enqueue_indirect_dma source(%dma_start3A_197 : memref<10000x128xf32, #tpu.memory_space<hbm>>) target(%arg14 : memref<128x128xf32, #tpu.memory_space<vmem>>) offsets(%arg10 : memref<128xi32, #tpu.memory_space<vmem>>) semaphore(%arg22 : memref<!tpu.dma_semaphore, #tpu.memory_space<semaphore_mem>>)
      %dma_start3A_198 = arith.constant 0 : i32
      %dma_start3A_199 = arith.constant 0 : i32
      %dma_start3A_200 = tpu.memref_slice %arg3[%dma_start3A_198, %dma_start3A_199] : memref<10000x128xf32, #tpu.memory_space<hbm>> -> memref<10000x128xf32, #tpu.memory_space<hbm>>
      tpu.enqueue_indirect_dma source(%dma_start3A_200 : memref<10000x128xf32, #tpu.memory_space<hbm>>) target(%arg15 : memref<128x128xf32, #tpu.memory_space<vmem>>) offsets(%arg11 : memref<128xi32, #tpu.memory_space<vmem>>) semaphore(%arg23 : memref<!tpu.dma_semaphore, #tpu.memory_space<semaphore_mem>>)
      %dma_wait3A_201 = arith.constant 0 : i32
      %dma_wait3A_202 = arith.constant 0 : i32
      %dma_wait3A_203 = tpu.memref_slice %arg2[%dma_wait3A_201, %dma_wait3A_202] : memref<10000x128xf32, #tpu.memory_space<hbm>> -> memref<10000x128xf32, #tpu.memory_space<hbm>>
      tpu.wait_indirect_dma semaphore(%arg22 : memref<!tpu.dma_semaphore, #tpu.memory_space<semaphore_mem>>) src(%dma_wait3A_203 : memref<10000x128xf32, #tpu.memory_space<hbm>>) dst(%arg14 : memref<128x128xf32, #tpu.memory_space<vmem>>)
      %dma_wait3A_204 = arith.constant 0 : i32
      %dma_wait3A_205 = arith.constant 0 : i32
      %dma_wait3A_206 = tpu.memref_slice %arg3[%dma_wait3A_204, %dma_wait3A_205] : memref<10000x128xf32, #tpu.memory_space<hbm>> -> memref<10000x128xf32, #tpu.memory_space<hbm>>
      tpu.wait_indirect_dma semaphore(%arg23 : memref<!tpu.dma_semaphore, #tpu.memory_space<semaphore_mem>>) src(%dma_wait3A_206 : memref<10000x128xf32, #tpu.memory_space<hbm>>) dst(%arg15 : memref<128x128xf32, #tpu.memory_space<vmem>>)
      %scan3A_207 = arith.constant 0 : i32
      %scan3A_208 = arith.constant 0 : i32
      %scan3A_209 = arith.constant 128 : i32
      %scan3A_210 = arith.addi %scan3A_208, %scan3A_209 : i32
      %scan3A_211 = arith.constant 1 : i32
      scf.for %scan3A_223 = %scan3A_208 to %scan3A_210 step %scan3A_211  : i32 {
        %get3A = arith.index_cast %scan3A_223 : i32 to index
        %get3A_224 = arith.constant 0 : index
        %get3A_225 = tpu.vector_load %arg14[%get3A, %get3A_224] {strides = array<i32>} : memref<128x128xf32, #tpu.memory_space<vmem>>, vector<1x16xf32>,
        %get3A_226 = vector.shape_cast %get3A_225 : vector<1x16xf32> to vector<16xf32>
        %get3A_227 = arith.index_cast %scan3A_223 : i32 to index
        %get3A_228 = arith.constant 0 : index
        %get3A_229 = tpu.vector_load %arg15[%get3A_227, %get3A_228] {strides = array<i32>} : memref<128x128xf32, #tpu.memory_space<vmem>>, vector<1x16xf32>,
        %get3A_230 = vector.shape_cast %get3A_229 : vector<1x16xf32> to vector<16xf32>
        %add3A_231 = arith.addf %get3A_226, %get3A_230 : vector<16xf32>
        %max3A = arith.constant 0.000000e+00 : f32
        %max3A_232 = vector.broadcast %max3A : f32 to vector<16xf32>
        %max3A_233 = arith.maximumf %add3A_231, %max3A_232 : vector<16xf32>
        %swap3A_234 = arith.index_cast %scan3A_223 : i32 to index
        %swap3A_235 = arith.constant 0 : index
        %swap3A_236 = tpu.vector_load %arg14[%swap3A_234, %swap3A_235] {strides = array<i32>} : memref<128x128xf32, #tpu.memory_space<vmem>>, vector<1x16xf32>,
        %swap3A_237 = vector.shape_cast %swap3A_236 : vector<1x16xf32> to vector<16xf32>
        %swap3A_238 = vector.shape_cast %max3A_233 : vector<16xf32> to vector<1x16xf32>
        tpu.vector_store %arg14[%swap3A_234, %swap3A_235], %swap3A_238 {strides = array<i32>} : memref<128x128xf32, #tpu.memory_space<vmem>>, vector<1x16xf32>,
        %get3A_239 = arith.index_cast %scan3A_223 : i32 to index
        %get3A_240 = arith.constant 16 : index
        %get3A_241 = tpu.vector_load %arg14[%get3A_239, %get3A_240] {strides = array<i32>} : memref<128x128xf32, #tpu.memory_space<vmem>>, vector<1x16xf32>,
        %get3A_242 = vector.shape_cast %get3A_241 : vector<1x16xf32> to vector<16xf32>
        %get3A_243 = arith.index_cast %scan3A_223 : i32 to index
        %get3A_244 = arith.constant 16 : index
        %get3A_245 = tpu.vector_load %arg15[%get3A_243, %get3A_244] {strides = array<i32>} : memref<128x128xf32, #tpu.memory_space<vmem>>, vector<1x16xf32>,
        %get3A_246 = vector.shape_cast %get3A_245 : vector<1x16xf32> to vector<16xf32>
        %add3A_247 = arith.addf %get3A_242, %get3A_246 : vector<16xf32>
        %max3A_248 = arith.constant 0.000000e+00 : f32
        %max3A_249 = vector.broadcast %max3A_248 : f32 to vector<16xf32>
        %max3A_250 = arith.maximumf %add3A_247, %max3A_249 : vector<16xf32>
        %swap3A_251 = arith.index_cast %scan3A_223 : i32 to index
        %swap3A_252 = arith.constant 16 : index
        %swap3A_253 = tpu.vector_load %arg14[%swap3A_251, %swap3A_252] {strides = array<i32>} : memref<128x128xf32, #tpu.memory_space<vmem>>, vector<1x16xf32>,
        %swap3A_254 = vector.shape_cast %swap3A_253 : vector<1x16xf32> to vector<16xf32>
        %swap3A_255 = vector.shape_cast %max3A_250 : vector<16xf32> to vector<1x16xf32>
        tpu.vector_store %arg14[%swap3A_251, %swap3A_252], %swap3A_255 {strides = array<i32>} : memref<128x128xf32, #tpu.memory_space<vmem>>, vector<1x16xf32>,
        %get3A_256 = arith.index_cast %scan3A_223 : i32 to index
        %get3A_257 = arith.constant 32 : index
        %get3A_258 = tpu.vector_load %arg14[%get3A_256, %get3A_257] {strides = array<i32>} : memref<128x128xf32, #tpu.memory_space<vmem>>, vector<1x16xf32>,
        %get3A_259 = vector.shape_cast %get3A_258 : vector<1x16xf32> to vector<16xf32>
        %get3A_260 = arith.index_cast %scan3A_223 : i32 to index
        %get3A_261 = arith.constant 32 : index
        %get3A_262 = tpu.vector_load %arg15[%get3A_260, %get3A_261] {strides = array<i32>} : memref<128x128xf32, #tpu.memory_space<vmem>>, vector<1x16xf32>,
        %get3A_263 = vector.shape_cast %get3A_262 : vector<1x16xf32> to vector<16xf32>
        %add3A_264 = arith.addf %get3A_259, %get3A_263 : vector<16xf32>
        %max3A_265 = arith.constant 0.000000e+00 : f32
        %max3A_266 = vector.broadcast %max3A_265 : f32 to vector<16xf32>
        %max3A_267 = arith.maximumf %add3A_264, %max3A_266 : vector<16xf32>
        %swap3A_268 = arith.index_cast %scan3A_223 : i32 to index
        %swap3A_269 = arith.constant 32 : index
        %swap3A_270 = tpu.vector_load %arg14[%swap3A_268, %swap3A_269] {strides = array<i32>} : memref<128x128xf32, #tpu.memory_space<vmem>>, vector<1x16xf32>,
        %swap3A_271 = vector.shape_cast %swap3A_270 : vector<1x16xf32> to vector<16xf32>
        %swap3A_272 = vector.shape_cast %max3A_267 : vector<16xf32> to vector<1x16xf32>
        tpu.vector_store %arg14[%swap3A_268, %swap3A_269], %swap3A_272 {strides = array<i32>} : memref<128x128xf32, #tpu.memory_space<vmem>>, vector<1x16xf32>,
        %get3A_273 = arith.index_cast %scan3A_223 : i32 to index
        %get3A_274 = arith.constant 48 : index
        %get3A_275 = tpu.vector_load %arg14[%get3A_273, %get3A_274] {strides = array<i32>} : memref<128x128xf32, #tpu.memory_space<vmem>>, vector<1x16xf32>,
        %get3A_276 = vector.shape_cast %get3A_275 : vector<1x16xf32> to vector<16xf32>
        %get3A_277 = arith.index_cast %scan3A_223 : i32 to index
        %get3A_278 = arith.constant 48 : index
        %get3A_279 = tpu.vector_load %arg15[%get3A_277, %get3A_278] {strides = array<i32>} : memref<128x128xf32, #tpu.memory_space<vmem>>, vector<1x16xf32>,
        %get3A_280 = vector.shape_cast %get3A_279 : vector<1x16xf32> to vector<16xf32>
        %add3A_281 = arith.addf %get3A_276, %get3A_280 : vector<16xf32>
        %max3A_282 = arith.constant 0.000000e+00 : f32
        %max3A_283 = vector.broadcast %max3A_282 : f32 to vector<16xf32>
        %max3A_284 = arith.maximumf %add3A_281, %max3A_283 : vector<16xf32>
        %swap3A_285 = arith.index_cast %scan3A_223 : i32 to index
        %swap3A_286 = arith.constant 48 : index
        %swap3A_287 = tpu.vector_load %arg14[%swap3A_285, %swap3A_286] {strides = array<i32>} : memref<128x128xf32, #tpu.memory_space<vmem>>, vector<1x16xf32>,
        %swap3A_288 = vector.shape_cast %swap3A_287 : vector<1x16xf32> to vector<16xf32>
        %swap3A_289 = vector.shape_cast %max3A_284 : vector<16xf32> to vector<1x16xf32>
        tpu.vector_store %arg14[%swap3A_285, %swap3A_286], %swap3A_289 {strides = array<i32>} : memref<128x128xf32, #tpu.memory_space<vmem>>, vector<1x16xf32>,
        %get3A_290 = arith.index_cast %scan3A_223 : i32 to index
        %get3A_291 = arith.constant 64 : index
        %get3A_292 = tpu.vector_load %arg14[%get3A_290, %get3A_291] {strides = array<i32>} : memref<128x128xf32, #tpu.memory_space<vmem>>, vector<1x16xf32>,
        %get3A_293 = vector.shape_cast %get3A_292 : vector<1x16xf32> to vector<16xf32>
        %get3A_294 = arith.index_cast %scan3A_223 : i32 to index
        %get3A_295 = arith.constant 64 : index
        %get3A_296 = tpu.vector_load %arg15[%get3A_294, %get3A_295] {strides = array<i32>} : memref<128x128xf32, #tpu.memory_space<vmem>>, vector<1x16xf32>,
        %get3A_297 = vector.shape_cast %get3A_296 : vector<1x16xf32> to vector<16xf32>
        %add3A_298 = arith.addf %get3A_293, %get3A_297 : vector<16xf32>
        %max3A_299 = arith.constant 0.000000e+00 : f32
        %max3A_300 = vector.broadcast %max3A_299 : f32 to vector<16xf32>
        %max3A_301 = arith.maximumf %add3A_298, %max3A_300 : vector<16xf32>
        %swap3A_302 = arith.index_cast %scan3A_223 : i32 to index
        %swap3A_303 = arith.constant 64 : index
        %swap3A_304 = tpu.vector_load %arg14[%swap3A_302, %swap3A_303] {strides = array<i32>} : memref<128x128xf32, #tpu.memory_space<vmem>>, vector<1x16xf32>,
        %swap3A_305 = vector.shape_cast %swap3A_304 : vector<1x16xf32> to vector<16xf32>
        %swap3A_306 = vector.shape_cast %max3A_301 : vector<16xf32> to vector<1x16xf32>
        tpu.vector_store %arg14[%swap3A_302, %swap3A_303], %swap3A_306 {strides = array<i32>} : memref<128x128xf32, #tpu.memory_space<vmem>>, vector<1x16xf32>,
        %get3A_307 = arith.index_cast %scan3A_223 : i32 to index
        %get3A_308 = arith.constant 80 : index
        %get3A_309 = tpu.vector_load %arg14[%get3A_307, %get3A_308] {strides = array<i32>} : memref<128x128xf32, #tpu.memory_space<vmem>>, vector<1x16xf32>,
        %get3A_310 = vector.shape_cast %get3A_309 : vector<1x16xf32> to vector<16xf32>
        %get3A_311 = arith.index_cast %scan3A_223 : i32 to index
        %get3A_312 = arith.constant 80 : index
        %get3A_313 = tpu.vector_load %arg15[%get3A_311, %get3A_312] {strides = array<i32>} : memref<128x128xf32, #tpu.memory_space<vmem>>, vector<1x16xf32>,
        %get3A_314 = vector.shape_cast %get3A_313 : vector<1x16xf32> to vector<16xf32>
        %add3A_315 = arith.addf %get3A_310, %get3A_314 : vector<16xf32>
        %max3A_316 = arith.constant 0.000000e+00 : f32
        %max3A_317 = vector.broadcast %max3A_316 : f32 to vector<16xf32>
        %max3A_318 = arith.maximumf %add3A_315, %max3A_317 : vector<16xf32>
        %swap3A_319 = arith.index_cast %scan3A_223 : i32 to index
        %swap3A_320 = arith.constant 80 : index
        %swap3A_321 = tpu.vector_load %arg14[%swap3A_319, %swap3A_320] {strides = array<i32>} : memref<128x128xf32, #tpu.memory_space<vmem>>, vector<1x16xf32>,
        %swap3A_322 = vector.shape_cast %swap3A_321 : vector<1x16xf32> to vector<16xf32>
        %swap3A_323 = vector.shape_cast %max3A_318 : vector<16xf32> to vector<1x16xf32>
        tpu.vector_store %arg14[%swap3A_319, %swap3A_320], %swap3A_323 {strides = array<i32>} : memref<128x128xf32, #tpu.memory_space<vmem>>, vector<1x16xf32>,
        %get3A_324 = arith.index_cast %scan3A_223 : i32 to index
        %get3A_325 = arith.constant 96 : index
        %get3A_326 = tpu.vector_load %arg14[%get3A_324, %get3A_325] {strides = array<i32>} : memref<128x128xf32, #tpu.memory_space<vmem>>, vector<1x16xf32>,
        %get3A_327 = vector.shape_cast %get3A_326 : vector<1x16xf32> to vector<16xf32>
        %get3A_328 = arith.index_cast %scan3A_223 : i32 to index
        %get3A_329 = arith.constant 96 : index
        %get3A_330 = tpu.vector_load %arg15[%get3A_328, %get3A_329] {strides = array<i32>} : memref<128x128xf32, #tpu.memory_space<vmem>>, vector<1x16xf32>,
        %get3A_331 = vector.shape_cast %get3A_330 : vector<1x16xf32> to vector<16xf32>
        %add3A_332 = arith.addf %get3A_327, %get3A_331 : vector<16xf32>
        %max3A_333 = arith.constant 0.000000e+00 : f32
        %max3A_334 = vector.broadcast %max3A_333 : f32 to vector<16xf32>
        %max3A_335 = arith.maximumf %add3A_332, %max3A_334 : vector<16xf32>
        %swap3A_336 = arith.index_cast %scan3A_223 : i32 to index
        %swap3A_337 = arith.constant 96 : index
        %swap3A_338 = tpu.vector_load %arg14[%swap3A_336, %swap3A_337] {strides = array<i32>} : memref<128x128xf32, #tpu.memory_space<vmem>>, vector<1x16xf32>,
        %swap3A_339 = vector.shape_cast %swap3A_338 : vector<1x16xf32> to vector<16xf32>
        %swap3A_340 = vector.shape_cast %max3A_335 : vector<16xf32> to vector<1x16xf32>
        tpu.vector_store %arg14[%swap3A_336, %swap3A_337], %swap3A_340 {strides = array<i32>} : memref<128x128xf32, #tpu.memory_space<vmem>>, vector<1x16xf32>,
        %get3A_341 = arith.index_cast %scan3A_223 : i32 to index
        %get3A_342 = arith.constant 112 : index
        %get3A_343 = tpu.vector_load %arg14[%get3A_341, %get3A_342] {strides = array<i32>} : memref<128x128xf32, #tpu.memory_space<vmem>>, vector<1x16xf32>,
        %get3A_344 = vector.shape_cast %get3A_343 : vector<1x16xf32> to vector<16xf32>
        %get3A_345 = arith.index_cast %scan3A_223 : i32 to index
        %get3A_346 = arith.constant 112 : index
        %get3A_347 = tpu.vector_load %arg15[%get3A_345, %get3A_346] {strides = array<i32>} : memref<128x128xf32, #tpu.memory_space<vmem>>, vector<1x16xf32>,
        %get3A_348 = vector.shape_cast %get3A_347 : vector<1x16xf32> to vector<16xf32>
        %add3A_349 = arith.addf %get3A_344, %get3A_348 : vector<16xf32>
        %max3A_350 = arith.constant 0.000000e+00 : f32
        %max3A_351 = vector.broadcast %max3A_350 : f32 to vector<16xf32>
        %max3A_352 = arith.maximumf %add3A_349, %max3A_351 : vector<16xf32>
        %swap3A_353 = arith.index_cast %scan3A_223 : i32 to index
        %swap3A_354 = arith.constant 112 : index
        %swap3A_355 = tpu.vector_load %arg14[%swap3A_353, %swap3A_354] {strides = array<i32>} : memref<128x128xf32, #tpu.memory_space<vmem>>, vector<1x16xf32>,
        %swap3A_356 = vector.shape_cast %swap3A_355 : vector<1x16xf32> to vector<16xf32>
        %swap3A_357 = vector.shape_cast %max3A_352 : vector<16xf32> to vector<1x16xf32>
        tpu.vector_store %arg14[%swap3A_353, %swap3A_354], %swap3A_357 {strides = array<i32>} : memref<128x128xf32, #tpu.memory_space<vmem>>, vector<1x16xf32>,
      }
      %scan3A_212 = arith.constant 128 : i32
      %dma_start3A_213 = arith.constant 0 : i32
      %dma_start3A_214 = arith.constant 0 : i32
      %dma_start3A_215 = tpu.memref_slice %arg20[%dma_start3A_213, %dma_start3A_214] : memref<10240x128xf32, #tpu.memory_space<vmem_shared>> -> memref<10240x128xf32, #tpu.memory_space<vmem_shared>>
      tpu.enqueue_indirect_dma source(%arg14 : memref<128x128xf32, #tpu.memory_space<vmem>>) target(%dma_start3A_215 : memref<10240x128xf32, #tpu.memory_space<vmem_shared>>) offsets(%arg10 : memref<128xi32, #tpu.memory_space<vmem>>) semaphore(%arg22 : memref<!tpu.dma_semaphore, #tpu.memory_space<semaphore_mem>>) {add = true}
      %dma_start3A_216 = arith.constant 0 : i32
      %dma_start3A_217 = tpu.memref_slice %arg21[%dma_start3A_216] : memref<10240xf32, #tpu.memory_space<vmem_shared>> -> memref<10240xf32, #tpu.memory_space<vmem_shared>>
      tpu.enqueue_indirect_dma source(%arg18 : memref<128xf32, #tpu.memory_space<vmem>>) target(%dma_start3A_217 : memref<10240xf32, #tpu.memory_space<vmem_shared>>) offsets(%arg10 : memref<128xi32, #tpu.memory_space<vmem>>) semaphore(%arg23 : memref<!tpu.dma_semaphore, #tpu.memory_space<semaphore_mem>>) {add = true}
      %dma_wait3A_218 = arith.constant 0 : i32
      %dma_wait3A_219 = arith.constant 0 : i32
      %dma_wait3A_220 = tpu.memref_slice %arg20[%dma_wait3A_218, %dma_wait3A_219] : memref<10240x128xf32, #tpu.memory_space<vmem_shared>> -> memref<10240x128xf32, #tpu.memory_space<vmem_shared>>
      tpu.wait_indirect_dma semaphore(%arg22 : memref<!tpu.dma_semaphore, #tpu.memory_space<semaphore_mem>>) src(%arg14 : memref<128x128xf32, #tpu.memory_space<vmem>>) dst(%dma_wait3A_220 : memref<10240x128xf32, #tpu.memory_space<vmem_shared>>)
      %dma_wait3A_221 = arith.constant 0 : i32
      %dma_wait3A_222 = tpu.memref_slice %arg21[%dma_wait3A_221] : memref<10240xf32, #tpu.memory_space<vmem_shared>> -> memref<10240xf32, #tpu.memory_space<vmem_shared>>
      tpu.wait_indirect_dma semaphore(%arg23 : memref<!tpu.dma_semaphore, #tpu.memory_space<semaphore_mem>>) src(%arg18 : memref<128xf32, #tpu.memory_space<vmem>>) dst(%dma_wait3A_222 : memref<10240xf32, #tpu.memory_space<vmem_shared>>)
    }
    %scan3A_103 = arith.constant 39 : i32
    %add3A_104 = arith.constant 9984 : i32
    %add3A_105 = arith.addi %mul3A_97, %add3A_104 : i32
    "tpu.region"() ({
      %run_scoped3A = tpu.sem_alloc : memref<!tpu.dma_semaphore, #tpu.memory_space<semaphore_mem>>
      %dma_start3A_143 = tpu.memref_slice %arg4[%add3A_105] : memref<320000xi32, #tpu.memory_space<hbm>> -> memref<16xi32, #tpu.memory_space<hbm>>
      %dma_start3A_144 = tpu.memref_slice %arg4[%add3A_105] : memref<320000xi32, #tpu.memory_space<hbm>> -> memref<16xi32, #tpu.memory_space<hbm>>
      tpu.enqueue_dma source(%dma_start3A_144 : memref<16xi32, #tpu.memory_space<hbm>>) target(%arg12 : memref<16xi32, #tpu.memory_space<vmem>>) target_semaphore(%run_scoped3A : memref<!tpu.dma_semaphore, #tpu.memory_space<semaphore_mem>>)
      %dma_wait3A_145 = tpu.memref_slice %arg4[%add3A_105] : memref<320000xi32, #tpu.memory_space<hbm>> -> memref<16xi32, #tpu.memory_space<hbm>>
      %dma_wait3A_146 = tpu.memref_slice %arg4[%add3A_105] : memref<320000xi32, #tpu.memory_space<hbm>> -> memref<16xi32, #tpu.memory_space<hbm>>
      tpu.wait_dma2 semaphore(%run_scoped3A : memref<!tpu.dma_semaphore, #tpu.memory_space<semaphore_mem>>) src(%dma_wait3A_146 : memref<16xi32, #tpu.memory_space<hbm>>) dst(%arg12 : memref<16xi32, #tpu.memory_space<vmem>>)
      tpu.yield
    }) : () -> ()
    "tpu.region"() ({
      %run_scoped3A = tpu.sem_alloc : memref<!tpu.dma_semaphore, #tpu.memory_space<semaphore_mem>>
      %dma_start3A_143 = tpu.memref_slice %arg5[%add3A_105] : memref<320000xi32, #tpu.memory_space<hbm>> -> memref<16xi32, #tpu.memory_space<hbm>>
      %dma_start3A_144 = tpu.memref_slice %arg5[%add3A_105] : memref<320000xi32, #tpu.memory_space<hbm>> -> memref<16xi32, #tpu.memory_space<hbm>>
      tpu.enqueue_dma source(%dma_start3A_144 : memref<16xi32, #tpu.memory_space<hbm>>) target(%arg13 : memref<16xi32, #tpu.memory_space<vmem>>) target_semaphore(%run_scoped3A : memref<!tpu.dma_semaphore, #tpu.memory_space<semaphore_mem>>)
      %dma_wait3A_145 = tpu.memref_slice %arg5[%add3A_105] : memref<320000xi32, #tpu.memory_space<hbm>> -> memref<16xi32, #tpu.memory_space<hbm>>
      %dma_wait3A_146 = tpu.memref_slice %arg5[%add3A_105] : memref<320000xi32, #tpu.memory_space<hbm>> -> memref<16xi32, #tpu.memory_space<hbm>>
      tpu.wait_dma2 semaphore(%run_scoped3A : memref<!tpu.dma_semaphore, #tpu.memory_space<semaphore_mem>>) src(%dma_wait3A_146 : memref<16xi32, #tpu.memory_space<hbm>>) dst(%arg13 : memref<16xi32, #tpu.memory_space<vmem>>)
      tpu.yield
    }) : () -> ()
    %dma_start3A = arith.constant 0 : i32
    %dma_start3A_106 = arith.constant 0 : i32
    %dma_start3A_107 = tpu.memref_slice %arg2[%dma_start3A, %dma_start3A_106] : memref<10000x128xf32, #tpu.memory_space<hbm>> -> memref<10000x128xf32, #tpu.memory_space<hbm>>
    tpu.enqueue_indirect_dma source(%dma_start3A_107 : memref<10000x128xf32, #tpu.memory_space<hbm>>) target(%arg16 : memref<16x128xf32, #tpu.memory_space<vmem>>) offsets(%arg12 : memref<16xi32, #tpu.memory_space<vmem>>) semaphore(%arg22 : memref<!tpu.dma_semaphore, #tpu.memory_space<semaphore_mem>>)
    %dma_start3A_108 = arith.constant 0 : i32
    %dma_start3A_109 = arith.constant 0 : i32
    %dma_start3A_110 = tpu.memref_slice %arg3[%dma_start3A_108, %dma_start3A_109] : memref<10000x128xf32, #tpu.memory_space<hbm>> -> memref<10000x128xf32, #tpu.memory_space<hbm>>
    tpu.enqueue_indirect_dma source(%dma_start3A_110 : memref<10000x128xf32, #tpu.memory_space<hbm>>) target(%arg17 : memref<16x128xf32, #tpu.memory_space<vmem>>) offsets(%arg13 : memref<16xi32, #tpu.memory_space<vmem>>) semaphore(%arg23 : memref<!tpu.dma_semaphore, #tpu.memory_space<semaphore_mem>>)
    %dma_wait3A = arith.constant 0 : i32
    %dma_wait3A_111 = arith.constant 0 : i32
    %dma_wait3A_112 = tpu.memref_slice %arg2[%dma_wait3A, %dma_wait3A_111] : memref<10000x128xf32, #tpu.memory_space<hbm>> -> memref<10000x128xf32, #tpu.memory_space<hbm>>
    tpu.wait_indirect_dma semaphore(%arg22 : memref<!tpu.dma_semaphore, #tpu.memory_space<semaphore_mem>>) src(%dma_wait3A_112 : memref<10000x128xf32, #tpu.memory_space<hbm>>) dst(%arg16 : memref<16x128xf32, #tpu.memory_space<vmem>>)
    %dma_wait3A_113 = arith.constant 0 : i32
    %dma_wait3A_114 = arith.constant 0 : i32
    %dma_wait3A_115 = tpu.memref_slice %arg3[%dma_wait3A_113, %dma_wait3A_114] : memref<10000x128xf32, #tpu.memory_space<hbm>> -> memref<10000x128xf32, #tpu.memory_space<hbm>>
    tpu.wait_indirect_dma semaphore(%arg23 : memref<!tpu.dma_semaphore, #tpu.memory_space<semaphore_mem>>) src(%dma_wait3A_115 : memref<10000x128xf32, #tpu.memory_space<hbm>>) dst(%arg17 : memref<16x128xf32, #tpu.memory_space<vmem>>)
    %scan3A_116 = arith.constant 0 : i32
    %scan3A_117 = arith.constant 0 : i32
    %scan3A_118 = arith.constant 16 : i32
    %scan3A_119 = arith.addi %scan3A_117, %scan3A_118 : i32
    %scan3A_120 = arith.constant 1 : i32
    scf.for %scan3A_143 = %scan3A_117 to %scan3A_119 step %scan3A_120  : i32 {
      %get3A = arith.index_cast %scan3A_143 : i32 to index
      %get3A_144 = arith.constant 0 : index
      %get3A_145 = tpu.vector_load %arg16[%get3A, %get3A_144] {strides = array<i32>} : memref<16x128xf32, #tpu.memory_space<vmem>>, vector<1x16xf32>,
      %get3A_146 = vector.shape_cast %get3A_145 : vector<1x16xf32> to vector<16xf32>
      %get3A_147 = arith.index_cast %scan3A_143 : i32 to index
      %get3A_148 = arith.constant 0 : index
      %get3A_149 = tpu.vector_load %arg17[%get3A_147, %get3A_148] {strides = array<i32>} : memref<16x128xf32, #tpu.memory_space<vmem>>, vector<1x16xf32>,
      %get3A_150 = vector.shape_cast %get3A_149 : vector<1x16xf32> to vector<16xf32>
      %add3A_151 = arith.addf %get3A_146, %get3A_150 : vector<16xf32>
      %max3A = arith.constant 0.000000e+00 : f32
      %max3A_152 = vector.broadcast %max3A : f32 to vector<16xf32>
      %max3A_153 = arith.maximumf %add3A_151, %max3A_152 : vector<16xf32>
      %swap3A_154 = arith.index_cast %scan3A_143 : i32 to index
      %swap3A_155 = arith.constant 0 : index
      %swap3A_156 = tpu.vector_load %arg16[%swap3A_154, %swap3A_155] {strides = array<i32>} : memref<16x128xf32, #tpu.memory_space<vmem>>, vector<1x16xf32>,
      %swap3A_157 = vector.shape_cast %swap3A_156 : vector<1x16xf32> to vector<16xf32>
      %swap3A_158 = vector.shape_cast %max3A_153 : vector<16xf32> to vector<1x16xf32>
      tpu.vector_store %arg16[%swap3A_154, %swap3A_155], %swap3A_158 {strides = array<i32>} : memref<16x128xf32, #tpu.memory_space<vmem>>, vector<1x16xf32>,
      %get3A_159 = arith.index_cast %scan3A_143 : i32 to index
      %get3A_160 = arith.constant 16 : index
      %get3A_161 = tpu.vector_load %arg16[%get3A_159, %get3A_160] {strides = array<i32>} : memref<16x128xf32, #tpu.memory_space<vmem>>, vector<1x16xf32>,
      %get3A_162 = vector.shape_cast %get3A_161 : vector<1x16xf32> to vector<16xf32>
      %get3A_163 = arith.index_cast %scan3A_143 : i32 to index
      %get3A_164 = arith.constant 16 : index
      %get3A_165 = tpu.vector_load %arg17[%get3A_163, %get3A_164] {strides = array<i32>} : memref<16x128xf32, #tpu.memory_space<vmem>>, vector<1x16xf32>,
      %get3A_166 = vector.shape_cast %get3A_165 : vector<1x16xf32> to vector<16xf32>
      %add3A_167 = arith.addf %get3A_162, %get3A_166 : vector<16xf32>
      %max3A_168 = arith.constant 0.000000e+00 : f32
      %max3A_169 = vector.broadcast %max3A_168 : f32 to vector<16xf32>
      %max3A_170 = arith.maximumf %add3A_167, %max3A_169 : vector<16xf32>
      %swap3A_171 = arith.index_cast %scan3A_143 : i32 to index
      %swap3A_172 = arith.constant 16 : index
      %swap3A_173 = tpu.vector_load %arg16[%swap3A_171, %swap3A_172] {strides = array<i32>} : memref<16x128xf32, #tpu.memory_space<vmem>>, vector<1x16xf32>,
      %swap3A_174 = vector.shape_cast %swap3A_173 : vector<1x16xf32> to vector<16xf32>
      %swap3A_175 = vector.shape_cast %max3A_170 : vector<16xf32> to vector<1x16xf32>
      tpu.vector_store %arg16[%swap3A_171, %swap3A_172], %swap3A_175 {strides = array<i32>} : memref<16x128xf32, #tpu.memory_space<vmem>>, vector<1x16xf32>,
      %get3A_176 = arith.index_cast %scan3A_143 : i32 to index
      %get3A_177 = arith.constant 32 : index
      %get3A_178 = tpu.vector_load %arg16[%get3A_176, %get3A_177] {strides = array<i32>} : memref<16x128xf32, #tpu.memory_space<vmem>>, vector<1x16xf32>,
      %get3A_179 = vector.shape_cast %get3A_178 : vector<1x16xf32> to vector<16xf32>
      %get3A_180 = arith.index_cast %scan3A_143 : i32 to index
      %get3A_181 = arith.constant 32 : index
      %get3A_182 = tpu.vector_load %arg17[%get3A_180, %get3A_181] {strides = array<i32>} : memref<16x128xf32, #tpu.memory_space<vmem>>, vector<1x16xf32>,
      %get3A_183 = vector.shape_cast %get3A_182 : vector<1x16xf32> to vector<16xf32>
      %add3A_184 = arith.addf %get3A_179, %get3A_183 : vector<16xf32>
      %max3A_185 = arith.constant 0.000000e+00 : f32
      %max3A_186 = vector.broadcast %max3A_185 : f32 to vector<16xf32>
      %max3A_187 = arith.maximumf %add3A_184, %max3A_186 : vector<16xf32>
      %swap3A_188 = arith.index_cast %scan3A_143 : i32 to index
      %swap3A_189 = arith.constant 32 : index
      %swap3A_190 = tpu.vector_load %arg16[%swap3A_188, %swap3A_189] {strides = array<i32>} : memref<16x128xf32, #tpu.memory_space<vmem>>, vector<1x16xf32>,
      %swap3A_191 = vector.shape_cast %swap3A_190 : vector<1x16xf32> to vector<16xf32>
      %swap3A_192 = vector.shape_cast %max3A_187 : vector<16xf32> to vector<1x16xf32>
      tpu.vector_store %arg16[%swap3A_188, %swap3A_189], %swap3A_192 {strides = array<i32>} : memref<16x128xf32, #tpu.memory_space<vmem>>, vector<1x16xf32>,
      %get3A_193 = arith.index_cast %scan3A_143 : i32 to index
      %get3A_194 = arith.constant 48 : index
      %get3A_195 = tpu.vector_load %arg16[%get3A_193, %get3A_194] {strides = array<i32>} : memref<16x128xf32, #tpu.memory_space<vmem>>, vector<1x16xf32>,
      %get3A_196 = vector.shape_cast %get3A_195 : vector<1x16xf32> to vector<16xf32>
      %get3A_197 = arith.index_cast %scan3A_143 : i32 to index
      %get3A_198 = arith.constant 48 : index
      %get3A_199 = tpu.vector_load %arg17[%get3A_197, %get3A_198] {strides = array<i32>} : memref<16x128xf32, #tpu.memory_space<vmem>>, vector<1x16xf32>,
      %get3A_200 = vector.shape_cast %get3A_199 : vector<1x16xf32> to vector<16xf32>
      %add3A_201 = arith.addf %get3A_196, %get3A_200 : vector<16xf32>
      %max3A_202 = arith.constant 0.000000e+00 : f32
      %max3A_203 = vector.broadcast %max3A_202 : f32 to vector<16xf32>
      %max3A_204 = arith.maximumf %add3A_201, %max3A_203 : vector<16xf32>
      %swap3A_205 = arith.index_cast %scan3A_143 : i32 to index
      %swap3A_206 = arith.constant 48 : index
      %swap3A_207 = tpu.vector_load %arg16[%swap3A_205, %swap3A_206] {strides = array<i32>} : memref<16x128xf32, #tpu.memory_space<vmem>>, vector<1x16xf32>,
      %swap3A_208 = vector.shape_cast %swap3A_207 : vector<1x16xf32> to vector<16xf32>
      %swap3A_209 = vector.shape_cast %max3A_204 : vector<16xf32> to vector<1x16xf32>
      tpu.vector_store %arg16[%swap3A_205, %swap3A_206], %swap3A_209 {strides = array<i32>} : memref<16x128xf32, #tpu.memory_space<vmem>>, vector<1x16xf32>,
      %get3A_210 = arith.index_cast %scan3A_143 : i32 to index
      %get3A_211 = arith.constant 64 : index
      %get3A_212 = tpu.vector_load %arg16[%get3A_210, %get3A_211] {strides = array<i32>} : memref<16x128xf32, #tpu.memory_space<vmem>>, vector<1x16xf32>,
      %get3A_213 = vector.shape_cast %get3A_212 : vector<1x16xf32> to vector<16xf32>
      %get3A_214 = arith.index_cast %scan3A_143 : i32 to index
      %get3A_215 = arith.constant 64 : index
      %get3A_216 = tpu.vector_load %arg17[%get3A_214, %get3A_215] {strides = array<i32>} : memref<16x128xf32, #tpu.memory_space<vmem>>, vector<1x16xf32>,
      %get3A_217 = vector.shape_cast %get3A_216 : vector<1x16xf32> to vector<16xf32>
      %add3A_218 = arith.addf %get3A_213, %get3A_217 : vector<16xf32>
      %max3A_219 = arith.constant 0.000000e+00 : f32
      %max3A_220 = vector.broadcast %max3A_219 : f32 to vector<16xf32>
      %max3A_221 = arith.maximumf %add3A_218, %max3A_220 : vector<16xf32>
      %swap3A_222 = arith.index_cast %scan3A_143 : i32 to index
      %swap3A_223 = arith.constant 64 : index
      %swap3A_224 = tpu.vector_load %arg16[%swap3A_222, %swap3A_223] {strides = array<i32>} : memref<16x128xf32, #tpu.memory_space<vmem>>, vector<1x16xf32>,
      %swap3A_225 = vector.shape_cast %swap3A_224 : vector<1x16xf32> to vector<16xf32>
      %swap3A_226 = vector.shape_cast %max3A_221 : vector<16xf32> to vector<1x16xf32>
      tpu.vector_store %arg16[%swap3A_222, %swap3A_223], %swap3A_226 {strides = array<i32>} : memref<16x128xf32, #tpu.memory_space<vmem>>, vector<1x16xf32>,
      %get3A_227 = arith.index_cast %scan3A_143 : i32 to index
      %get3A_228 = arith.constant 80 : index
      %get3A_229 = tpu.vector_load %arg16[%get3A_227, %get3A_228] {strides = array<i32>} : memref<16x128xf32, #tpu.memory_space<vmem>>, vector<1x16xf32>,
      %get3A_230 = vector.shape_cast %get3A_229 : vector<1x16xf32> to vector<16xf32>
      %get3A_231 = arith.index_cast %scan3A_143 : i32 to index
      %get3A_232 = arith.constant 80 : index
      %get3A_233 = tpu.vector_load %arg17[%get3A_231, %get3A_232] {strides = array<i32>} : memref<16x128xf32, #tpu.memory_space<vmem>>, vector<1x16xf32>,
      %get3A_234 = vector.shape_cast %get3A_233 : vector<1x16xf32> to vector<16xf32>
      %add3A_235 = arith.addf %get3A_230, %get3A_234 : vector<16xf32>
      %max3A_236 = arith.constant 0.000000e+00 : f32
      %max3A_237 = vector.broadcast %max3A_236 : f32 to vector<16xf32>
      %max3A_238 = arith.maximumf %add3A_235, %max3A_237 : vector<16xf32>
      %swap3A_239 = arith.index_cast %scan3A_143 : i32 to index
      %swap3A_240 = arith.constant 80 : index
      %swap3A_241 = tpu.vector_load %arg16[%swap3A_239, %swap3A_240] {strides = array<i32>} : memref<16x128xf32, #tpu.memory_space<vmem>>, vector<1x16xf32>,
      %swap3A_242 = vector.shape_cast %swap3A_241 : vector<1x16xf32> to vector<16xf32>
      %swap3A_243 = vector.shape_cast %max3A_238 : vector<16xf32> to vector<1x16xf32>
      tpu.vector_store %arg16[%swap3A_239, %swap3A_240], %swap3A_243 {strides = array<i32>} : memref<16x128xf32, #tpu.memory_space<vmem>>, vector<1x16xf32>,
      %get3A_244 = arith.index_cast %scan3A_143 : i32 to index
      %get3A_245 = arith.constant 96 : index
      %get3A_246 = tpu.vector_load %arg16[%get3A_244, %get3A_245] {strides = array<i32>} : memref<16x128xf32, #tpu.memory_space<vmem>>, vector<1x16xf32>,
      %get3A_247 = vector.shape_cast %get3A_246 : vector<1x16xf32> to vector<16xf32>
      %get3A_248 = arith.index_cast %scan3A_143 : i32 to index
      %get3A_249 = arith.constant 96 : index
      %get3A_250 = tpu.vector_load %arg17[%get3A_248, %get3A_249] {strides = array<i32>} : memref<16x128xf32, #tpu.memory_space<vmem>>, vector<1x16xf32>,
      %get3A_251 = vector.shape_cast %get3A_250 : vector<1x16xf32> to vector<16xf32>
      %add3A_252 = arith.addf %get3A_247, %get3A_251 : vector<16xf32>
      %max3A_253 = arith.constant 0.000000e+00 : f32
      %max3A_254 = vector.broadcast %max3A_253 : f32 to vector<16xf32>
      %max3A_255 = arith.maximumf %add3A_252, %max3A_254 : vector<16xf32>
      %swap3A_256 = arith.index_cast %scan3A_143 : i32 to index
      %swap3A_257 = arith.constant 96 : index
      %swap3A_258 = tpu.vector_load %arg16[%swap3A_256, %swap3A_257] {strides = array<i32>} : memref<16x128xf32, #tpu.memory_space<vmem>>, vector<1x16xf32>,
      %swap3A_259 = vector.shape_cast %swap3A_258 : vector<1x16xf32> to vector<16xf32>
      %swap3A_260 = vector.shape_cast %max3A_255 : vector<16xf32> to vector<1x16xf32>
      tpu.vector_store %arg16[%swap3A_256, %swap3A_257], %swap3A_260 {strides = array<i32>} : memref<16x128xf32, #tpu.memory_space<vmem>>, vector<1x16xf32>,
      %get3A_261 = arith.index_cast %scan3A_143 : i32 to index
      %get3A_262 = arith.constant 112 : index
      %get3A_263 = tpu.vector_load %arg16[%get3A_261, %get3A_262] {strides = array<i32>} : memref<16x128xf32, #tpu.memory_space<vmem>>, vector<1x16xf32>,
      %get3A_264 = vector.shape_cast %get3A_263 : vector<1x16xf32> to vector<16xf32>
      %get3A_265 = arith.index_cast %scan3A_143 : i32 to index
      %get3A_266 = arith.constant 112 : index
      %get3A_267 = tpu.vector_load %arg17[%get3A_265, %get3A_266] {strides = array<i32>} : memref<16x128xf32, #tpu.memory_space<vmem>>, vector<1x16xf32>,
      %get3A_268 = vector.shape_cast %get3A_267 : vector<1x16xf32> to vector<16xf32>
      %add3A_269 = arith.addf %get3A_264, %get3A_268 : vector<16xf32>
      %max3A_270 = arith.constant 0.000000e+00 : f32
      %max3A_271 = vector.broadcast %max3A_270 : f32 to vector<16xf32>
      %max3A_272 = arith.maximumf %add3A_269, %max3A_271 : vector<16xf32>
      %swap3A_273 = arith.index_cast %scan3A_143 : i32 to index
      %swap3A_274 = arith.constant 112 : index
      %swap3A_275 = tpu.vector_load %arg16[%swap3A_273, %swap3A_274] {strides = array<i32>} : memref<16x128xf32, #tpu.memory_space<vmem>>, vector<1x16xf32>,
      %swap3A_276 = vector.shape_cast %swap3A_275 : vector<1x16xf32> to vector<16xf32>
      %swap3A_277 = vector.shape_cast %max3A_272 : vector<16xf32> to vector<1x16xf32>
      tpu.vector_store %arg16[%swap3A_273, %swap3A_274], %swap3A_277 {strides = array<i32>} : memref<16x128xf32, #tpu.memory_space<vmem>>, vector<1x16xf32>,
    }
    %scan3A_121 = arith.constant 16 : i32
    "tpu.region"() ({
      %run_scoped3A = tpu.sem_alloc : memref<!tpu.dma_semaphore, #tpu.memory_space<semaphore_mem>>
      %dma_start3A_143 = arith.constant 0 : i32
      %dma_start3A_144 = arith.constant 0 : i32
      %dma_start3A_145 = tpu.memref_slice %arg20[%dma_start3A_143, %dma_start3A_144] : memref<10240x128xf32, #tpu.memory_space<vmem_shared>> -> memref<10240x128xf32, #tpu.memory_space<vmem_shared>>
      tpu.enqueue_indirect_dma source(%arg16 : memref<16x128xf32, #tpu.memory_space<vmem>>) target(%dma_start3A_145 : memref<10240x128xf32, #tpu.memory_space<vmem_shared>>) offsets(%arg12 : memref<16xi32, #tpu.memory_space<vmem>>) semaphore(%run_scoped3A : memref<!tpu.dma_semaphore, #tpu.memory_space<semaphore_mem>>) {add = true}
      %dma_wait3A_146 = arith.constant 0 : i32
      %dma_wait3A_147 = arith.constant 0 : i32
      %dma_wait3A_148 = tpu.memref_slice %arg20[%dma_wait3A_146, %dma_wait3A_147] : memref<10240x128xf32, #tpu.memory_space<vmem_shared>> -> memref<10240x128xf32, #tpu.memory_space<vmem_shared>>
      tpu.wait_indirect_dma semaphore(%run_scoped3A : memref<!tpu.dma_semaphore, #tpu.memory_space<semaphore_mem>>) src(%arg16 : memref<16x128xf32, #tpu.memory_space<vmem>>) dst(%dma_wait3A_148 : memref<10240x128xf32, #tpu.memory_space<vmem_shared>>)
      tpu.yield
    }) : () -> ()
    "tpu.region"() ({
      %run_scoped3A = tpu.sem_alloc : memref<!tpu.dma_semaphore, #tpu.memory_space<semaphore_mem>>
      %dma_start3A_143 = arith.constant 0 : i32
      %dma_start3A_144 = tpu.memref_slice %arg21[%dma_start3A_143] : memref<10240xf32, #tpu.memory_space<vmem_shared>> -> memref<10240xf32, #tpu.memory_space<vmem_shared>>
      tpu.enqueue_indirect_dma source(%arg19 : memref<16xf32, #tpu.memory_space<vmem>>) target(%dma_start3A_144 : memref<10240xf32, #tpu.memory_space<vmem_shared>>) offsets(%arg12 : memref<16xi32, #tpu.memory_space<vmem>>) semaphore(%run_scoped3A : memref<!tpu.dma_semaphore, #tpu.memory_space<semaphore_mem>>) {add = true}
      %dma_wait3A_145 = arith.constant 0 : i32
      %dma_wait3A_146 = tpu.memref_slice %arg21[%dma_wait3A_145] : memref<10240xf32, #tpu.memory_space<vmem_shared>> -> memref<10240xf32, #tpu.memory_space<vmem_shared>>
      tpu.wait_indirect_dma semaphore(%run_scoped3A : memref<!tpu.dma_semaphore, #tpu.memory_space<semaphore_mem>>) src(%arg19 : memref<16xf32, #tpu.memory_space<vmem>>) dst(%dma_wait3A_146 : memref<10240xf32, #tpu.memory_space<vmem_shared>>)
      tpu.yield
    }) : () -> ()
    %barrier3A_122 = arith.constant 0 : index
    tpu.barrier barrier_id(%barrier3A_122)
    %mul3A_123 = arith.constant 640 : i32
    %mul3A_124 = arith.muli %arg1, %mul3A_123 : i32
    %add3A_125 = arith.constant 0 : i32
    %add3A_126 = arith.addi %mul3A_124, %add3A_125 : i32
    "tpu.region"() ({
      %run_scoped3A = tpu.sem_alloc : memref<!tpu.dma_semaphore, #tpu.memory_space<semaphore_mem>>
      %dma_start3A_143 = arith.constant 0 : i32
      %dma_start3A_144 = tpu.memref_slice %arg6[%arg0, %add3A_126, %dma_start3A_143] : memref<2x10240x128xf32, #tpu.memory_space<hbm>> -> memref<1x128x128xf32, #tpu.memory_space<hbm>>
      %dma_start3A_145 = tpu.memref_squeeze %dma_start3A_144 : memref<1x128x128xf32, #tpu.memory_space<hbm>> -> memref<128x128xf32, #tpu.memory_space<hbm>>
      %dma_start3A_146 = arith.constant 0 : i32
      %dma_start3A_147 = tpu.memref_slice %arg20[%add3A_126, %dma_start3A_146] : memref<10240x128xf32, #tpu.memory_space<vmem_shared>> -> memref<128x128xf32, #tpu.memory_space<vmem_shared>>
      tpu.enqueue_dma source(%dma_start3A_147 : memref<128x128xf32, #tpu.memory_space<vmem_shared>>) target(%dma_start3A_145 : memref<128x128xf32, #tpu.memory_space<hbm>>) target_semaphore(%run_scoped3A : memref<!tpu.dma_semaphore, #tpu.memory_space<semaphore_mem>>)
      %dma_wait3A_148 = arith.constant 0 : i32
      %dma_wait3A_149 = tpu.memref_slice %arg6[%arg0, %add3A_126, %dma_wait3A_148] : memref<2x10240x128xf32, #tpu.memory_space<hbm>> -> memref<1x128x128xf32, #tpu.memory_space<hbm>>
      %dma_wait3A_150 = tpu.memref_squeeze %dma_wait3A_149 : memref<1x128x128xf32, #tpu.memory_space<hbm>> -> memref<128x128xf32, #tpu.memory_space<hbm>>
      %dma_wait3A_151 = arith.constant 0 : i32
      %dma_wait3A_152 = tpu.memref_slice %arg20[%add3A_126, %dma_wait3A_151] : memref<10240x128xf32, #tpu.memory_space<vmem_shared>> -> memref<128x128xf32, #tpu.memory_space<vmem_shared>>
      tpu.wait_dma2 semaphore(%run_scoped3A : memref<!tpu.dma_semaphore, #tpu.memory_space<semaphore_mem>>) src(%dma_wait3A_152 : memref<128x128xf32, #tpu.memory_space<vmem_shared>>) dst(%dma_wait3A_150 : memref<128x128xf32, #tpu.memory_space<hbm>>)
      tpu.yield
    }) : () -> ()
    "tpu.region"() ({
      %run_scoped3A = tpu.sem_alloc : memref<!tpu.dma_semaphore, #tpu.memory_space<semaphore_mem>>
      %dma_start3A_143 = tpu.memref_slice %arg7[%arg0, %add3A_126] : memref<2x10240xf32, #tpu.memory_space<hbm>> -> memref<1x128xf32, #tpu.memory_space<hbm>>
      %dma_start3A_144 = tpu.memref_squeeze %dma_start3A_143 : memref<1x128xf32, #tpu.memory_space<hbm>> -> memref<128xf32, #tpu.memory_space<hbm>>
      %dma_start3A_145 = tpu.memref_slice %arg21[%add3A_126] : memref<10240xf32, #tpu.memory_space<vmem_shared>> -> memref<128xf32, #tpu.memory_space<vmem_shared>>
      tpu.enqueue_dma source(%dma_start3A_145 : memref<128xf32, #tpu.memory_space<vmem_shared>>) target(%dma_start3A_144 : memref<128xf32, #tpu.memory_space<hbm>>) target_semaphore(%run_scoped3A : memref<!tpu.dma_semaphore, #tpu.memory_space<semaphore_mem>>)
      %dma_wait3A_146 = tpu.memref_slice %arg7[%arg0, %add3A_126] : memref<2x10240xf32, #tpu.memory_space<hbm>> -> memref<1x128xf32, #tpu.memory_space<hbm>>
      %dma_wait3A_147 = tpu.memref_squeeze %dma_wait3A_146 : memref<1x128xf32, #tpu.memory_space<hbm>> -> memref<128xf32, #tpu.memory_space<hbm>>
      %dma_wait3A_148 = tpu.memref_slice %arg21[%add3A_126] : memref<10240xf32, #tpu.memory_space<vmem_shared>> -> memref<128xf32, #tpu.memory_space<vmem_shared>>
      tpu.wait_dma2 semaphore(%run_scoped3A : memref<!tpu.dma_semaphore, #tpu.memory_space<semaphore_mem>>) src(%dma_wait3A_148 : memref<128xf32, #tpu.memory_space<vmem_shared>>) dst(%dma_wait3A_147 : memref<128xf32, #tpu.memory_space<hbm>>)
      tpu.yield
    }) : () -> ()
    %mul3A_127 = arith.constant 640 : i32
    %mul3A_128 = arith.muli %arg1, %mul3A_127 : i32
    %add3A_129 = arith.constant 128 : i32
    %add3A_130 = arith.addi %mul3A_128, %add3A_129 : i32
    "tpu.region"() ({
      %run_scoped3A = tpu.sem_alloc : memref<!tpu.dma_semaphore, #tpu.memory_space<semaphore_mem>>
      %dma_start3A_143 = arith.constant 0 : i32
      %dma_start3A_144 = tpu.memref_slice %arg6[%arg0, %add3A_130, %dma_start3A_143] : memref<2x10240x128xf32, #tpu.memory_space<hbm>> -> memref<1x128x128xf32, #tpu.memory_space<hbm>>
      %dma_start3A_145 = tpu.memref_squeeze %dma_start3A_144 : memref<1x128x128xf32, #tpu.memory_space<hbm>> -> memref<128x128xf32, #tpu.memory_space<hbm>>
      %dma_start3A_146 = arith.constant 0 : i32
      %dma_start3A_147 = tpu.memref_slice %arg20[%add3A_130, %dma_start3A_146] : memref<10240x128xf32, #tpu.memory_space<vmem_shared>> -> memref<128x128xf32, #tpu.memory_space<vmem_shared>>
      tpu.enqueue_dma source(%dma_start3A_147 : memref<128x128xf32, #tpu.memory_space<vmem_shared>>) target(%dma_start3A_145 : memref<128x128xf32, #tpu.memory_space<hbm>>) target_semaphore(%run_scoped3A : memref<!tpu.dma_semaphore, #tpu.memory_space<semaphore_mem>>)
      %dma_wait3A_148 = arith.constant 0 : i32
      %dma_wait3A_149 = tpu.memref_slice %arg6[%arg0, %add3A_130, %dma_wait3A_148] : memref<2x10240x128xf32, #tpu.memory_space<hbm>> -> memref<1x128x128xf32, #tpu.memory_space<hbm>>
      %dma_wait3A_150 = tpu.memref_squeeze %dma_wait3A_149 : memref<1x128x128xf32, #tpu.memory_space<hbm>> -> memref<128x128xf32, #tpu.memory_space<hbm>>
      %dma_wait3A_151 = arith.constant 0 : i32
      %dma_wait3A_152 = tpu.memref_slice %arg20[%add3A_130, %dma_wait3A_151] : memref<10240x128xf32, #tpu.memory_space<vmem_shared>> -> memref<128x128xf32, #tpu.memory_space<vmem_shared>>
      tpu.wait_dma2 semaphore(%run_scoped3A : memref<!tpu.dma_semaphore, #tpu.memory_space<semaphore_mem>>) src(%dma_wait3A_152 : memref<128x128xf32, #tpu.memory_space<vmem_shared>>) dst(%dma_wait3A_150 : memref<128x128xf32, #tpu.memory_space<hbm>>)
      tpu.yield
    }) : () -> ()
    "tpu.region"() ({
      %run_scoped3A = tpu.sem_alloc : memref<!tpu.dma_semaphore, #tpu.memory_space<semaphore_mem>>
      %dma_start3A_143 = tpu.memref_slice %arg7[%arg0, %add3A_130] : memref<2x10240xf32, #tpu.memory_space<hbm>> -> memref<1x128xf32, #tpu.memory_space<hbm>>
      %dma_start3A_144 = tpu.memref_squeeze %dma_start3A_143 : memref<1x128xf32, #tpu.memory_space<hbm>> -> memref<128xf32, #tpu.memory_space<hbm>>
      %dma_start3A_145 = tpu.memref_slice %arg21[%add3A_130] : memref<10240xf32, #tpu.memory_space<vmem_shared>> -> memref<128xf32, #tpu.memory_space<vmem_shared>>
      tpu.enqueue_dma source(%dma_start3A_145 : memref<128xf32, #tpu.memory_space<vmem_shared>>) target(%dma_start3A_144 : memref<128xf32, #tpu.memory_space<hbm>>) target_semaphore(%run_scoped3A : memref<!tpu.dma_semaphore, #tpu.memory_space<semaphore_mem>>)
      %dma_wait3A_146 = tpu.memref_slice %arg7[%arg0, %add3A_130] : memref<2x10240xf32, #tpu.memory_space<hbm>> -> memref<1x128xf32, #tpu.memory_space<hbm>>
      %dma_wait3A_147 = tpu.memref_squeeze %dma_wait3A_146 : memref<1x128xf32, #tpu.memory_space<hbm>> -> memref<128xf32, #tpu.memory_space<hbm>>
      %dma_wait3A_148 = tpu.memref_slice %arg21[%add3A_130] : memref<10240xf32, #tpu.memory_space<vmem_shared>> -> memref<128xf32, #tpu.memory_space<vmem_shared>>
      tpu.wait_dma2 semaphore(%run_scoped3A : memref<!tpu.dma_semaphore, #tpu.memory_space<semaphore_mem>>) src(%dma_wait3A_148 : memref<128xf32, #tpu.memory_space<vmem_shared>>) dst(%dma_wait3A_147 : memref<128xf32, #tpu.memory_space<hbm>>)
      tpu.yield
    }) : () -> ()
    %mul3A_131 = arith.constant 640 : i32
    %mul3A_132 = arith.muli %arg1, %mul3A_131 : i32
    %add3A_133 = arith.constant 256 : i32
    %add3A_134 = arith.addi %mul3A_132, %add3A_133 : i32
    "tpu.region"() ({
      %run_scoped3A = tpu.sem_alloc : memref<!tpu.dma_semaphore, #tpu.memory_space<semaphore_mem>>
      %dma_start3A_143 = arith.constant 0 : i32
      %dma_start3A_144 = tpu.memref_slice %arg6[%arg0, %add3A_134, %dma_start3A_143] : memref<2x10240x128xf32, #tpu.memory_space<hbm>> -> memref<1x128x128xf32, #tpu.memory_space<hbm>>
      %dma_start3A_145 = tpu.memref_squeeze %dma_start3A_144 : memref<1x128x128xf32, #tpu.memory_space<hbm>> -> memref<128x128xf32, #tpu.memory_space<hbm>>
      %dma_start3A_146 = arith.constant 0 : i32
      %dma_start3A_147 = tpu.memref_slice %arg20[%add3A_134, %dma_start3A_146] : memref<10240x128xf32, #tpu.memory_space<vmem_shared>> -> memref<128x128xf32, #tpu.memory_space<vmem_shared>>
      tpu.enqueue_dma source(%dma_start3A_147 : memref<128x128xf32, #tpu.memory_space<vmem_shared>>) target(%dma_start3A_145 : memref<128x128xf32, #tpu.memory_space<hbm>>) target_semaphore(%run_scoped3A : memref<!tpu.dma_semaphore, #tpu.memory_space<semaphore_mem>>)
      %dma_wait3A_148 = arith.constant 0 : i32
      %dma_wait3A_149 = tpu.memref_slice %arg6[%arg0, %add3A_134, %dma_wait3A_148] : memref<2x10240x128xf32, #tpu.memory_space<hbm>> -> memref<1x128x128xf32, #tpu.memory_space<hbm>>
      %dma_wait3A_150 = tpu.memref_squeeze %dma_wait3A_149 : memref<1x128x128xf32, #tpu.memory_space<hbm>> -> memref<128x128xf32, #tpu.memory_space<hbm>>
      %dma_wait3A_151 = arith.constant 0 : i32
      %dma_wait3A_152 = tpu.memref_slice %arg20[%add3A_134, %dma_wait3A_151] : memref<10240x128xf32, #tpu.memory_space<vmem_shared>> -> memref<128x128xf32, #tpu.memory_space<vmem_shared>>
      tpu.wait_dma2 semaphore(%run_scoped3A : memref<!tpu.dma_semaphore, #tpu.memory_space<semaphore_mem>>) src(%dma_wait3A_152 : memref<128x128xf32, #tpu.memory_space<vmem_shared>>) dst(%dma_wait3A_150 : memref<128x128xf32, #tpu.memory_space<hbm>>)
      tpu.yield
    }) : () -> ()
    "tpu.region"() ({
      %run_scoped3A = tpu.sem_alloc : memref<!tpu.dma_semaphore, #tpu.memory_space<semaphore_mem>>
      %dma_start3A_143 = tpu.memref_slice %arg7[%arg0, %add3A_134] : memref<2x10240xf32, #tpu.memory_space<hbm>> -> memref<1x128xf32, #tpu.memory_space<hbm>>
      %dma_start3A_144 = tpu.memref_squeeze %dma_start3A_143 : memref<1x128xf32, #tpu.memory_space<hbm>> -> memref<128xf32, #tpu.memory_space<hbm>>
      %dma_start3A_145 = tpu.memref_slice %arg21[%add3A_134] : memref<10240xf32, #tpu.memory_space<vmem_shared>> -> memref<128xf32, #tpu.memory_space<vmem_shared>>
      tpu.enqueue_dma source(%dma_start3A_145 : memref<128xf32, #tpu.memory_space<vmem_shared>>) target(%dma_start3A_144 : memref<128xf32, #tpu.memory_space<hbm>>) target_semaphore(%run_scoped3A : memref<!tpu.dma_semaphore, #tpu.memory_space<semaphore_mem>>)
      %dma_wait3A_146 = tpu.memref_slice %arg7[%arg0, %add3A_134] : memref<2x10240xf32, #tpu.memory_space<hbm>> -> memref<1x128xf32, #tpu.memory_space<hbm>>
      %dma_wait3A_147 = tpu.memref_squeeze %dma_wait3A_146 : memref<1x128xf32, #tpu.memory_space<hbm>> -> memref<128xf32, #tpu.memory_space<hbm>>
      %dma_wait3A_148 = tpu.memref_slice %arg21[%add3A_134] : memref<10240xf32, #tpu.memory_space<vmem_shared>> -> memref<128xf32, #tpu.memory_space<vmem_shared>>
      tpu.wait_dma2 semaphore(%run_scoped3A : memref<!tpu.dma_semaphore, #tpu.memory_space<semaphore_mem>>) src(%dma_wait3A_148 : memref<128xf32, #tpu.memory_space<vmem_shared>>) dst(%dma_wait3A_147 : memref<128xf32, #tpu.memory_space<hbm>>)
      tpu.yield
    }) : () -> ()
    %mul3A_135 = arith.constant 640 : i32
    %mul3A_136 = arith.muli %arg1, %mul3A_135 : i32
    %add3A_137 = arith.constant 384 : i32
    %add3A_138 = arith.addi %mul3A_136, %add3A_137 : i32
    "tpu.region"() ({
      %run_scoped3A = tpu.sem_alloc : memref<!tpu.dma_semaphore, #tpu.memory_space<semaphore_mem>>
      %dma_start3A_143 = arith.constant 0 : i32
      %dma_start3A_144 = tpu.memref_slice %arg6[%arg0, %add3A_138, %dma_start3A_143] : memref<2x10240x128xf32, #tpu.memory_space<hbm>> -> memref<1x128x128xf32, #tpu.memory_space<hbm>>
      %dma_start3A_145 = tpu.memref_squeeze %dma_start3A_144 : memref<1x128x128xf32, #tpu.memory_space<hbm>> -> memref<128x128xf32, #tpu.memory_space<hbm>>
      %dma_start3A_146 = arith.constant 0 : i32
      %dma_start3A_147 = tpu.memref_slice %arg20[%add3A_138, %dma_start3A_146] : memref<10240x128xf32, #tpu.memory_space<vmem_shared>> -> memref<128x128xf32, #tpu.memory_space<vmem_shared>>
      tpu.enqueue_dma source(%dma_start3A_147 : memref<128x128xf32, #tpu.memory_space<vmem_shared>>) target(%dma_start3A_145 : memref<128x128xf32, #tpu.memory_space<hbm>>) target_semaphore(%run_scoped3A : memref<!tpu.dma_semaphore, #tpu.memory_space<semaphore_mem>>)
      %dma_wait3A_148 = arith.constant 0 : i32
      %dma_wait3A_149 = tpu.memref_slice %arg6[%arg0, %add3A_138, %dma_wait3A_148] : memref<2x10240x128xf32, #tpu.memory_space<hbm>> -> memref<1x128x128xf32, #tpu.memory_space<hbm>>
      %dma_wait3A_150 = tpu.memref_squeeze %dma_wait3A_149 : memref<1x128x128xf32, #tpu.memory_space<hbm>> -> memref<128x128xf32, #tpu.memory_space<hbm>>
      %dma_wait3A_151 = arith.constant 0 : i32
      %dma_wait3A_152 = tpu.memref_slice %arg20[%add3A_138, %dma_wait3A_151] : memref<10240x128xf32, #tpu.memory_space<vmem_shared>> -> memref<128x128xf32, #tpu.memory_space<vmem_shared>>
      tpu.wait_dma2 semaphore(%run_scoped3A : memref<!tpu.dma_semaphore, #tpu.memory_space<semaphore_mem>>) src(%dma_wait3A_152 : memref<128x128xf32, #tpu.memory_space<vmem_shared>>) dst(%dma_wait3A_150 : memref<128x128xf32, #tpu.memory_space<hbm>>)
      tpu.yield
    }) : () -> ()
    "tpu.region"() ({
      %run_scoped3A = tpu.sem_alloc : memref<!tpu.dma_semaphore, #tpu.memory_space<semaphore_mem>>
      %dma_start3A_143 = tpu.memref_slice %arg7[%arg0, %add3A_138] : memref<2x10240xf32, #tpu.memory_space<hbm>> -> memref<1x128xf32, #tpu.memory_space<hbm>>
      %dma_start3A_144 = tpu.memref_squeeze %dma_start3A_143 : memref<1x128xf32, #tpu.memory_space<hbm>> -> memref<128xf32, #tpu.memory_space<hbm>>
      %dma_start3A_145 = tpu.memref_slice %arg21[%add3A_138] : memref<10240xf32, #tpu.memory_space<vmem_shared>> -> memref<128xf32, #tpu.memory_space<vmem_shared>>
      tpu.enqueue_dma source(%dma_start3A_145 : memref<128xf32, #tpu.memory_space<vmem_shared>>) target(%dma_start3A_144 : memref<128xf32, #tpu.memory_space<hbm>>) target_semaphore(%run_scoped3A : memref<!tpu.dma_semaphore, #tpu.memory_space<semaphore_mem>>)
      %dma_wait3A_146 = tpu.memref_slice %arg7[%arg0, %add3A_138] : memref<2x10240xf32, #tpu.memory_space<hbm>> -> memref<1x128xf32, #tpu.memory_space<hbm>>
      %dma_wait3A_147 = tpu.memref_squeeze %dma_wait3A_146 : memref<1x128xf32, #tpu.memory_space<hbm>> -> memref<128xf32, #tpu.memory_space<hbm>>
      %dma_wait3A_148 = tpu.memref_slice %arg21[%add3A_138] : memref<10240xf32, #tpu.memory_space<vmem_shared>> -> memref<128xf32, #tpu.memory_space<vmem_shared>>
      tpu.wait_dma2 semaphore(%run_scoped3A : memref<!tpu.dma_semaphore, #tpu.memory_space<semaphore_mem>>) src(%dma_wait3A_148 : memref<128xf32, #tpu.memory_space<vmem_shared>>) dst(%dma_wait3A_147 : memref<128xf32, #tpu.memory_space<hbm>>)
      tpu.yield
    }) : () -> ()
    %mul3A_139 = arith.constant 640 : i32
    %mul3A_140 = arith.muli %arg1, %mul3A_139 : i32
    %add3A_141 = arith.constant 512 : i32
    %add3A_142 = arith.addi %mul3A_140, %add3A_141 : i32
    "tpu.region"() ({
      %run_scoped3A = tpu.sem_alloc : memref<!tpu.dma_semaphore, #tpu.memory_space<semaphore_mem>>
      %dma_start3A_143 = arith.constant 0 : i32
      %dma_start3A_144 = tpu.memref_slice %arg6[%arg0, %add3A_142, %dma_start3A_143] : memref<2x10240x128xf32, #tpu.memory_space<hbm>> -> memref<1x128x128xf32, #tpu.memory_space<hbm>>
      %dma_start3A_145 = tpu.memref_squeeze %dma_start3A_144 : memref<1x128x128xf32, #tpu.memory_space<hbm>> -> memref<128x128xf32, #tpu.memory_space<hbm>>
      %dma_start3A_146 = arith.constant 0 : i32
      %dma_start3A_147 = tpu.memref_slice %arg20[%add3A_142, %dma_start3A_146] : memref<10240x128xf32, #tpu.memory_space<vmem_shared>> -> memref<128x128xf32, #tpu.memory_space<vmem_shared>>
      tpu.enqueue_dma source(%dma_start3A_147 : memref<128x128xf32, #tpu.memory_space<vmem_shared>>) target(%dma_start3A_145 : memref<128x128xf32, #tpu.memory_space<hbm>>) target_semaphore(%run_scoped3A : memref<!tpu.dma_semaphore, #tpu.memory_space<semaphore_mem>>)
      %dma_wait3A_148 = arith.constant 0 : i32
      %dma_wait3A_149 = tpu.memref_slice %arg6[%arg0, %add3A_142, %dma_wait3A_148] : memref<2x10240x128xf32, #tpu.memory_space<hbm>> -> memref<1x128x128xf32, #tpu.memory_space<hbm>>
      %dma_wait3A_150 = tpu.memref_squeeze %dma_wait3A_149 : memref<1x128x128xf32, #tpu.memory_space<hbm>> -> memref<128x128xf32, #tpu.memory_space<hbm>>
      %dma_wait3A_151 = arith.constant 0 : i32
      %dma_wait3A_152 = tpu.memref_slice %arg20[%add3A_142, %dma_wait3A_151] : memref<10240x128xf32, #tpu.memory_space<vmem_shared>> -> memref<128x128xf32, #tpu.memory_space<vmem_shared>>
      tpu.wait_dma2 semaphore(%run_scoped3A : memref<!tpu.dma_semaphore, #tpu.memory_space<semaphore_mem>>) src(%dma_wait3A_152 : memref<128x128xf32, #tpu.memory_space<vmem_shared>>) dst(%dma_wait3A_150 : memref<128x128xf32, #tpu.memory_space<hbm>>)
      tpu.yield
    }) : () -> ()
    "tpu.region"() ({
      %run_scoped3A = tpu.sem_alloc : memref<!tpu.dma_semaphore, #tpu.memory_space<semaphore_mem>>
      %dma_start3A_143 = tpu.memref_slice %arg7[%arg0, %add3A_142] : memref<2x10240xf32, #tpu.memory_space<hbm>> -> memref<1x128xf32, #tpu.memory_space<hbm>>
      %dma_start3A_144 = tpu.memref_squeeze %dma_start3A_143 : memref<1x128xf32, #tpu.memory_space<hbm>> -> memref<128xf32, #tpu.memory_space<hbm>>
      %dma_start3A_145 = tpu.memref_slice %arg21[%add3A_142] : memref<10240xf32, #tpu.memory_space<vmem_shared>> -> memref<128xf32, #tpu.memory_space<vmem_shared>>
      tpu.enqueue_dma source(%dma_start3A_145 : memref<128xf32, #tpu.memory_space<vmem_shared>>) target(%dma_start3A_144 : memref<128xf32, #tpu.memory_space<hbm>>) target_semaphore(%run_scoped3A : memref<!tpu.dma_semaphore, #tpu.memory_space<semaphore_mem>>)
      %dma_wait3A_146 = tpu.memref_slice %arg7[%arg0, %add3A_142] : memref<2x10240xf32, #tpu.memory_space<hbm>> -> memref<1x128xf32, #tpu.memory_space<hbm>>
      %dma_wait3A_147 = tpu.memref_squeeze %dma_wait3A_146 : memref<1x128xf32, #tpu.memory_space<hbm>> -> memref<128xf32, #tpu.memory_space<hbm>>
      %dma_wait3A_148 = tpu.memref_slice %arg21[%add3A_142] : memref<10240xf32, #tpu.memory_space<vmem_shared>> -> memref<128xf32, #tpu.memory_space<vmem_shared>>
      tpu.wait_dma2 semaphore(%run_scoped3A : memref<!tpu.dma_semaphore, #tpu.memory_space<semaphore_mem>>) src(%dma_wait3A_148 : memref<128xf32, #tpu.memory_space<vmem_shared>>) dst(%dma_wait3A_147 : memref<128xf32, #tpu.memory_space<hbm>>)
      tpu.yield
    }) : () -> ()
    return
  }
}

module attributes {stable_mosaic.version = 14 : i64} {
  func.func @_tc_proj1(%arg0: memref<10000x128xf32, #tpu.memory_space<vmem>>, %arg1: memref<128x128xf32, #tpu.memory_space<vmem>>, %arg2: memref<128x128xf32, #tpu.memory_space<vmem>>, %arg3: memref<1x128xf32, #tpu.memory_space<vmem>>, %arg4: memref<10000x128xf32, #tpu.memory_space<vmem>>, %arg5: memref<10000x128xf32, #tpu.memory_space<vmem>>) attributes {dimension_semantics = [], scalar_prefetch = 0 : i64, scratch_operands = 0 : i64, tpu.core_type = #tpu.core_type<tc>} {
    %get3A = arith.constant 0 : index
    %get3A_0 = arith.constant 0 : index
    %get3A_1 = vector.load %arg0[%get3A, %get3A_0] : memref<10000x128xf32, #tpu.memory_space<vmem>>, vector<10000x128xf32>
    %get3A_2 = arith.constant 0 : index
    %get3A_3 = arith.constant 0 : index
    %get3A_4 = vector.load %arg1[%get3A_2, %get3A_3] : memref<128x128xf32, #tpu.memory_space<vmem>>, vector<128x128xf32>
    %dot_general3A = arith.constant dense<0.000000e+00> : vector<10000x128xf32>
    %dot_general3A_5 = tpu.matmul %get3A_1, %get3A_4, %dot_general3A {dimension_numbers = #tpu.dot_dimension_numbers<[1], [0], [0], [1], [0, 0, 1, 1], [], []>, transpose_lhs_hint = false} : vector<10000x128xf32>, vector<128x128xf32>, vector<10000x128xf32> -> vector<10000x128xf32>
    %get3A_6 = arith.constant 0 : index
    %get3A_7 = arith.constant 0 : index
    %get3A_8 = vector.load %arg3[%get3A_6, %get3A_7] : memref<1x128xf32, #tpu.memory_space<vmem>>, vector<1x128xf32>
    %add3A = vector.broadcast %get3A_8 : vector<1x128xf32> to vector<10000x128xf32>
    %add3A_9 = arith.addf %dot_general3A_5, %add3A : vector<10000x128xf32>
    %swap3A = arith.constant 0 : index
    %swap3A_10 = arith.constant 0 : index
    %swap3A_11 = vector.load %arg4[%swap3A, %swap3A_10] : memref<10000x128xf32, #tpu.memory_space<vmem>>, vector<10000x128xf32>
    tpu.vector_store %arg4[%swap3A, %swap3A_10], %add3A_9 {strides = array<i32>} : memref<10000x128xf32, #tpu.memory_space<vmem>>, vector<10000x128xf32>,
    %get3A_12 = arith.constant 0 : index
    %get3A_13 = arith.constant 0 : index
    %get3A_14 = vector.load %arg2[%get3A_12, %get3A_13] : memref<128x128xf32, #tpu.memory_space<vmem>>, vector<128x128xf32>
    %dot_general3A_15 = arith.constant dense<0.000000e+00> : vector<10000x128xf32>
    %dot_general3A_16 = tpu.matmul %get3A_1, %get3A_14, %dot_general3A_15 {dimension_numbers = #tpu.dot_dimension_numbers<[1], [0], [0], [1], [0, 0, 1, 1], [], []>, transpose_lhs_hint = false} : vector<10000x128xf32>, vector<128x128xf32>, vector<10000x128xf32> -> vector<10000x128xf32>
    %swap3A_17 = arith.constant 0 : index
    %swap3A_18 = arith.constant 0 : index
    %swap3A_19 = vector.load %arg5[%swap3A_17, %swap3A_18] : memref<10000x128xf32, #tpu.memory_space<vmem>>, vector<10000x128xf32>
    tpu.vector_store %arg5[%swap3A_17, %swap3A_18], %dot_general3A_16 {strides = array<i32>} : memref<10000x128xf32, #tpu.memory_space<vmem>>, vector<10000x128xf32>,
    return
  }
}

module attributes {stable_mosaic.version = 14 : i64} {
  func.func @_tc_mid(%arg0: memref<2x10240x128xf32, #tpu.memory_space<vmem>>, %arg1: memref<2x10240x1xf32, #tpu.memory_space<vmem>>, %arg2: memref<128x128xf32, #tpu.memory_space<vmem>>, %arg3: memref<1x128xf32, #tpu.memory_space<vmem>>, %arg4: memref<128x64xf32, #tpu.memory_space<vmem>>, %arg5: memref<128x64xf32, #tpu.memory_space<vmem>>, %arg6: memref<1x64xf32, #tpu.memory_space<vmem>>, %arg7: memref<10240x64xf32, #tpu.memory_space<vmem>>, %arg8: memref<10240x64xf32, #tpu.memory_space<vmem>>) attributes {dimension_semantics = [], scalar_prefetch = 0 : i64, scratch_operands = 0 : i64, tpu.core_type = #tpu.core_type<tc>} {
    %get3A = arith.constant 0 : index
    %get3A_0 = arith.constant 0 : index
    %get3A_1 = arith.constant 0 : index
    %get3A_2 = vector.load %arg0[%get3A, %get3A_0, %get3A_1] : memref<2x10240x128xf32, #tpu.memory_space<vmem>>, vector<1x10240x128xf32>
    %get3A_3 = vector.shape_cast %get3A_2 : vector<1x10240x128xf32> to vector<10240x128xf32>
    %get3A_4 = arith.constant 1 : index
    %get3A_5 = arith.constant 0 : index
    %get3A_6 = arith.constant 0 : index
    %get3A_7 = vector.load %arg0[%get3A_4, %get3A_5, %get3A_6] : memref<2x10240x128xf32, #tpu.memory_space<vmem>>, vector<1x10240x128xf32>
    %get3A_8 = vector.shape_cast %get3A_7 : vector<1x10240x128xf32> to vector<10240x128xf32>
    %add3A = arith.addf %get3A_3, %get3A_8 : vector<10240x128xf32>
    %get3A_9 = arith.constant 0 : index
    %get3A_10 = arith.constant 0 : index
    %get3A_11 = arith.constant 0 : index
    %get3A_12 = vector.load %arg1[%get3A_9, %get3A_10, %get3A_11] : memref<2x10240x1xf32, #tpu.memory_space<vmem>>, vector<1x10240x1xf32>
    %get3A_13 = vector.shape_cast %get3A_12 : vector<1x10240x1xf32> to vector<10240x1xf32>
    %get3A_14 = arith.constant 1 : index
    %get3A_15 = arith.constant 0 : index
    %get3A_16 = arith.constant 0 : index
    %get3A_17 = vector.load %arg1[%get3A_14, %get3A_15, %get3A_16] : memref<2x10240x1xf32, #tpu.memory_space<vmem>>, vector<1x10240x1xf32>
    %get3A_18 = vector.shape_cast %get3A_17 : vector<1x10240x1xf32> to vector<10240x1xf32>
    %add3A_19 = arith.addf %get3A_13, %get3A_18 : vector<10240x1xf32>
    %max3A = arith.constant 1.000000e+00 : f32
    %max3A_20 = vector.broadcast %max3A : f32 to vector<10240x1xf32>
    %max3A_21 = arith.maximumf %add3A_19, %max3A_20 : vector<10240x1xf32>
    %div3A = arith.constant 1.000000e+00 : f32
    %div3A_22 = vector.broadcast %div3A : f32 to vector<10240x1xf32>
    %div3A_23 = arith.divf %div3A_22, %max3A_21 : vector<10240x1xf32>
    %gt3A = arith.constant 5.000000e-01 : f32
    %gt3A_24 = vector.broadcast %gt3A : f32 to vector<10240x1xf32>
    %gt3A_25 = arith.cmpf ogt, %add3A_19, %gt3A_24 : vector<10240x1xf32>
    %convert_element_type3A = arith.extui %gt3A_25 : vector<10240x1xi1> to vector<10240x1xi32>
    %convert_element_type3A_26 = arith.sitofp %convert_element_type3A : vector<10240x1xi32> to vector<10240x1xf32>
    %mul3A = vector.broadcast %div3A_23 : vector<10240x1xf32> to vector<10240x128xf32>
    %mul3A_27 = arith.mulf %add3A, %mul3A : vector<10240x128xf32>
    %get3A_28 = arith.constant 0 : index
    %get3A_29 = arith.constant 0 : index
    %get3A_30 = vector.load %arg2[%get3A_28, %get3A_29] : memref<128x128xf32, #tpu.memory_space<vmem>>, vector<128x128xf32>
    %dot_general3A = arith.constant dense<0.000000e+00> : vector<10240x128xf32>
    %dot_general3A_31 = tpu.matmul %mul3A_27, %get3A_30, %dot_general3A {dimension_numbers = #tpu.dot_dimension_numbers<[1], [0], [0], [1], [0, 0, 1, 1], [], []>, transpose_lhs_hint = false} : vector<10240x128xf32>, vector<128x128xf32>, vector<10240x128xf32> -> vector<10240x128xf32>
    %get3A_32 = arith.constant 0 : index
    %get3A_33 = arith.constant 0 : index
    %get3A_34 = vector.load %arg3[%get3A_32, %get3A_33] : memref<1x128xf32, #tpu.memory_space<vmem>>, vector<1x128xf32>
    %mul3A_35 = vector.broadcast %get3A_34 : vector<1x128xf32> to vector<10240x128xf32>
    %mul3A_36 = vector.broadcast %convert_element_type3A_26 : vector<10240x1xf32> to vector<10240x128xf32>
    %mul3A_37 = arith.mulf %mul3A_35, %mul3A_36 : vector<10240x128xf32>
    %add3A_38 = arith.addf %dot_general3A_31, %mul3A_37 : vector<10240x128xf32>
    %max3A_39 = arith.constant 0.000000e+00 : f32
    %max3A_40 = vector.broadcast %max3A_39 : f32 to vector<10240x128xf32>
    %max3A_41 = arith.maximumf %add3A_38, %max3A_40 : vector<10240x128xf32>
    %get3A_42 = arith.constant 0 : index
    %get3A_43 = arith.constant 0 : index
    %get3A_44 = vector.load %arg4[%get3A_42, %get3A_43] : memref<128x64xf32, #tpu.memory_space<vmem>>, vector<128x64xf32>
    %dot_general3A_45 = arith.constant dense<0.000000e+00> : vector<10240x64xf32>
    %dot_general3A_46 = tpu.matmul %max3A_41, %get3A_44, %dot_general3A_45 {dimension_numbers = #tpu.dot_dimension_numbers<[1], [0], [0], [1], [0, 0, 1, 1], [], []>, transpose_lhs_hint = false} : vector<10240x128xf32>, vector<128x64xf32>, vector<10240x64xf32> -> vector<10240x64xf32>
    %get3A_47 = arith.constant 0 : index
    %get3A_48 = arith.constant 0 : index
    %get3A_49 = vector.load %arg6[%get3A_47, %get3A_48] : memref<1x64xf32, #tpu.memory_space<vmem>>, vector<1x64xf32>
    %add3A_50 = vector.broadcast %get3A_49 : vector<1x64xf32> to vector<10240x64xf32>
    %add3A_51 = arith.addf %dot_general3A_46, %add3A_50 : vector<10240x64xf32>
    %swap3A = arith.constant 0 : index
    %swap3A_52 = arith.constant 0 : index
    %swap3A_53 = vector.load %arg7[%swap3A, %swap3A_52] : memref<10240x64xf32, #tpu.memory_space<vmem>>, vector<10240x64xf32>
    tpu.vector_store %arg7[%swap3A, %swap3A_52], %add3A_51 {strides = array<i32>} : memref<10240x64xf32, #tpu.memory_space<vmem>>, vector<10240x64xf32>,
    %get3A_54 = arith.constant 0 : index
    %get3A_55 = arith.constant 0 : index
    %get3A_56 = vector.load %arg5[%get3A_54, %get3A_55] : memref<128x64xf32, #tpu.memory_space<vmem>>, vector<128x64xf32>
    %dot_general3A_57 = arith.constant dense<0.000000e+00> : vector<10240x64xf32>
    %dot_general3A_58 = tpu.matmul %max3A_41, %get3A_56, %dot_general3A_57 {dimension_numbers = #tpu.dot_dimension_numbers<[1], [0], [0], [1], [0, 0, 1, 1], [], []>, transpose_lhs_hint = false} : vector<10240x128xf32>, vector<128x64xf32>, vector<10240x64xf32> -> vector<10240x64xf32>
    %swap3A_59 = arith.constant 0 : index
    %swap3A_60 = arith.constant 0 : index
    %swap3A_61 = vector.load %arg8[%swap3A_59, %swap3A_60] : memref<10240x64xf32, #tpu.memory_space<vmem>>, vector<10240x64xf32>
    tpu.vector_store %arg8[%swap3A_59, %swap3A_60], %dot_general3A_58 {strides = array<i32>} : memref<10240x64xf32, #tpu.memory_space<vmem>>, vector<10240x64xf32>,
    return
  }
}

module attributes {stable_mosaic.version = 14 : i64} {
  func.func @_tc_head(%arg0: memref<2x10240x64xf32, #tpu.memory_space<vmem>>, %arg1: memref<2x10240x1xf32, #tpu.memory_space<vmem>>, %arg2: memref<64x64xf32, #tpu.memory_space<vmem>>, %arg3: memref<1x64xf32, #tpu.memory_space<vmem>>, %arg4: memref<1x128xf32, #tpu.memory_space<vmem>>, %arg5: memref<192x256xf32, #tpu.memory_space<vmem>>, %arg6: memref<1x256xf32, #tpu.memory_space<vmem>>, %arg7: memref<256x256xf32, #tpu.memory_space<vmem>>, %arg8: memref<1x256xf32, #tpu.memory_space<vmem>>, %arg9: memref<256x16xf32, #tpu.memory_space<vmem>>, %arg10: memref<1x16xf32, #tpu.memory_space<vmem>>, %arg11: memref<256x16xf32, #tpu.memory_space<vmem>>, %arg12: memref<1x16xf32, #tpu.memory_space<vmem>>, %arg13: memref<1x16xf32, #tpu.memory_space<vmem>>, %arg14: memref<1x16xf32, #tpu.memory_space<vmem>>) attributes {dimension_semantics = [], scalar_prefetch = 0 : i64, scratch_operands = 0 : i64, tpu.core_type = #tpu.core_type<tc>} {
    %get3A = arith.constant 0 : index
    %get3A_0 = arith.constant 0 : index
    %get3A_1 = arith.constant 0 : index
    %get3A_2 = vector.load %arg0[%get3A, %get3A_0, %get3A_1] : memref<2x10240x64xf32, #tpu.memory_space<vmem>>, vector<1x10240x64xf32>
    %get3A_3 = vector.shape_cast %get3A_2 : vector<1x10240x64xf32> to vector<10240x64xf32>
    %get3A_4 = arith.constant 1 : index
    %get3A_5 = arith.constant 0 : index
    %get3A_6 = arith.constant 0 : index
    %get3A_7 = vector.load %arg0[%get3A_4, %get3A_5, %get3A_6] : memref<2x10240x64xf32, #tpu.memory_space<vmem>>, vector<1x10240x64xf32>
    %get3A_8 = vector.shape_cast %get3A_7 : vector<1x10240x64xf32> to vector<10240x64xf32>
    %add3A = arith.addf %get3A_3, %get3A_8 : vector<10240x64xf32>
    %get3A_9 = arith.constant 0 : index
    %get3A_10 = arith.constant 0 : index
    %get3A_11 = arith.constant 0 : index
    %get3A_12 = vector.load %arg1[%get3A_9, %get3A_10, %get3A_11] : memref<2x10240x1xf32, #tpu.memory_space<vmem>>, vector<1x10240x1xf32>
    %get3A_13 = vector.shape_cast %get3A_12 : vector<1x10240x1xf32> to vector<10240x1xf32>
    %get3A_14 = arith.constant 1 : index
    %get3A_15 = arith.constant 0 : index
    %get3A_16 = arith.constant 0 : index
    %get3A_17 = vector.load %arg1[%get3A_14, %get3A_15, %get3A_16] : memref<2x10240x1xf32, #tpu.memory_space<vmem>>, vector<1x10240x1xf32>
    %get3A_18 = vector.shape_cast %get3A_17 : vector<1x10240x1xf32> to vector<10240x1xf32>
    %add3A_19 = arith.addf %get3A_13, %get3A_18 : vector<10240x1xf32>
    %max3A = arith.constant 1.000000e+00 : f32
    %max3A_20 = vector.broadcast %max3A : f32 to vector<10240x1xf32>
    %max3A_21 = arith.maximumf %add3A_19, %max3A_20 : vector<10240x1xf32>
    %div3A = arith.constant 1.000000e+00 : f32
    %div3A_22 = vector.broadcast %div3A : f32 to vector<10240x1xf32>
    %div3A_23 = arith.divf %div3A_22, %max3A_21 : vector<10240x1xf32>
    %gt3A = arith.constant 5.000000e-01 : f32
    %gt3A_24 = vector.broadcast %gt3A : f32 to vector<10240x1xf32>
    %gt3A_25 = arith.cmpf ogt, %add3A_19, %gt3A_24 : vector<10240x1xf32>
    %convert_element_type3A = arith.extui %gt3A_25 : vector<10240x1xi1> to vector<10240x1xi32>
    %convert_element_type3A_26 = arith.sitofp %convert_element_type3A : vector<10240x1xi32> to vector<10240x1xf32>
    %mul3A = vector.broadcast %div3A_23 : vector<10240x1xf32> to vector<10240x64xf32>
    %mul3A_27 = arith.mulf %add3A, %mul3A : vector<10240x64xf32>
    %get3A_28 = arith.constant 0 : index
    %get3A_29 = arith.constant 0 : index
    %get3A_30 = vector.load %arg2[%get3A_28, %get3A_29] : memref<64x64xf32, #tpu.memory_space<vmem>>, vector<64x64xf32>
    %dot_general3A = arith.constant dense<0.000000e+00> : vector<10240x64xf32>
    %dot_general3A_31 = tpu.matmul %mul3A_27, %get3A_30, %dot_general3A {dimension_numbers = #tpu.dot_dimension_numbers<[1], [0], [0], [1], [0, 0, 1, 1], [], []>, transpose_lhs_hint = false} : vector<10240x64xf32>, vector<64x64xf32>, vector<10240x64xf32> -> vector<10240x64xf32>
    %get3A_32 = arith.constant 0 : index
    %get3A_33 = arith.constant 0 : index
    %get3A_34 = vector.load %arg3[%get3A_32, %get3A_33] : memref<1x64xf32, #tpu.memory_space<vmem>>, vector<1x64xf32>
    %mul3A_35 = vector.broadcast %get3A_34 : vector<1x64xf32> to vector<10240x64xf32>
    %mul3A_36 = vector.broadcast %convert_element_type3A_26 : vector<10240x1xf32> to vector<10240x64xf32>
    %mul3A_37 = arith.mulf %mul3A_35, %mul3A_36 : vector<10240x64xf32>
    %add3A_38 = arith.addf %dot_general3A_31, %mul3A_37 : vector<10240x64xf32>
    %reduce_sum3A = arith.constant dense<0.000000e+00> : vector<64xf32>
    %reduce_sum3A_39 = vector.multi_reduction <add>, %add3A_38, %reduce_sum3A [0] : vector<10240x64xf32> to vector<64xf32>
    %broadcast_in_dim3A = vector.shape_cast %reduce_sum3A_39 : vector<64xf32> to vector<1x64xf32>
    %mul3A_40 = arith.constant 9.99999974E-5 : f32
    %mul3A_41 = vector.broadcast %mul3A_40 : f32 to vector<1x64xf32>
    %mul3A_42 = arith.mulf %broadcast_in_dim3A, %mul3A_41 : vector<1x64xf32>
    %get3A_43 = arith.constant 0 : index
    %get3A_44 = arith.constant 0 : index
    %get3A_45 = vector.load %arg4[%get3A_43, %get3A_44] : memref<1x128xf32, #tpu.memory_space<vmem>>, vector<1x128xf32>
    %concatenate3A = tpu.concatenate %get3A_45, %mul3A_42 in 1 : vector<1x128xf32>, vector<1x64xf32> -> vector<1x192xf32>
    %get3A_46 = arith.constant 0 : index
    %get3A_47 = arith.constant 0 : index
    %get3A_48 = vector.load %arg5[%get3A_46, %get3A_47] : memref<192x256xf32, #tpu.memory_space<vmem>>, vector<192x256xf32>
    %dot_general3A_49 = arith.constant dense<0.000000e+00> : vector<1x256xf32>
    %dot_general3A_50 = tpu.matmul %concatenate3A, %get3A_48, %dot_general3A_49 {dimension_numbers = #tpu.dot_dimension_numbers<[1], [0], [0], [1], [0, 0, 1, 1], [], []>, transpose_lhs_hint = false} : vector<1x192xf32>, vector<192x256xf32>, vector<1x256xf32> -> vector<1x256xf32>
    %get3A_51 = arith.constant 0 : index
    %get3A_52 = arith.constant 0 : index
    %get3A_53 = vector.load %arg6[%get3A_51, %get3A_52] : memref<1x256xf32, #tpu.memory_space<vmem>>, vector<1x256xf32>
    %add3A_54 = arith.addf %dot_general3A_50, %get3A_53 : vector<1x256xf32>
    %max3A_55 = arith.constant 0.000000e+00 : f32
    %max3A_56 = vector.broadcast %max3A_55 : f32 to vector<1x256xf32>
    %max3A_57 = arith.maximumf %add3A_54, %max3A_56 : vector<1x256xf32>
    %get3A_58 = arith.constant 0 : index
    %get3A_59 = arith.constant 0 : index
    %get3A_60 = vector.load %arg7[%get3A_58, %get3A_59] : memref<256x256xf32, #tpu.memory_space<vmem>>, vector<256x256xf32>
    %dot_general3A_61 = arith.constant dense<0.000000e+00> : vector<1x256xf32>
    %dot_general3A_62 = tpu.matmul %max3A_57, %get3A_60, %dot_general3A_61 {dimension_numbers = #tpu.dot_dimension_numbers<[1], [0], [0], [1], [0, 0, 1, 1], [], []>, transpose_lhs_hint = false} : vector<1x256xf32>, vector<256x256xf32>, vector<1x256xf32> -> vector<1x256xf32>
    %get3A_63 = arith.constant 0 : index
    %get3A_64 = arith.constant 0 : index
    %get3A_65 = vector.load %arg8[%get3A_63, %get3A_64] : memref<1x256xf32, #tpu.memory_space<vmem>>, vector<1x256xf32>
    %add3A_66 = arith.addf %dot_general3A_62, %get3A_65 : vector<1x256xf32>
    %max3A_67 = arith.constant 0.000000e+00 : f32
    %max3A_68 = vector.broadcast %max3A_67 : f32 to vector<1x256xf32>
    %max3A_69 = arith.maximumf %add3A_66, %max3A_68 : vector<1x256xf32>
    %get3A_70 = arith.constant 0 : index
    %get3A_71 = arith.constant 0 : index
    %get3A_72 = vector.load %arg9[%get3A_70, %get3A_71] : memref<256x16xf32, #tpu.memory_space<vmem>>, vector<256x16xf32>
    %dot_general3A_73 = arith.constant dense<0.000000e+00> : vector<1x16xf32>
    %dot_general3A_74 = tpu.matmul %max3A_69, %get3A_72, %dot_general3A_73 {dimension_numbers = #tpu.dot_dimension_numbers<[1], [0], [0], [1], [0, 0, 1, 1], [], []>, transpose_lhs_hint = false} : vector<1x256xf32>, vector<256x16xf32>, vector<1x16xf32> -> vector<1x16xf32>
    %get3A_75 = arith.constant 0 : index
    %get3A_76 = arith.constant 0 : index
    %get3A_77 = vector.load %arg10[%get3A_75, %get3A_76] : memref<1x16xf32, #tpu.memory_space<vmem>>, vector<1x16xf32>
    %add3A_78 = arith.addf %dot_general3A_74, %get3A_77 : vector<1x16xf32>
    %swap3A = arith.constant 0 : index
    %swap3A_79 = arith.constant 0 : index
    %swap3A_80 = vector.load %arg13[%swap3A, %swap3A_79] : memref<1x16xf32, #tpu.memory_space<vmem>>, vector<1x16xf32>
    tpu.vector_store %arg13[%swap3A, %swap3A_79], %add3A_78 {strides = array<i32>} : memref<1x16xf32, #tpu.memory_space<vmem>>, vector<1x16xf32>,
    %get3A_81 = arith.constant 0 : index
    %get3A_82 = arith.constant 0 : index
    %get3A_83 = vector.load %arg11[%get3A_81, %get3A_82] : memref<256x16xf32, #tpu.memory_space<vmem>>, vector<256x16xf32>
    %dot_general3A_84 = arith.constant dense<0.000000e+00> : vector<1x16xf32>
    %dot_general3A_85 = tpu.matmul %max3A_69, %get3A_83, %dot_general3A_84 {dimension_numbers = #tpu.dot_dimension_numbers<[1], [0], [0], [1], [0, 0, 1, 1], [], []>, transpose_lhs_hint = false} : vector<1x256xf32>, vector<256x16xf32>, vector<1x16xf32> -> vector<1x16xf32>
    %get3A_86 = arith.constant 0 : index
    %get3A_87 = arith.constant 0 : index
    %get3A_88 = vector.load %arg12[%get3A_86, %get3A_87] : memref<1x16xf32, #tpu.memory_space<vmem>>, vector<1x16xf32>
    %add3A_89 = arith.addf %dot_general3A_85, %get3A_88 : vector<1x16xf32>
    %jit3A = arith.constant -2.000000e+01 : f32
    %jit3A_90 = arith.constant 2.000000e+00 : f32
    %max3A_91 = vector.broadcast %jit3A : f32 to vector<1x16xf32>
    %max3A_92 = arith.maximumf %max3A_91, %add3A_89 : vector<1x16xf32>
    %min3A = vector.broadcast %jit3A_90 : f32 to vector<1x16xf32>
    %min3A_93 = arith.minimumf %min3A, %max3A_92 : vector<1x16xf32>
    %swap3A_94 = arith.constant 0 : index
    %swap3A_95 = arith.constant 0 : index
    %swap3A_96 = vector.load %arg14[%swap3A_94, %swap3A_95] : memref<1x16xf32, #tpu.memory_space<vmem>>, vector<1x16xf32>
    tpu.vector_store %arg14[%swap3A_94, %swap3A_95], %min3A_93 {strides = array<i32>} : memref<1x16xf32, #tpu.memory_space<vmem>>, vector<1x16xf32>,
    return
  }
}

</mosaic_0001>

<sc_bundles>
// kernel: sc_edge_d128.3.cloned.1.call-start
scs
__scs_entry_jumppad:
0x0: {  	(pc) =	sbr.rel $0x88, $3  }
0x1: {  	(tag) =	ssettag $0x0;
	lr =	simm.s32 $0x1  }
0x2: {  	[smem:$0x3F8E] =	sst lr;
	_ =	strace $0xD0000000  }
0x3: {  	_ = 	snop  }
0x4: {  	_ = 	snop  }
0x5: {  	_ = 	snop  }
0x6: {  	_ = 	snop  }
0x7: {  	_ = 	snop  }
__scs_overlays_trampoline_lowered:
0x8: {  	[smem:$0x3F9D] =	sst s0  }
0x9: {  	[smem:$0x3F9E] =	sst s1  }
0xa: {  	[smem:$0x3F9F] =	sst s2  }
0xb: {  	[smem:$0x3FA0] =	sst s3  }
0xc: {  	[smem:$0x3FA1] =	sst s4  }
0xd: {  	[smem:$0x3FA2] =	sst s5  }
0xe: {  	[smem:$0x3FA3] =	sst s6  }
0xf: {  	[smem:$0x3FA4] =	sst s7  }
0x10: {  	[smem:$0x3FA5] =	sst s8  }
0x11: {  	[smem:$0x3FA6] =	sst s9;
	s0 =	simm.s32 @!p0 $0x0  }
0x12: {  	s1 =	sld [smem:$0x3F8C];
	s0 =	simm.s32 @p0 $0x1  }
0x13: {  	[smem:$0x3FA7] =	sst s0;
	s0 =	simm.s32 @!p1 $0x0  }
0x14: {  	s2 =	sld [smem:$0x3F8B];
	s0 =	simm.s32 @p1 $0x1  }
0x15: {  	[smem:$0x3FA8] =	sst s0;
	s0 =	simm.s32 @!p2 $0x0  }
0x16: {  	s3 =	sld [smem:$0x3FDB];
	s0 =	simm.s32 @p2 $0x1  }
0x17: {  	s4 =	simm.s32 $0x1BF5;
	[smem:$0x3FAA] =	sst s0  }
0x18: {  	s0 =	sld [smem:$0x3F8D];
	_ =	swait.ge [sflag:s4], $0x0  }
0x19: {  	s7 =	sld [smem:$0x3F8E]  }
0x1a: {  	s8 =	sadd.s32 $0xFFFFE003, lr  }
0x1b: {  	s9 =	sadd.s32 $0xFFFFFEF7, lr;
	s5 =	simm.s32 $0xFFFFFFFF;
	p2 =	slt.u32 s8, $0xFFFFF086  }
0x1c: {  	p1 =	slt.u32 s9, $0xF7A;
	s5 =	simm.s32 @!p2 $0x0  }
0x1d: {  	s5 =	simm.s32 @p1 $0x1;
	p0 =	seq.s32 s7, s2  }
0x1e: {  	s7 =	smul.u32 @!p0 $0xF7A, s2;
	p2 =	seq.s32 @!p0 s5, $0x0  }
0x1f: {  	s9 =	smul.u32 $0xF7A, s1;
	s8 =	simm.s32 @!p0 $0x1BF5;
	p2 =	por !p2, p0  }
0x20: {  	[sflag:s8] =	ssyncset.s32 @!p0 $0xFFFFF086;
	s6 =	sadd.s32 @!p0 s3, s7;
	s7 =	simm.s32 @!p0 $0x108  }
0x21: {  	s3 =	sadd.s32 s3, s9;
	s6 =	sadd.s32 @!p0 $0x88, s6;
	s7 =	simm.s32 @p2 $0x1082  }
0x22: {  	[simem:s7], [sflag:s8] =	dma.local @!p0 [hbm:s6], $0xF7A  }
0x23: {  	s9 =	sor.u32 $0xD0000000, s2;
	s6 =	simm.s32 $0x108;
	_ =	swait.ge @!p0 [sflag:s8], $0x0  }
0x24: {  	s3 =	sadd.s32 $0x88, s3;
	s6 =	simm.s32 @!p1 $0x1082;
	[sflag:s4] =	ssyncset.s32 $0xFFFFF086  }
0x25: {  	[simem:s6], [sflag:s4] =	dma.local [hbm:s3], $0xF7A  }
0x26: {  	[smem:$0x3F8E] =	sst s1;
	(tag) =	ssettag s2;
	_ =	strace s9  }
0x27: {  	s1 =	sld [smem:$0x3F9E]  }
0x28: {  	s2 =	sld [smem:$0x3F9F]  }
0x29: {  	s4 =	sld [smem:$0x3FA1]  }
0x2a: {  	p0 =	seq.s32 s5, $0x0;
	s5 =	sld [smem:$0x3FA2]  }
0x2b: {  	s6 =	sld [smem:$0x3FA3]  }
0x2c: {  	s7 =	sld [smem:$0x3FA4]  }
0x2d: {  	s3 =	simm.s32 $0x108;
	s8 =	sld [smem:$0x3FA5]  }
0x2e: {  	s3 =	simm.s32 @!p0 $0x1082;
	s9 =	sld [smem:$0x3FA6]  }
0x2f: {  	lr =	sadd.s32 s0, s3;
	s0 =	sld [smem:$0x3F9D]  }
0x30: {  	s3 =	sld [smem:$0x3FA0]  }
0x31: {  	[smem:$0x3FA9] =	sst s10  }
0x32: {  	s10 =	sld [smem:$0x3FA7];
	_ =	sdelay $0x3  }
0x33: {  	p0 =	seq.s32 s10, $0x1;
	s10 =	sld [smem:$0x3FA9];
	_ =	sdelay $0x3  }
0x34: {  	[smem:$0x3FA9] =	sst s10  }
0x35: {  	s10 =	sld [smem:$0x3FA8];
	_ =	sdelay $0x3  }
0x36: {  	p1 =	seq.s32 s10, $0x1;
	s10 =	sld [smem:$0x3FA9];
	_ =	sdelay $0x3  }
0x37: {  	[smem:$0x3FA9] =	sst s10  }
0x38: {  	s10 =	sld [smem:$0x3FAA]  }
0x39: {  	_ = 	snop;
	(pc) =	sbr.ind lr, $3  }
0x3a: {  	_ = 	snop  }
0x3b: {  	_ = 	snop  }
0x3c: {  	p2 =	seq.s32 s10, $0x1;
	s10 =	sld [smem:$0x3FA9]  }
0x3d: {  	_ =	shalt  }
0x3e: {  	_ =	shalt  }
0x3f: {  	_ =	shalt  }
0x40: {  	_ =	shalt  }
0x41: {  	_ =	shalt  }
0x42: {  	_ =	shalt  }
0x43: {  	_ =	shalt  }
0x44: {  	_ =	shalt  }
0x45: {  	_ =	shalt  }
0x46: {  	_ =	shalt  }
0x47: {  	_ =	shalt  }
0x48: {  	_ =	shalt  }
0x49: {  	_ =	shalt  }
0x4a: {  	_ =	shalt  }
0x4b: {  	_ =	shalt  }
0x4c: {  	_ =	shalt  }
0x4d: {  	_ =	shalt  }
0x4e: {  	_ =	shalt  }
0x4f: {  	_ =	shalt  }
0x50: {  	_ =	shalt  }
0x51: {  	_ =	shalt  }
0x52: {  	_ =	shalt  }
0x53: {  	_ =	shalt  }
0x54: {  	_ =	shalt  }
0x55: {  	_ =	shalt  }
0x56: {  	_ =	shalt  }
0x57: {  	_ =	shalt  }
0x58: {  	_ =	shalt  }
0x59: {  	_ =	shalt  }
0x5a: {  	_ =	shalt  }
0x5b: {  	_ =	shalt  }
0x5c: {  	_ =	shalt  }
0x5d: {  	_ =	shalt  }
0x5e: {  	_ =	shalt  }
0x5f: {  	_ =	shalt  }
0x60: {  	_ =	shalt  }
0x61: {  	_ =	shalt  }
0x62: {  	_ =	shalt  }
0x63: {  	_ =	shalt  }
0x64: {  	_ =	shalt  }
0x65: {  	_ =	shalt  }
0x66: {  	_ =	shalt  }
0x67: {  	_ =	shalt  }
0x68: {  	_ =	shalt  }
0x69: {  	_ =	shalt  }
0x6a: {  	_ =	shalt  }
0x6b: {  	_ =	shalt  }
0x6c: {  	_ =	shalt  }
0x6d: {  	_ =	shalt  }
0x6e: {  	_ =	shalt  }
0x6f: {  	_ =	shalt  }
0x70: {  	_ =	shalt  }
0x71: {  	_ =	shalt  }
0x72: {  	_ =	shalt  }
0x73: {  	_ =	shalt  }
0x74: {  	_ =	shalt  }
0x75: {  	_ =	shalt  }
0x76: {  	_ =	shalt  }
0x77: {  	_ =	shalt  }
0x78: {  	_ =	shalt  }
0x79: {  	_ =	shalt  }
0x7a: {  	_ =	shalt  }
0x7b: {  	_ =	shalt  }
0x7c: {  	_ =	shalt  }
0x7d: {  	_ =	shalt  }
0x7e: {  	_ =	shalt  }
0x7f: {  	_ =	shalt  }
0x80: {  	_ =	shalt  }
0x81: {  	_ =	shalt  }
0x82: {  	_ =	shalt  }
0x83: {  	_ =	shalt  }
0x84: {  	_ =	shalt  }
0x85: {  	_ =	shalt  }
0x86: {  	_ =	shalt  }
0x87: {  	_ =	shalt  }
.Lfunc_end0:
.L_simem_size_0:
called_computation_lowered:
.L_overlay_start_0:
0x88: {  	s2 =	sld [smem:$0x3FD9]  }
0x89: {  	s3 =	sld [smem:$0x3FFE];
	_ =	sdelay $0x1  }
0x8a: {  	s1 =	srdreg.scid  }
0x8b: {  	s0 =	sand.u32 $0x1, s1  }
0x8c: {  	s16 =	sshll.u32 s0, $0xA;
	s2 =	sadd.s32 s3, s2  }
0x8d: {  	s2 =	sadd.s32 s2, s16  }
0x8e: {  	[smem:$0x3FB5] =	sst s2  }
0x8f: {  	_ = 	snop  }
0x90: {  	(tm) =	ssettm $0x1  }
0x91: {  	s17 =	sld [smem:$0x3FFB];
	_ =	sdelay $0x3  }
0x92: {  	_ =	strace s17  }
0x93: {  	s2 =	sld [smem:$0x3FFC];
	_ =	sdelay $0x3  }
0x94: {  	_ =	strace s2  }
0x95: {  	s2 =	sld [smem:$0x3FFD];
	_ =	sdelay $0x3  }
0x96: {  	_ =	strace s2  }
0x97: {  	_ =	strace $0x8FFFFFFF  }
0x98: {  	s18 =	sld [smem:$0x3FDB];
	_ =	sdelay $0x1  }
0x99: {  	s19 =	simm.s32 $_scs_section_size  }
0x9a: {  	s4 =	simm.s32 $_size__tile_overlayer_lowered;
	s5 =	simm.s32 $_tile_overlayer_lowered  }
0x9b: {  	s22 =	simm.s32 $0x1BFF;
	s21 =	sshll.u32 s5, $0x1;
	s2 =	sadd.s32 s19, s18  }
0x9c: {  	s6 =	simm.s32 $0x0;
	s20 =	sshll.u32 s4, $0x1;
	s4 =	sadd.s32 s21, s2  }
0x9d: {  	[timem:s6], [sflag:s22] =	dma.local [hbm:s4], s20  }
0x9e: {  	_ =	swait.ge [sflag:s22], s20  }
0x9f: {  	s3 =	ssub.s32 $0x0, s20;
	[sflag:s22] =	ssyncset.done $0x0  }
0xa0: {  	[sflag:s22] =	ssyncadd.s32 s3;
	_ =	sdelay $0x1  }
0xa1: {  	s23 =	simm.s32 $0x1B8B  }
0xa2: {  	_ =	swait.ge [sflag:s23], $0x1  }
0xa3: {  	[sflag:s23] =	ssyncset.done $0x0  }
0xa4: {  	s25 =	simm.s32 $0x1B8E;
	s24 =	sld [smem:$0x3FFE];
	[sflag:s23] =	ssyncadd.s32 $0xFFFFFFFF  }
0xa5: {  	s26 =	simm.s32 $execute0_lowered;
	[smem:$0x3FD2] =	sst s25  }
0xa6: {  	s4 =	sshll.u32 s26, $0x1;
	_ =	strace $0x80000046;
	[dreg:$0x1] =	wrdreg $0xFFFFFFFF  }
0xa7: {  	s28 =	simm.s32 $_size_execute0_lowered;
	s2 =	sadd.s32 s2, s4;
	[dreg:$0x0] =	wrdreg $0x0  }
0xa8: {  	s4 =	sshll.u32 s28, $0x1;
	[dreg:$0x2] =	wrdreg s2  }
0xa9: {  	[dreg:$0x3] =	wrdreg s4  }
0xaa: {  	[dreg:$0x4] =	wrdreg $0xC0  }
0xab: {  	_ =	task [dreg:s6], $0x5FFFF  }
0xac: {  	[dreg:$0x1] =	wrdreg $0xFFFFFFFF  }
0xad: {  	[dreg:$0x0] =	wrdreg $0x60  }
0xae: {  	[dreg:$0x2] =	wrdreg s24  }
0xaf: {  	[dreg:$0x3] =	wrdreg $0x92B00  }
0xb0: {  	[dreg:$0x4] =	wrdreg $0x1D2B00  }
0xb1: {  	[dreg:$0x5] =	wrdreg $0x9  }
0xb2: {  	_ =	task.clear_ibuf [dreg:s6], $0x6FFFF;
	_ =	strace $0x90000046  }
0xb3: {  	s29 =	simm.s32 $0x9;
	_ =	strace $0x80000048  }
0xb4: {  	_ =	swait.ge [sflag:s29], $0x1  }
0xb5: {  	[sflag:s29] =	ssyncadd.s32 $0xFFFFFFFF  }
0xb6: {  	_ =	strace $0x90000048  }
0xb7: {  	_ =	sfence  }
0xb8: {  	s30 =	sld [smem:$0x0];
	_ =	sdelay $0x2  }
0xb9: {  	s31 =	sshll.u32 s1, $0xD;
	s1 =	sshrl.u32 s1, $0x2  }
0xba: {  	s3 =	sand.u32 $0x4000, s31;
	s1 =	sadd.s32 s1, s30  }
0xbb: {  	s0 =	sor.u32 s3, s0;
	s1 =	sshll.u32 s1, $0x11  }
0xbc: {  	s0 =	sor.u32 s1, s0  }
0xbd: {  	s0 =	sadd.s32 $0x8F2B, s0  }
0xbe: {  	[sflag:s0] =	ssyncadd.remote.s32 $0x1  }
0xbf: {  	_ =	sfence.sel $0xFFFF  }
0xc0: {  	[dreg:$0x0] =	wrdreg $0xFFFFFFFF;
	(pc) =	sbr.abs _section_cstart, $3  }
0xc1: {  	[dreg:$0x1] =	wrdreg $0xFFFFFFFF  }
0xc2: {  	_ =	task.clear_ibuf [dreg:s6], $0x2FFFF;
	_ =	strace $0x9FFFFFFF  }
0xc3: {  	(tm) =	ssettm $0x7FFFFFFF  }
tec
execute0_lowered:
.L_overlay_start_1:
0x0: {  	(tag) =	ssettag $0x1  }
0x1: {  	s3 =	rddreg [dreg:$0x0]  }
0x2: {  	s0 =	rddreg [dreg:$0x1];
	s1 =	simm.s32 $0x0;
	s2 =	srdreg.scid  }
0x3: {  	s10 =	stileid.u32;
	s31 =	simm.s32 $0x4;
	[smem:$0x7FF] =	sst s1  }
0x4: {  	s4 =	sand.u32 $0x1, s2;
	s5 =	sadd.s32 $0x66A00, s3;
	s8 =	smul.u32 $0x280, s10  }
0x5: {  	s7 =	sshll.u32 s10, $0x1;
	s9 =	sadd.s32 $0x66000, s3;
	s2 =	ssub.s32 $0x2, s4  }
0x6: {  	s12 =	smul.u32 $0x140000, s4;
	s6 =	sshrl.u32 s2, $0x1;
	s11 =	sadd.s32 $0x100, s8  }
0x7: {  	s19 =	sadd.s32 $0x180, s8;
	s20 =	sadd.s32 $0x200, s8;
	s2 =	ssub.s32 s2, s6  }
0x8: {  	s6 =	sor.u32 s4, s7;
	s7 =	smul.u32 $0x14000, s10;
	s10 =	sadd.s32 $0x80, s8  }
0x9: {  	s14 =	sshll.u32 s11, $0x7;
	s4 =	smul.u32 $0x2800, s4;
	s22 =	sshll.u32 s19, $0x7  }
0xa: {  	s23 =	sshll.u32 s20, $0x7;
	s13 =	sshll.u32 s10, $0x7;
	s26 =	sadd.s32 s12, s14  }
0xb: {  	s18 =	sadd.s32 s12, s22;
	s29 =	sadd.s32 s23, s0;
	s2 =	smax.u32 s2, $0x1  }
0xc: {  	s15 =	sadd.s32 s7, s12;
	s16 =	sadd.s32 s8, s4;
	s17 =	sadd.s32 s12, s13  }
0xd: {  	s25 =	sadd.s32 s4, s10;
	s12 =	sadd.s32 s12, s23;
	s18 =	sshrl.u32 s18, $0x3  }
0xe: {  	s21 =	sadd.s32 s4, s11;
	s15 =	sshrl.u32 s15, $0x3;
	s24 =	sshrl.u32 s17, $0x3  }
0xf: {  	s17 =	sshrl.u32 s26, $0x3;
	s12 =	sshrl.u32 s12, $0x3;
	s15 =	sadd.s32 s5, s15  }
0x10: {  	s25 =	sshrl.u32 s25, $0x3;
	s17 =	sadd.s32 s5, s17;
	[dreg:$0x4] =	wrdreg s15  }
0x11: {  	s15 =	sshrl.u32 s16, $0x3;
	s16 =	sadd.s32 s5, s24;
	[dreg:$0x6] =	wrdreg s17  }
0x12: {  	s26 =	sadd.s32 s4, s19;
	s17 =	sadd.s32 s5, s18;
	[dreg:$0x5] =	wrdreg s16  }
0x13: {  	s4 =	sadd.s32 s4, s20;
	s5 =	sadd.s32 s5, s12;
	[dreg:$0x7] =	wrdreg s17  }
0x14: {  	s4 =	sshrl.u32 s4, $0x3;
	s12 =	sadd.s32 s9, s25;
	[dreg:$0x8] =	wrdreg s5  }
0x15: {  	s4 =	sadd.s32 s9, s4;
	s18 =	sadd.s32 $0x4000, s3;
	[dreg:$0xa] =	wrdreg s12  }
0x16: {  	s24 =	sadd.s32 s9, s15;
	s5 =	sshrl.u32 s21, $0x3;
	s12 =	rddreg [dreg:$0x2]  }
0x17: {  	[dreg:$0xd] =	wrdreg s4;
	s15 =	sadd.s32 $0x17C00, s3;
	s16 =	sadd.s32 $0x3EE00, s3  }
0x18: {  	s17 =	sadd.s32 $0xDE00, s3;
	s21 =	smul.u32 $0x2710, s6;
	s5 =	sadd.s32 s9, s5  }
0x19: {  	s4 =	simm.s32 $0x5;
	[dreg:$0xb] =	wrdreg s5;
	s5 =	sshrl.u32 s26, $0x3  }
0x1a: {  	s6 =	simm.s32 $0x80;
	[dreg:$0x9] =	wrdreg s24;
	s5 =	sadd.s32 s9, s5  }
0x1b: {  	s24 =	sadd.s32 s7, s0;
	s8 =	sadd.s32 s8, s12;
	[dreg:$0xc] =	wrdreg s5  }
0x1c: {  	s9 =	sadd.s32 s13, s0;
	_ =	strace $0x80000047;
	[dreg:$0xe] =	wrdreg s8  }
0x1d: {  	s10 =	sadd.s32 s10, s12;
	s26 =	sadd.s32 s22, s0;
	[dreg:$0xf] =	wrdreg s9  }
0x1e: {  	s22 =	sshrl.u32 s21, $0x3;
	s13 =	sadd.s32 s14, s0;
	[dreg:$0x10] =	wrdreg s10  }
0x1f: {  	s14 =	sadd.s32 s11, s12;
	s3 =	sadd.s32 $0x4E0, s22;
	[dreg:$0x11] =	wrdreg s13  }
0x20: {  	s28 =	sadd.s32 s19, s12;
	s25 =	sadd.s32 s17, s3;
	[dreg:$0x12] =	wrdreg s14  }
0x21: {  	s30 =	sadd.s32 s20, s12;
	s3 =	sadd.s32 s18, s3;
	[dreg:$0x13] =	wrdreg s25  }
0x22: {  	s7 =	simm.s32 $0x100;
	s11 =	simm.s32 $0x200;
	[dreg:$0x14] =	wrdreg s3  }
0x23: {  	s5 =	simm.s32 $0x9220;
	[dreg:$0x15] =	wrdreg s2;
	s3 =	simm.s32 $0x220  }
0x24: {  	s8 =	simm.s32 $0x180;
	s9 =	simm.s32 $0x1;
	s10 =	simm.s32 $0x2  }
0x25: {  	v0 =	vimm.f32 $0.0e+00;
	v1 =	vimm.f32 $1.000000000e+00;
	s13 =	simm.s32 $0x4220;
	s14 =	simm.s32 $0x3;
	s2 =	simm.s32 $0x10  }
.LBB2_1:
0x26: {  	s19 =	simm.s32 $0x0;
	s20 =	simm.s32 $0x200  }
.LBB2_2:
0x27: {  	p0 =	sne.s32 s20, $0xFE00;
	[tilespmem:s19+$0x290] =	vst v0  }
0x28: {  	[tilespmem:s19+$0x220] =	vst v0  }
0x29: {  	[tilespmem:s19+$0x230] =	vst v0  }
.Ltmp0:
0x2a: {  	[tilespmem:s19+$0x240] =	vst v0;
	(pc) =	sbr.rel @p0 .LBB2_2-.Ltmp0, $4  }
0x2b: {  	[tilespmem:s19+$0x250] =	vst v0  }
0x2c: {  	[tilespmem:s19+$0x260] =	vst v0  }
0x2d: {  	[tilespmem:s19+$0x270] =	vst v0  }
0x2e: {  	[tilespmem:s19+$0x280] =	vst v0;
	s19 =	sshra.s32 s20, $0x2;
	s20 =	sadd.s32 $0x200, s20  }
0x2f: {  	[tilespmem:s19+$0x290] =	vst v0  }
0x30: {  	[tilespmem:s19+$0x220] =	vst v0  }
0x31: {  	[tilespmem:s19+$0x230] =	vst v0  }
0x32: {  	[tilespmem:s19+$0x240] =	vst v0  }
0x33: {  	[tilespmem:s19+$0x250] =	vst v0  }
0x34: {  	[tilespmem:s19+$0x260] =	vst v0  }
0x35: {  	[tilespmem:s19+$0x270] =	vst v0  }
0x36: {  	[tilespmem:s19+$0x280] =	vst v0  }
0x37: {  	[tilespmem:$0x9220] =	vst v0  }
0x38: {  	[tilespmem:$0x9230] =	vst v0  }
0x39: {  	[tilespmem:$0x9240] =	vst v0  }
0x3a: {  	[tilespmem:$0x9250] =	vst v0  }
0x3b: {  	[tilespmem:$0x9260] =	vst v0  }
0x3c: {  	[tilespmem:$0x9270] =	vst v0  }
0x3d: {  	[tilespmem:$0x9280] =	vst v0  }
0x3e: {  	[tilespmem:$0x9290] =	vst v0  }
0x3f: {  	[spmem:s24] =	stream.linear.scatter [tilespmem:s3], [sflag:$0x5], $0x4000, $0x38;
	[tilespmem:$0x1D530] =	vst v63  }
0x40: {  	_ =	swait.ge [sflag:s4], $0x4000  }
0x41: {  	[sflag:s4] =	ssyncset.done $0x0  }
0x42: {  	s25 =	smov.u32 s24;
	s24 =	rddreg [dreg:$0xe];
	[sflag:s4] =	ssyncadd.s32 $0xFFFFC000  }
0x43: {  	[spmem:s24] =	stream.linear.scatter [tilespmem:s5], [sflag:$0x5], $0x80, $0x38;
	[tilespmem:$0x1D530] =	vst v63  }
0x44: {  	_ =	swait.ge [sflag:s4], $0x80  }
0x45: {  	[sflag:s4] =	ssyncset.done $0x0  }
0x46: {  	s20 =	rddreg [dreg:$0xf];
	[sflag:s4] =	ssyncadd.s32 $0xFFFFFF80  }
0x47: {  	[spmem:s20] =	stream.linear.scatter [tilespmem:s3], [sflag:$0x5], $0x4000, $0x38;
	[tilespmem:$0x1D530] =	vst v63  }
0x48: {  	_ =	swait.ge [sflag:s4], $0x4000  }
0x49: {  	[sflag:s4] =	ssyncset.done $0x0  }
0x4a: {  	s22 =	rddreg [dreg:$0x10];
	[sflag:s4] =	ssyncadd.s32 $0xFFFFC000  }
0x4b: {  	[spmem:s22] =	stream.linear.scatter [tilespmem:s5], [sflag:$0x5], $0x80, $0x38;
	[tilespmem:$0x1D530] =	vst v63  }
0x4c: {  	_ =	swait.ge [sflag:s4], $0x80  }
0x4d: {  	[sflag:s4] =	ssyncset.done $0x0  }
0x4e: {  	s23 =	rddreg [dreg:$0x11];
	[sflag:s4] =	ssyncadd.s32 $0xFFFFFF80  }
0x4f: {  	[spmem:s23] =	stream.linear.scatter [tilespmem:s3], [sflag:$0x5], $0x4000, $0x38;
	[tilespmem:$0x1D530] =	vst v63  }
0x50: {  	_ =	swait.ge [sflag:s4], $0x4000  }
0x51: {  	[sflag:s4] =	ssyncset.done $0x0  }
0x52: {  	s24 =	rddreg [dreg:$0x12];
	[sflag:s4] =	ssyncadd.s32 $0xFFFFC000  }
0x53: {  	[spmem:s24] =	stream.linear.scatter [tilespmem:s5], [sflag:$0x5], $0x80, $0x38;
	[tilespmem:$0x1D530] =	vst v63  }
0x54: {  	_ =	swait.ge [sflag:s4], $0x80  }
0x55: {  	[sflag:s4] =	ssyncset.done $0x0  }
0x56: {  	[sflag:s4] =	ssyncadd.s32 $0xFFFFFF80  }
0x57: {  	[spmem:s26] =	stream.linear.scatter [tilespmem:s3], [sflag:$0x5], $0x4000, $0x38;
	[tilespmem:$0x1D530] =	vst v63  }
0x58: {  	_ =	swait.ge [sflag:s4], $0x4000  }
0x59: {  	[sflag:s4] =	ssyncset.done $0x0  }
0x5a: {  	[sflag:s4] =	ssyncadd.s32 $0xFFFFC000  }
0x5b: {  	[spmem:s28] =	stream.linear.scatter [tilespmem:s5], [sflag:$0x5], $0x80, $0x38;
	[tilespmem:$0x1D530] =	vst v63  }
0x5c: {  	_ =	swait.ge [sflag:s4], $0x80  }
0x5d: {  	[sflag:s4] =	ssyncset.done $0x0  }
0x5e: {  	[sflag:s4] =	ssyncadd.s32 $0xFFFFFF80  }
0x5f: {  	[spmem:s29] =	stream.linear.scatter [tilespmem:s3], [sflag:$0x5], $0x4000, $0x38;
	[tilespmem:$0x1D530] =	vst v63  }
0x60: {  	_ =	swait.ge [sflag:s4], $0x4000  }
0x61: {  	[sflag:s4] =	ssyncset.done $0x0  }
0x62: {  	[sflag:s4] =	ssyncadd.s32 $0xFFFFC000  }
0x63: {  	[spmem:s30] =	stream.linear.scatter [tilespmem:s5], [sflag:$0x5], $0x80, $0x38;
	[tilespmem:$0x1D530] =	vst v63  }
0x64: {  	_ =	swait.ge [sflag:s4], $0x80  }
0x65: {  	[sflag:s4] =	ssyncset.done $0x0  }
0x66: {  	[sflag:s4] =	ssyncadd.s32 $0xFFFFFF80  }
0x67: {  	[tilespmem:$0x9220] =	vst v1  }
0x68: {  	[tilespmem:$0x9230] =	vst v1  }
0x69: {  	[tilespmem:$0x9240] =	vst v1  }
0x6a: {  	[tilespmem:$0x9250] =	vst v1  }
0x6b: {  	[tilespmem:$0x9260] =	vst v1  }
0x6c: {  	[tilespmem:$0x9270] =	vst v1  }
0x6d: {  	[tilespmem:$0x9280] =	vst v1  }
0x6e: {  	[tilespmem:$0x9290] =	vst v1  }
0x6f: {  	[tilespmem:$0x92A0] =	vst v1  }
0x70: {  	s19 =	simm.s32 $0x0;
	s20 =	simm.s32 $0x0;
	[bflag:$0x0] =	sbarrier.arrive $0xFFFF  }
.LBB2_4:
0x71: {  	s22 =	sshll.u32 s20, $0x8  }
0x72: {  	s22 =	sadd.s32 s21, s22  }
0x73: {  	s22 =	sshrl.u32 s22, $0x3  }
0x74: {  	s23 =	sadd.s32 s17, s22  }
0x75: {  	[tilespmem:s19], [sflag:$0x1] =	stream.linear.gather [hbm4b:s23+s19], $0x80, $0x38;
	[tilespmem:$0x1D530] =	vst v63  }
0x76: {  	s24 =	sadd.s32 s18, s22;
	s22 =	sadd.s32 $0x10, s22  }
0x77: {  	[tilespmem:s6], [sflag:$0x2] =	stream.linear.gather [hbm4b:s24+s19], $0x80, $0x38;
	[tilespmem:$0x1D530] =	vst v63  }
0x78: {  	s24 =	sadd.s32 s17, s22  }
0x79: {  	[tilespmem:s7], [sflag:$0x3] =	stream.linear.gather [hbm4b:s24+s19], $0x80, $0x38;
	[tilespmem:$0x1D530] =	vst v63  }
0x7a: {  	s22 =	sadd.s32 s18, s22  }
0x7b: {  	[tilespmem:s8], [sflag:$0x4] =	stream.linear.gather [hbm4b:s22+s19], $0x80, $0x38;
	[tilespmem:$0x1D530] =	vst v63  }
0x7c: {  	_ =	swait.ge [sflag:s9], $0x80  }
0x7d: {  	[sflag:s9] =	ssyncset.done $0x0  }
0x7e: {  	[sflag:s9] =	ssyncadd.s32 $0xFFFFFF80  }
0x7f: {  	_ =	swait.ge [sflag:s10], $0x80  }
0x80: {  	[sflag:s10] =	ssyncset.done $0x0  }
0x81: {  	[sflag:s10] =	ssyncadd.s32 $0xFFFFFF80  }
0x82: {  	[tilespmem:s3], [sflag:$0x1] =	stream.indirect.gather [hbm4b:s15+s6], $0x80, s19, s6, $0xb8;
	[tilespmem:$0x1D530] =	vst v63  }
0x83: {  	_ = 	snop  }
0x84: {  	[tilespmem:s13], [sflag:$0x2] =	stream.indirect.gather [hbm4b:s16+s6], $0x80, s6, s6, $0xb8;
	[tilespmem:$0x1D530] =	vst v63  }
0x85: {  	_ =	swait.ge [sflag:s9], $0x4000  }
0x86: {  	[sflag:s9] =	ssyncset.done $0x0  }
0x87: {  	[sflag:s9] =	ssyncadd.s32 $0xFFFFC000  }
0x88: {  	_ =	swait.ge [sflag:s10], $0x4000  }
0x89: {  	[sflag:s10] =	ssyncset.done $0x0  }
0x8a: {  	s22 =	simm.s32 $0x0;
	[sflag:s10] =	ssyncadd.s32 $0xFFFFC000  }
0x8b: {  	v8 =	vld [tilespmem:s22+$0x4220]  }
0x8c: {  	v13 =	vld [tilespmem:s22+$0x4230]  }
0x8d: {  	v7 =	vld [tilespmem:s22+$0x4240]  }
0x8e: {  	v6 =	vld [tilespmem:s22+$0x4250]  }
0x8f: {  	v5 =	vld [tilespmem:s22+$0x4260]  }
0x90: {  	v4 =	vld [tilespmem:s22+$0x4270]  }
0x91: {  	v3 =	vld [tilespmem:s22+$0x4280]  }
0x92: {  	v2 =	vld [tilespmem:s22+$0x4290]  }
0x93: {  	v14 =	vld [tilespmem:s22+$0x220]  }
0x94: {  	v15 =	vld [tilespmem:s22+$0x230]  }
0x95: {  	v12 =	vld [tilespmem:s22+$0x240]  }
0x96: {  	v11 =	vld [tilespmem:s22+$0x250]  }
0x97: {  	v10 =	vld [tilespmem:s22+$0x260]  }
0x98: {  	v9 =	vld [tilespmem:s22+$0x270];
	v14 =	vadd.f32 v8, v14  }
0x99: {  	s23 =	simm.s32 $0x200;
	v13 =	vadd.f32 v13, v15;
	v8 =	vld [tilespmem:s22+$0x280]  }
.LBB2_5:
0x9a: {  	s24 =	sshra.s32 s23, $0x2;
	p0 =	sne.s32 s23, $0xFE00;
	v14 =	vmax.f32 v14, $0.0e+00;
	v7 =	vadd.f32 v7, v12;
	v12 =	vld [tilespmem:s22+$0x290]  }
0x9b: {  	v15 =	vld [tilespmem:s24+$0x4220];
	[tilespmem:s22+$0x220] =	vst v14;
	v13 =	vmax.f32 v13, $0.0e+00;
	v6 =	vadd.f32 v6, v11  }
0x9c: {  	v16 =	vld [tilespmem:s24+$0x4230];
	[tilespmem:s22+$0x230] =	vst v13;
	v11 =	vmax.f32 v7, $0.0e+00;
	v5 =	vadd.f32 v5, v10  }
0x9d: {  	v7 =	vld [tilespmem:s24+$0x4240];
	[tilespmem:s22+$0x240] =	vst v11;
	v10 =	vmax.f32 v6, $0.0e+00;
	v4 =	vadd.f32 v4, v9  }
0x9e: {  	v6 =	vld [tilespmem:s24+$0x4250];
	[tilespmem:s22+$0x250] =	vst v10;
	v9 =	vmax.f32 v5, $0.0e+00;
	v3 =	vadd.f32 v3, v8  }
0x9f: {  	v5 =	vld [tilespmem:s24+$0x4260];
	[tilespmem:s22+$0x260] =	vst v9;
	v8 =	vmax.f32 v4, $0.0e+00;
	v2 =	vadd.f32 v2, v12  }
0xa0: {  	v4 =	vld [tilespmem:s24+$0x4270];
	[tilespmem:s22+$0x270] =	vst v8;
	v8 =	vmax.f32 v3, $0.0e+00  }
0xa1: {  	v3 =	vld [tilespmem:s24+$0x4280];
	[tilespmem:s22+$0x280] =	vst v8;
	v8 =	vmax.f32 v2, $0.0e+00  }
0xa2: {  	v2 =	vld [tilespmem:s24+$0x4290];
	[tilespmem:s22+$0x290] =	vst v8;
	s22 =	smov.u32 s24  }
0xa3: {  	v8 =	vld [tilespmem:s22+$0x220]  }
0xa4: {  	v13 =	vld [tilespmem:s22+$0x230]  }
.Ltmp1:
0xa5: {  	v12 =	vld [tilespmem:s22+$0x240];
	(pc) =	sbr.rel @p0 .LBB2_5-.Ltmp1, $4  }
0xa6: {  	v11 =	vld [tilespmem:s22+$0x250]  }
0xa7: {  	v10 =	vld [tilespmem:s22+$0x260]  }
0xa8: {  	v14 =	vadd.f32 v15, v8;
	v9 =	vld [tilespmem:s22+$0x270]  }
0xa9: {  	s23 =	sadd.s32 $0x200, s23;
	v13 =	vadd.f32 v16, v13;
	v8 =	vld [tilespmem:s22+$0x280]  }
0xaa: {  	v14 =	vmax.f32 v14, $0.0e+00;
	v7 =	vadd.f32 v7, v12;
	v12 =	vld [tilespmem:s22+$0x290]  }
0xab: {  	[tilespmem:s22+$0x220] =	vst v14;
	v13 =	vmax.f32 v13, $0.0e+00;
	v6 =	vadd.f32 v6, v11  }
0xac: {  	[tilespmem:s22+$0x230] =	vst v13;
	v7 =	vmax.f32 v7, $0.0e+00;
	v5 =	vadd.f32 v5, v10  }
0xad: {  	[tilespmem:s22+$0x240] =	vst v7;
	v6 =	vmax.f32 v6, $0.0e+00;
	v4 =	vadd.f32 v4, v9  }
0xae: {  	[tilespmem:s22+$0x250] =	vst v6;
	v5 =	vmax.f32 v5, $0.0e+00;
	v3 =	vadd.f32 v3, v8  }
0xaf: {  	[tilespmem:s22+$0x260] =	vst v5;
	v4 =	vmax.f32 v4, $0.0e+00;
	v2 =	vadd.f32 v2, v12  }
0xb0: {  	[tilespmem:s22+$0x270] =	vst v4;
	v3 =	vmax.f32 v3, $0.0e+00  }
0xb1: {  	[tilespmem:s22+$0x280] =	vst v3;
	v2 =	vmax.f32 v2, $0.0e+00  }
0xb2: {  	s24 =	simm.s32 $0x0;
	[tilespmem:s22+$0x290] =	vst v2  }
0xb3: {  	[spmem:s0] =	stream.indirect.scatter.add.f32 [tilespmem:s3], [sflag:$0x1], $0x80, s24, s6, $0xb8;
	[tilespmem:$0x1D530] =	vst v63  }
0xb4: {  	_ = 	snop  }
0xb5: {  	[spmem:s12] =	stream.indirect.scatter.add.f32 [tilespmem:s5], [sflag:$0x2], $0x1, s24, s6, $0xb8;
	[tilespmem:$0x1D530] =	vst v63  }
0xb6: {  	_ =	swait.ge [sflag:s9], $0x4000  }
0xb7: {  	[sflag:s9] =	ssyncset.done $0x0  }
0xb8: {  	[sflag:s9] =	ssyncadd.s32 $0xFFFFC000  }
0xb9: {  	_ =	swait.ge [sflag:s10], $0x80  }
0xba: {  	[sflag:s10] =	ssyncset.done $0x0  }
0xbb: {  	[sflag:s10] =	ssyncadd.s32 $0xFFFFFF80  }
0xbc: {  	_ =	swait.ge [sflag:s14], $0x80  }
0xbd: {  	[sflag:s14] =	ssyncset.done $0x0  }
0xbe: {  	[sflag:s14] =	ssyncadd.s32 $0xFFFFFF80  }
0xbf: {  	_ =	swait.ge [sflag:s31], $0x80  }
0xc0: {  	[sflag:s31] =	ssyncset.done $0x0  }
0xc1: {  	[sflag:s31] =	ssyncadd.s32 $0xFFFFFF80  }
0xc2: {  	[tilespmem:s3], [sflag:$0x1] =	stream.indirect.gather [hbm4b:s15+s6], $0x80, s7, s6, $0xb8;
	[tilespmem:$0x1D530] =	vst v63  }
0xc3: {  	_ = 	snop  }
0xc4: {  	[tilespmem:s13], [sflag:$0x2] =	stream.indirect.gather [hbm4b:s16+s6], $0x80, s8, s6, $0xb8;
	[tilespmem:$0x1D530] =	vst v63  }
0xc5: {  	_ =	swait.ge [sflag:s9], $0x4000  }
0xc6: {  	[sflag:s9] =	ssyncset.done $0x0  }
0xc7: {  	[sflag:s9] =	ssyncadd.s32 $0xFFFFC000  }
0xc8: {  	_ =	swait.ge [sflag:s10], $0x4000  }
0xc9: {  	[sflag:s10] =	ssyncset.done $0x0  }
0xca: {  	s22 =	simm.s32 $0x0;
	[sflag:s10] =	ssyncadd.s32 $0xFFFFC000  }
0xcb: {  	v8 =	vld [tilespmem:s22+$0x4220]  }
0xcc: {  	v13 =	vld [tilespmem:s22+$0x4230]  }
0xcd: {  	v7 =	vld [tilespmem:s22+$0x4240]  }
0xce: {  	v6 =	vld [tilespmem:s22+$0x4250]  }
0xcf: {  	v5 =	vld [tilespmem:s22+$0x4260]  }
0xd0: {  	v4 =	vld [tilespmem:s22+$0x4270]  }
0xd1: {  	v3 =	vld [tilespmem:s22+$0x4280]  }
0xd2: {  	v2 =	vld [tilespmem:s22+$0x4290]  }
0xd3: {  	v14 =	vld [tilespmem:s22+$0x220]  }
0xd4: {  	v15 =	vld [tilespmem:s22+$0x230]  }
0xd5: {  	v12 =	vld [tilespmem:s22+$0x240]  }
0xd6: {  	v11 =	vld [tilespmem:s22+$0x250]  }
0xd7: {  	v10 =	vld [tilespmem:s22+$0x260]  }
0xd8: {  	v9 =	vld [tilespmem:s22+$0x270];
	v14 =	vadd.f32 v8, v14  }
0xd9: {  	s23 =	simm.s32 $0x200;
	v13 =	vadd.f32 v13, v15;
	v8 =	vld [tilespmem:s22+$0x280]  }
.LBB2_7:
0xda: {  	s24 =	sshra.s32 s23, $0x2;
	p0 =	sne.s32 s23, $0xFE00;
	v14 =	vmax.f32 v14, $0.0e+00;
	v7 =	vadd.f32 v7, v12;
	v12 =	vld [tilespmem:s22+$0x290]  }
0xdb: {  	v15 =	vld [tilespmem:s24+$0x4220];
	[tilespmem:s22+$0x220] =	vst v14;
	v13 =	vmax.f32 v13, $0.0e+00;
	v6 =	vadd.f32 v6, v11  }
0xdc: {  	v16 =	vld [tilespmem:s24+$0x4230];
	[tilespmem:s22+$0x230] =	vst v13;
	v11 =	vmax.f32 v7, $0.0e+00;
	v5 =	vadd.f32 v5, v10  }
0xdd: {  	v7 =	vld [tilespmem:s24+$0x4240];
	[tilespmem:s22+$0x240] =	vst v11;
	v10 =	vmax.f32 v6, $0.0e+00;
	v4 =	vadd.f32 v4, v9  }
0xde: {  	v6 =	vld [tilespmem:s24+$0x4250];
	[tilespmem:s22+$0x250] =	vst v10;
	v9 =	vmax.f32 v5, $0.0e+00;
	v3 =	vadd.f32 v3, v8  }
0xdf: {  	v5 =	vld [tilespmem:s24+$0x4260];
	[tilespmem:s22+$0x260] =	vst v9;
	v8 =	vmax.f32 v4, $0.0e+00;
	v2 =	vadd.f32 v2, v12  }
0xe0: {  	v4 =	vld [tilespmem:s24+$0x4270];
	[tilespmem:s22+$0x270] =	vst v8;
	v8 =	vmax.f32 v3, $0.0e+00  }
0xe1: {  	v3 =	vld [tilespmem:s24+$0x4280];
	[tilespmem:s22+$0x280] =	vst v8;
	v8 =	vmax.f32 v2, $0.0e+00  }
0xe2: {  	v2 =	vld [tilespmem:s24+$0x4290];
	[tilespmem:s22+$0x290] =	vst v8;
	s22 =	smov.u32 s24  }
0xe3: {  	v8 =	vld [tilespmem:s22+$0x220]  }
0xe4: {  	v13 =	vld [tilespmem:s22+$0x230]  }
.Ltmp2:
0xe5: {  	v12 =	vld [tilespmem:s22+$0x240];
	(pc) =	sbr.rel @p0 .LBB2_7-.Ltmp2, $4  }
0xe6: {  	v11 =	vld [tilespmem:s22+$0x250]  }
0xe7: {  	v10 =	vld [tilespmem:s22+$0x260]  }
0xe8: {  	v14 =	vadd.f32 v15, v8;
	v9 =	vld [tilespmem:s22+$0x270]  }
0xe9: {  	s23 =	sadd.s32 $0x200, s23;
	v13 =	vadd.f32 v16, v13;
	v8 =	vld [tilespmem:s22+$0x280]  }
0xea: {  	v14 =	vmax.f32 v14, $0.0e+00;
	v7 =	vadd.f32 v7, v12;
	v63 =	vld [tilespmem:s22+$0x290]  }
0xeb: {  	[tilespmem:s22+$0x220] =	vst v14;
	v13 =	vmax.f32 v13, $0.0e+00;
	v6 =	vadd.f32 v6, v11  }
0xec: {  	[tilespmem:s22+$0x230] =	vst v13;
	v7 =	vmax.f32 v7, $0.0e+00;
	v5 =	vadd.f32 v5, v10  }
0xed: {  	[tilespmem:s22+$0x240] =	vst v7;
	v6 =	vmax.f32 v6, $0.0e+00;
	v4 =	vadd.f32 v4, v9  }
0xee: {  	[tilespmem:s22+$0x250] =	vst v6;
	v5 =	vmax.f32 v5, $0.0e+00;
	v3 =	vadd.f32 v3, v8  }
0xef: {  	[tilespmem:s22+$0x260] =	vst v5;
	v4 =	vmax.f32 v4, $0.0e+00;
	v2 =	vadd.f32 v2, v63  }
0xf0: {  	[tilespmem:s22+$0x270] =	vst v4;
	v3 =	vmax.f32 v3, $0.0e+00  }
0xf1: {  	[tilespmem:s22+$0x280] =	vst v3;
	v2 =	vmax.f32 v2, $0.0e+00  }
0xf2: {  	[tilespmem:s22+$0x290] =	vst v2  }
0xf3: {  	[spmem:s0] =	stream.indirect.scatter.add.f32 [tilespmem:s3], [sflag:$0x1], $0x80, s7, s6, $0xb8;
	[tilespmem:$0x1D530] =	vst v63  }
0xf4: {  	s20 =	sadd.s32 $0x1, s20  }
0xf5: {  	[spmem:s12] =	stream.indirect.scatter.add.f32 [tilespmem:s5], [sflag:$0x2], $0x1, s7, s6, $0xb8;
	[tilespmem:$0x1D530] =	vst v63  }
0xf6: {  	p0 =	sne.s32 s20, $0x27;
	_ =	swait.ge [sflag:s9], $0x4000  }
.Ltmp3:
0xf7: {  	[sflag:s9] =	ssyncset.done $0x0;
	(pc) =	sbr.rel @p0 .LBB2_4-.Ltmp3, $4  }
0xf8: {  	[sflag:s9] =	ssyncadd.s32 $0xFFFFC000  }
0xf9: {  	_ =	swait.ge [sflag:s10], $0x80  }
0xfa: {  	[sflag:s10] =	ssyncset.done $0x0  }
0xfb: {  	[sflag:s10] =	ssyncadd.s32 $0xFFFFFF80  }
0xfc: {  	s19 =	simm.s32 $0x0;
	s20 =	rddreg [dreg:$0x13]  }
0xfd: {  	[tilespmem:s11], [sflag:$0x5] =	stream.linear.gather [hbm4b:s20+s19], $0x10, $0x38;
	[tilespmem:$0x1D530] =	vst v63  }
0xfe: {  	_ =	swait.ge [sflag:s4], $0x10  }
0xff: {  	[sflag:s4] =	ssyncset.done $0x0  }
0x100: {  	s22 =	simm.s32 $0x210;
	s23 =	rddreg [dreg:$0x14];
	[sflag:s4] =	ssyncadd.s32 $0xFFFFFFF0  }
0x101: {  	[tilespmem:s22], [sflag:$0x5] =	stream.linear.gather [hbm4b:s23+s19], $0x10, $0x38;
	[tilespmem:$0x1D530] =	vst v63  }
0x102: {  	_ =	swait.ge [sflag:s4], $0x10  }
0x103: {  	[sflag:s4] =	ssyncset.done $0x0  }
0x104: {  	s23 =	simm.s32 $0x8220;
	[sflag:s4] =	ssyncadd.s32 $0xFFFFFFF0  }
0x105: {  	[tilespmem:s23], [sflag:$0x1] =	stream.indirect.gather [hbm4b:s15+s2], $0x80, s11, s2, $0xb8;
	[tilespmem:$0x1D530] =	vst v63  }
0x106: {  	s24 =	simm.s32 $0x8A20  }
0x107: {  	[tilespmem:s24], [sflag:$0x2] =	stream.indirect.gather [hbm4b:s16+s2], $0x80, s22, s2, $0xb8;
	[tilespmem:$0x1D530] =	vst v63  }
0x108: {  	_ =	swait.ge [sflag:s9], $0x800  }
0x109: {  	[sflag:s9] =	ssyncset.done $0x0  }
0x10a: {  	[sflag:s9] =	ssyncadd.s32 $0xFFFFF800  }
0x10b: {  	_ =	swait.ge [sflag:s10], $0x800  }
0x10c: {  	[sflag:s10] =	ssyncset.done $0x0  }
0x10d: {  	s19 =	simm.s32 $0x0;
	[sflag:s10] =	ssyncadd.s32 $0xFFFFF800  }
0x10e: {  	v8 =	vld [tilespmem:s19+$0x8A20]  }
0x10f: {  	v13 =	vld [tilespmem:s19+$0x8A30]  }
0x110: {  	v7 =	vld [tilespmem:s19+$0x8A40]  }
0x111: {  	v6 =	vld [tilespmem:s19+$0x8A50]  }
0x112: {  	v5 =	vld [tilespmem:s19+$0x8A60]  }
0x113: {  	v4 =	vld [tilespmem:s19+$0x8A70]  }
0x114: {  	v3 =	vld [tilespmem:s19+$0x8A80]  }
0x115: {  	v2 =	vld [tilespmem:s19+$0x8A90]  }
0x116: {  	v14 =	vld [tilespmem:s19+$0x8220]  }
0x117: {  	v15 =	vld [tilespmem:s19+$0x8230]  }
0x118: {  	v12 =	vld [tilespmem:s19+$0x8240]  }
0x119: {  	v11 =	vld [tilespmem:s19+$0x8250]  }
0x11a: {  	v10 =	vld [tilespmem:s19+$0x8260]  }
0x11b: {  	v9 =	vld [tilespmem:s19+$0x8270];
	v14 =	vadd.f32 v8, v14  }
0x11c: {  	s20 =	simm.s32 $0x200;
	v13 =	vadd.f32 v13, v15;
	v8 =	vld [tilespmem:s19+$0x8280]  }
.LBB2_10:
0x11d: {  	s22 =	sshra.s32 s20, $0x2;
	p0 =	sne.s32 s20, $0x1E00;
	v14 =	vmax.f32 v14, $0.0e+00;
	v7 =	vadd.f32 v7, v12;
	v12 =	vld [tilespmem:s19+$0x8290]  }
0x11e: {  	v15 =	vld [tilespmem:s22+$0x8A20];
	[tilespmem:s19+$0x8220] =	vst v14;
	v13 =	vmax.f32 v13, $0.0e+00;
	v6 =	vadd.f32 v6, v11  }
0x11f: {  	v16 =	vld [tilespmem:s22+$0x8A30];
	[tilespmem:s19+$0x8230] =	vst v13;
	v11 =	vmax.f32 v7, $0.0e+00;
	v5 =	vadd.f32 v5, v10  }
0x120: {  	v7 =	vld [tilespmem:s22+$0x8A40];
	[tilespmem:s19+$0x8240] =	vst v11;
	v10 =	vmax.f32 v6, $0.0e+00;
	v4 =	vadd.f32 v4, v9  }
0x121: {  	v6 =	vld [tilespmem:s22+$0x8A50];
	[tilespmem:s19+$0x8250] =	vst v10;
	v9 =	vmax.f32 v5, $0.0e+00;
	v3 =	vadd.f32 v3, v8  }
0x122: {  	v5 =	vld [tilespmem:s22+$0x8A60];
	[tilespmem:s19+$0x8260] =	vst v9;
	v8 =	vmax.f32 v4, $0.0e+00;
	v2 =	vadd.f32 v2, v12  }
0x123: {  	v4 =	vld [tilespmem:s22+$0x8A70];
	[tilespmem:s19+$0x8270] =	vst v8;
	v8 =	vmax.f32 v3, $0.0e+00  }
0x124: {  	v3 =	vld [tilespmem:s22+$0x8A80];
	[tilespmem:s19+$0x8280] =	vst v8;
	v8 =	vmax.f32 v2, $0.0e+00  }
0x125: {  	v2 =	vld [tilespmem:s22+$0x8A90];
	[tilespmem:s19+$0x8290] =	vst v8;
	s19 =	smov.u32 s22  }
0x126: {  	v8 =	vld [tilespmem:s19+$0x8220]  }
0x127: {  	v13 =	vld [tilespmem:s19+$0x8230]  }
.Ltmp4:
0x128: {  	v12 =	vld [tilespmem:s19+$0x8240];
	(pc) =	sbr.rel @p0 .LBB2_10-.Ltmp4, $4  }
0x129: {  	v11 =	vld [tilespmem:s19+$0x8250]  }
0x12a: {  	v10 =	vld [tilespmem:s19+$0x8260]  }
0x12b: {  	v14 =	vadd.f32 v15, v8;
	v9 =	vld [tilespmem:s19+$0x8270]  }
0x12c: {  	s20 =	sadd.s32 $0x200, s20;
	v13 =	vadd.f32 v16, v13;
	v8 =	vld [tilespmem:s19+$0x8280]  }
0x12d: {  	v14 =	vmax.f32 v14, $0.0e+00;
	v7 =	vadd.f32 v7, v12;
	v63 =	vld [tilespmem:s19+$0x8290]  }
0x12e: {  	[tilespmem:s19+$0x8220] =	vst v14;
	v13 =	vmax.f32 v13, $0.0e+00;
	v6 =	vadd.f32 v6, v11  }
0x12f: {  	[tilespmem:s19+$0x8230] =	vst v13;
	v7 =	vmax.f32 v7, $0.0e+00;
	v5 =	vadd.f32 v5, v10  }
0x130: {  	[tilespmem:s19+$0x8240] =	vst v7;
	v6 =	vmax.f32 v6, $0.0e+00;
	v4 =	vadd.f32 v4, v9  }
0x131: {  	[tilespmem:s19+$0x8250] =	vst v6;
	v5 =	vmax.f32 v5, $0.0e+00;
	v3 =	vadd.f32 v3, v8  }
0x132: {  	[tilespmem:s19+$0x8260] =	vst v5;
	v4 =	vmax.f32 v4, $0.0e+00;
	v2 =	vadd.f32 v2, v63  }
0x133: {  	[tilespmem:s19+$0x8270] =	vst v4;
	v3 =	vmax.f32 v3, $0.0e+00  }
0x134: {  	[tilespmem:s19+$0x8280] =	vst v3;
	v2 =	vmax.f32 v2, $0.0e+00  }
0x135: {  	[tilespmem:s19+$0x8290] =	vst v2  }
0x136: {  	[spmem:s0] =	stream.indirect.scatter.add.f32 [tilespmem:s23], [sflag:$0x5], $0x80, s11, s2, $0xb8;
	[tilespmem:$0x1D530] =	vst v63  }
0x137: {  	_ =	swait.ge [sflag:s4], $0x800  }
0x138: {  	[sflag:s4] =	ssyncset.done $0x0  }
0x139: {  	s20 =	simm.s32 $0x92A0;
	[sflag:s4] =	ssyncadd.s32 $0xFFFFF800  }
0x13a: {  	[spmem:s12] =	stream.indirect.scatter.add.f32 [tilespmem:s20], [sflag:$0x5], $0x1, s11, s2, $0xb8;
	[tilespmem:$0x1D530] =	vst v63  }
0x13b: {  	_ =	swait.ge [sflag:s4], $0x10  }
0x13c: {  	[sflag:s4] =	ssyncset.done $0x0  }
0x13d: {  	s22 =	stileid.u32;
	[sflag:s4] =	ssyncadd.s32 $0xFFFFFFF0  }
0x13e: {  	s19 =	sshll.u32 s22, $0x6;
	[bflag:$0x0] =	sbarrier.arrive $0xFFFF  }
0x13f: {  	s19 =	sor.u32 $0x1C05, s19;
	s20 =	sshrl.u32 s25, $0x3;
	s22 =	rddreg [dreg:$0x4]  }
0x140: {  	[hbm:s22], [sflag:s19] =	dma.local [spmem:s20], $0x800  }
0x141: {  	_ =	swait.ge [sflag:s4], $0x800  }
0x142: {  	s24 =	smov.u32 s25;
	[sflag:s4] =	ssyncset.done $0x0;
	s23 =	rddreg [dreg:$0xe]  }
0x143: {  	s25 =	rddreg [dreg:$0x9];
	[sflag:s4] =	ssyncadd.s32 $0xFFFFF800;
	s20 =	sshrl.u32 s23, $0x3  }
0x144: {  	[hbm:s25], [sflag:s19] =	dma.local [spmem:s20], $0x10  }
0x145: {  	_ =	swait.ge [sflag:s4], $0x10  }
0x146: {  	[sflag:s4] =	ssyncset.done $0x0;
	s23 =	rddreg [dreg:$0xf]  }
0x147: {  	s25 =	rddreg [dreg:$0x5];
	[sflag:s4] =	ssyncadd.s32 $0xFFFFFFF0;
	s20 =	sshrl.u32 s23, $0x3  }
0x148: {  	[hbm:s25], [sflag:s19] =	dma.local [spmem:s20], $0x800  }
0x149: {  	_ =	swait.ge [sflag:s4], $0x800  }
0x14a: {  	[sflag:s4] =	ssyncset.done $0x0;
	s23 =	rddreg [dreg:$0x10]  }
0x14b: {  	s25 =	rddreg [dreg:$0xa];
	[sflag:s4] =	ssyncadd.s32 $0xFFFFF800;
	s20 =	sshrl.u32 s23, $0x3  }
0x14c: {  	[hbm:s25], [sflag:s19] =	dma.local [spmem:s20], $0x10  }
0x14d: {  	_ =	swait.ge [sflag:s4], $0x10  }
0x14e: {  	[sflag:s4] =	ssyncset.done $0x0;
	s23 =	rddreg [dreg:$0x11]  }
0x14f: {  	s25 =	rddreg [dreg:$0x6];
	[sflag:s4] =	ssyncadd.s32 $0xFFFFFFF0;
	s20 =	sshrl.u32 s23, $0x3  }
0x150: {  	[hbm:s25], [sflag:s19] =	dma.local [spmem:s20], $0x800  }
0x151: {  	_ =	swait.ge [sflag:s4], $0x800  }
0x152: {  	[sflag:s4] =	ssyncset.done $0x0;
	s23 =	rddreg [dreg:$0x12]  }
0x153: {  	s25 =	rddreg [dreg:$0xb];
	[sflag:s4] =	ssyncadd.s32 $0xFFFFF800;
	s20 =	sshrl.u32 s23, $0x3  }
0x154: {  	[hbm:s25], [sflag:s19] =	dma.local [spmem:s20], $0x10  }
0x155: {  	_ =	swait.ge [sflag:s4], $0x10  }
0x156: {  	[sflag:s4] =	ssyncset.done $0x0  }
0x157: {  	s23 =	sshrl.u32 s26, $0x3;
	s25 =	rddreg [dreg:$0x7];
	[sflag:s4] =	ssyncadd.s32 $0xFFFFFFF0  }
0x158: {  	[hbm:s25], [sflag:s19] =	dma.local [spmem:s23], $0x800  }
0x159: {  	_ =	swait.ge [sflag:s4], $0x800  }
0x15a: {  	[sflag:s4] =	ssyncset.done $0x0  }
0x15b: {  	s23 =	sshrl.u32 s28, $0x3;
	s25 =	rddreg [dreg:$0xc];
	[sflag:s4] =	ssyncadd.s32 $0xFFFFF800  }
0x15c: {  	[hbm:s25], [sflag:s19] =	dma.local [spmem:s23], $0x10  }
0x15d: {  	_ =	swait.ge [sflag:s4], $0x10  }
0x15e: {  	[sflag:s4] =	ssyncset.done $0x0  }
0x15f: {  	s23 =	sshrl.u32 s29, $0x3;
	s25 =	rddreg [dreg:$0x8];
	[sflag:s4] =	ssyncadd.s32 $0xFFFFFFF0  }
0x160: {  	[hbm:s25], [sflag:s19] =	dma.local [spmem:s23], $0x800  }
0x161: {  	_ =	swait.ge [sflag:s4], $0x800  }
0x162: {  	[sflag:s4] =	ssyncset.done $0x0  }
0x163: {  	s22 =	sshrl.u32 s30, $0x3;
	s23 =	rddreg [dreg:$0xd];
	[sflag:s4] =	ssyncadd.s32 $0xFFFFF800  }
0x164: {  	[hbm:s23], [sflag:s19] =	dma.local [spmem:s22], $0x10  }
0x165: {  	_ =	swait.ge [sflag:s4], $0x10  }
0x166: {  	s1 =	sadd.s32 $0x1, s1;
	s25 =	rddreg [dreg:$0x15]  }
0x167: {  	p0 =	sne.s32 s1, s25  }
.Ltmp5:
0x168: {  	_ = 	snop;
	(pc) =	sbr.rel @p0 .LBB2_1-.Ltmp5, $3  }
0x169: {  	_ =	sdelay $0x1  }
0x16a: {  	[sflag:s4] =	ssyncset.done $0x0  }
0x16b: {  	[sflag:s4] =	ssyncadd.s32 $0xFFFFFFF0  }
0x16c: {  	_ =	sfence.sel $0x180000  }
0x16d: {  	[bflag:$0x0] =	sbarrier.arrive $0xFFFF  }
0x16e: {  	_ =	strace $0x90000047  }
0x16f: {  	s0 =	stileid.u32;
	[bflag:$0x2] =	sbarrier.arrive $0xFFFF  }
0x170: {  	p0 =	sne.s32 s0, $0x0;
	s0 =	rddreg [dreg:$0x3]  }
0x171: {  	s0 =	sadd.s32 @!p0 $0x100000, s0  }
0x172: {  	[sflag:s0] =	ssyncadd.tile.s32 @!p0 $0x1;
	_ =	shalt  }
.Lfunc_end2:
_tile_overlayer_lowered:
.L_overlay_start_2:
0x173: {  	(tag) =	ssettag $0x2  }
0x174: {  	s0 =	rddreg [dreg:$0x0];
	s2 =	stileid.u32  }
0x175: {  	s1 =	rddreg [dreg:$0x1];
	p0 =	sne.s32 s2, $0x0  }
0x176: {  	s3 =	rddreg [dreg:$0x2];
	[bflag:$0x3] =	sbarrier.arrive $0xFFFF;
	s2 =	simm.s32 @!p0 $0x1C05  }
0x177: {  	[timem:s3], [sflag:s2] =	dma.local @!p0 [hbm:s0], s1  }
0x178: {  	s0 =	simm.s32 @!p0 $0x5  }
0x179: {  	_ =	swait.ge @!p0 [sflag:s0], s1  }
0x17a: {  	s1 =	ssub.s32 @!p0 $0x0, s1;
	[sflag:s0] =	ssyncset.done @!p0 $0x0  }
0x17b: {  	[sflag:s0] =	ssyncadd.s32 @!p0 s1  }
0x17c: {  	[bflag:$0x3] =	sbarrier.arrive $0xFFFF  }
0x17d: {  	_ =	shalt  }

// kernel: sc_edge_d64.3.cloned.1.call-start
scs
__scs_entry_jumppad:
0x0: {  	(pc) =	sbr.rel $0x88, $3  }
0x1: {  	(tag) =	ssettag $0x0;
	lr =	simm.s32 $0x1  }
0x2: {  	[smem:$0x3F8E] =	sst lr;
	_ =	strace $0xD0000000  }
0x3: {  	_ = 	snop  }
0x4: {  	_ = 	snop  }
0x5: {  	_ = 	snop  }
0x6: {  	_ = 	snop  }
0x7: {  	_ = 	snop  }
__scs_overlays_trampoline_lowered:
0x8: {  	[smem:$0x3F9D] =	sst s0  }
0x9: {  	[smem:$0x3F9E] =	sst s1  }
0xa: {  	[smem:$0x3F9F] =	sst s2  }
0xb: {  	[smem:$0x3FA0] =	sst s3  }
0xc: {  	[smem:$0x3FA1] =	sst s4  }
0xd: {  	[smem:$0x3FA2] =	sst s5  }
0xe: {  	[smem:$0x3FA3] =	sst s6  }
0xf: {  	[smem:$0x3FA4] =	sst s7  }
0x10: {  	[smem:$0x3FA5] =	sst s8  }
0x11: {  	[smem:$0x3FA6] =	sst s9;
	s0 =	simm.s32 @!p0 $0x0  }
0x12: {  	s1 =	sld [smem:$0x3F8C];
	s0 =	simm.s32 @p0 $0x1  }
0x13: {  	[smem:$0x3FA7] =	sst s0;
	s0 =	simm.s32 @!p1 $0x0  }
0x14: {  	s2 =	sld [smem:$0x3F8B];
	s0 =	simm.s32 @p1 $0x1  }
0x15: {  	[smem:$0x3FA8] =	sst s0;
	s0 =	simm.s32 @!p2 $0x0  }
0x16: {  	s3 =	sld [smem:$0x3FDB];
	s0 =	simm.s32 @p2 $0x1  }
0x17: {  	s4 =	simm.s32 $0x1BF5;
	[smem:$0x3FAA] =	sst s0  }
0x18: {  	s0 =	sld [smem:$0x3F8D];
	_ =	swait.ge [sflag:s4], $0x0  }
0x19: {  	s7 =	sld [smem:$0x3F8E]  }
0x1a: {  	s8 =	sadd.s32 $0xFFFFE003, lr  }
0x1b: {  	s9 =	sadd.s32 $0xFFFFFEF7, lr;
	s5 =	simm.s32 $0xFFFFFFFF;
	p2 =	slt.u32 s8, $0xFFFFF086  }
0x1c: {  	p1 =	slt.u32 s9, $0xF7A;
	s5 =	simm.s32 @!p2 $0x0  }
0x1d: {  	s5 =	simm.s32 @p1 $0x1;
	p0 =	seq.s32 s7, s2  }
0x1e: {  	s7 =	smul.u32 @!p0 $0xF7A, s2;
	p2 =	seq.s32 @!p0 s5, $0x0  }
0x1f: {  	s9 =	smul.u32 $0xF7A, s1;
	s8 =	simm.s32 @!p0 $0x1BF5;
	p2 =	por !p2, p0  }
0x20: {  	[sflag:s8] =	ssyncset.s32 @!p0 $0xFFFFF086;
	s6 =	sadd.s32 @!p0 s3, s7;
	s7 =	simm.s32 @!p0 $0x108  }
0x21: {  	s3 =	sadd.s32 s3, s9;
	s6 =	sadd.s32 @!p0 $0x88, s6;
	s7 =	simm.s32 @p2 $0x1082  }
0x22: {  	[simem:s7], [sflag:s8] =	dma.local @!p0 [hbm:s6], $0xF7A  }
0x23: {  	s9 =	sor.u32 $0xD0000000, s2;
	s6 =	simm.s32 $0x108;
	_ =	swait.ge @!p0 [sflag:s8], $0x0  }
0x24: {  	s3 =	sadd.s32 $0x88, s3;
	s6 =	simm.s32 @!p1 $0x1082;
	[sflag:s4] =	ssyncset.s32 $0xFFFFF086  }
0x25: {  	[simem:s6], [sflag:s4] =	dma.local [hbm:s3], $0xF7A  }
0x26: {  	[smem:$0x3F8E] =	sst s1;
	(tag) =	ssettag s2;
	_ =	strace s9  }
0x27: {  	s1 =	sld [smem:$0x3F9E]  }
0x28: {  	s2 =	sld [smem:$0x3F9F]  }
0x29: {  	s4 =	sld [smem:$0x3FA1]  }
0x2a: {  	p0 =	seq.s32 s5, $0x0;
	s5 =	sld [smem:$0x3FA2]  }
0x2b: {  	s6 =	sld [smem:$0x3FA3]  }
0x2c: {  	s7 =	sld [smem:$0x3FA4]  }
0x2d: {  	s3 =	simm.s32 $0x108;
	s8 =	sld [smem:$0x3FA5]  }
0x2e: {  	s3 =	simm.s32 @!p0 $0x1082;
	s9 =	sld [smem:$0x3FA6]  }
0x2f: {  	lr =	sadd.s32 s0, s3;
	s0 =	sld [smem:$0x3F9D]  }
0x30: {  	s3 =	sld [smem:$0x3FA0]  }
0x31: {  	[smem:$0x3FA9] =	sst s10  }
0x32: {  	s10 =	sld [smem:$0x3FA7];
	_ =	sdelay $0x3  }
0x33: {  	p0 =	seq.s32 s10, $0x1;
	s10 =	sld [smem:$0x3FA9];
	_ =	sdelay $0x3  }
0x34: {  	[smem:$0x3FA9] =	sst s10  }
0x35: {  	s10 =	sld [smem:$0x3FA8];
	_ =	sdelay $0x3  }
0x36: {  	p1 =	seq.s32 s10, $0x1;
	s10 =	sld [smem:$0x3FA9];
	_ =	sdelay $0x3  }
0x37: {  	[smem:$0x3FA9] =	sst s10  }
0x38: {  	s10 =	sld [smem:$0x3FAA]  }
0x39: {  	_ = 	snop;
	(pc) =	sbr.ind lr, $3  }
0x3a: {  	_ = 	snop  }
0x3b: {  	_ = 	snop  }
0x3c: {  	p2 =	seq.s32 s10, $0x1;
	s10 =	sld [smem:$0x3FA9]  }
0x3d: {  	_ =	shalt  }
0x3e: {  	_ =	shalt  }
0x3f: {  	_ =	shalt  }
0x40: {  	_ =	shalt  }
0x41: {  	_ =	shalt  }
0x42: {  	_ =	shalt  }
0x43: {  	_ =	shalt  }
0x44: {  	_ =	shalt  }
0x45: {  	_ =	shalt  }
0x46: {  	_ =	shalt  }
0x47: {  	_ =	shalt  }
0x48: {  	_ =	shalt  }
0x49: {  	_ =	shalt  }
0x4a: {  	_ =	shalt  }
0x4b: {  	_ =	shalt  }
0x4c: {  	_ =	shalt  }
0x4d: {  	_ =	shalt  }
0x4e: {  	_ =	shalt  }
0x4f: {  	_ =	shalt  }
0x50: {  	_ =	shalt  }
0x51: {  	_ =	shalt  }
0x52: {  	_ =	shalt  }
0x53: {  	_ =	shalt  }
0x54: {  	_ =	shalt  }
0x55: {  	_ =	shalt  }
0x56: {  	_ =	shalt  }
0x57: {  	_ =	shalt  }
0x58: {  	_ =	shalt  }
0x59: {  	_ =	shalt  }
0x5a: {  	_ =	shalt  }
0x5b: {  	_ =	shalt  }
0x5c: {  	_ =	shalt  }
0x5d: {  	_ =	shalt  }
0x5e: {  	_ =	shalt  }
0x5f: {  	_ =	shalt  }
0x60: {  	_ =	shalt  }
0x61: {  	_ =	shalt  }
0x62: {  	_ =	shalt  }
0x63: {  	_ =	shalt  }
0x64: {  	_ =	shalt  }
0x65: {  	_ =	shalt  }
0x66: {  	_ =	shalt  }
0x67: {  	_ =	shalt  }
0x68: {  	_ =	shalt  }
0x69: {  	_ =	shalt  }
0x6a: {  	_ =	shalt  }
0x6b: {  	_ =	shalt  }
0x6c: {  	_ =	shalt  }
0x6d: {  	_ =	shalt  }
0x6e: {  	_ =	shalt  }
0x6f: {  	_ =	shalt  }
0x70: {  	_ =	shalt  }
0x71: {  	_ =	shalt  }
0x72: {  	_ =	shalt  }
0x73: {  	_ =	shalt  }
0x74: {  	_ =	shalt  }
0x75: {  	_ =	shalt  }
0x76: {  	_ =	shalt  }
0x77: {  	_ =	shalt  }
0x78: {  	_ =	shalt  }
0x79: {  	_ =	shalt  }
0x7a: {  	_ =	shalt  }
0x7b: {  	_ =	shalt  }
0x7c: {  	_ =	shalt  }
0x7d: {  	_ =	shalt  }
0x7e: {  	_ =	shalt  }
0x7f: {  	_ =	shalt  }
0x80: {  	_ =	shalt  }
0x81: {  	_ =	shalt  }
0x82: {  	_ =	shalt  }
0x83: {  	_ =	shalt  }
0x84: {  	_ =	shalt  }
0x85: {  	_ =	shalt  }
0x86: {  	_ =	shalt  }
0x87: {  	_ =	shalt  }
.Lfunc_end0:
.L_simem_size_0:
called_computation.1_lowered:
.L_overlay_start_0:
0x88: {  	s2 =	sld [smem:$0x3FD9]  }
0x89: {  	s3 =	sld [smem:$0x3FFE];
	_ =	sdelay $0x1  }
0x8a: {  	s1 =	srdreg.scid  }
0x8b: {  	s0 =	sand.u32 $0x1, s1  }
0x8c: {  	s16 =	sshll.u32 s0, $0xA;
	s2 =	sadd.s32 s3, s2  }
0x8d: {  	s2 =	sadd.s32 s2, s16  }
0x8e: {  	[smem:$0x3FB5] =	sst s2  }
0x8f: {  	_ = 	snop  }
0x90: {  	(tm) =	ssettm $0x1  }
0x91: {  	s17 =	sld [smem:$0x3FFB];
	_ =	sdelay $0x3  }
0x92: {  	_ =	strace s17  }
0x93: {  	s2 =	sld [smem:$0x3FFC];
	_ =	sdelay $0x3  }
0x94: {  	_ =	strace s2  }
0x95: {  	s2 =	sld [smem:$0x3FFD];
	_ =	sdelay $0x3  }
0x96: {  	_ =	strace s2  }
0x97: {  	_ =	strace $0x8FFFFFFF  }
0x98: {  	s18 =	sld [smem:$0x3FDB];
	_ =	sdelay $0x1  }
0x99: {  	s19 =	simm.s32 $_scs_section_size  }
0x9a: {  	s4 =	simm.s32 $_size__tile_overlayer_lowered;
	s5 =	simm.s32 $_tile_overlayer_lowered  }
0x9b: {  	s22 =	simm.s32 $0x1BFF;
	s21 =	sshll.u32 s5, $0x1;
	s2 =	sadd.s32 s19, s18  }
0x9c: {  	s6 =	simm.s32 $0x0;
	s20 =	sshll.u32 s4, $0x1;
	s4 =	sadd.s32 s21, s2  }
0x9d: {  	[timem:s6], [sflag:s22] =	dma.local [hbm:s4], s20  }
0x9e: {  	_ =	swait.ge [sflag:s22], s20  }
0x9f: {  	s3 =	ssub.s32 $0x0, s20;
	[sflag:s22] =	ssyncset.done $0x0  }
0xa0: {  	[sflag:s22] =	ssyncadd.s32 s3;
	_ =	sdelay $0x1  }
0xa1: {  	s23 =	simm.s32 $0x1B8B  }
0xa2: {  	_ =	swait.ge [sflag:s23], $0x1  }
0xa3: {  	[sflag:s23] =	ssyncset.done $0x0  }
0xa4: {  	s25 =	simm.s32 $0x1B8E;
	s24 =	sld [smem:$0x3FFE];
	[sflag:s23] =	ssyncadd.s32 $0xFFFFFFFF  }
0xa5: {  	s26 =	simm.s32 $execute0_lowered;
	[smem:$0x3FD2] =	sst s25  }
0xa6: {  	s4 =	sshll.u32 s26, $0x1;
	_ =	strace $0x80000049;
	[dreg:$0x1] =	wrdreg $0xFFFFFFFF  }
0xa7: {  	s28 =	simm.s32 $_size_execute0_lowered;
	s2 =	sadd.s32 s2, s4;
	[dreg:$0x0] =	wrdreg $0x0  }
0xa8: {  	s4 =	sshll.u32 s28, $0x1;
	[dreg:$0x2] =	wrdreg s2  }
0xa9: {  	[dreg:$0x3] =	wrdreg s4  }
0xaa: {  	[dreg:$0x4] =	wrdreg $0xC0  }
0xab: {  	_ =	task [dreg:s6], $0x5FFFF  }
0xac: {  	[dreg:$0x1] =	wrdreg $0xFFFFFFFF  }
0xad: {  	[dreg:$0x0] =	wrdreg $0x60  }
0xae: {  	[dreg:$0x2] =	wrdreg s24  }
0xaf: {  	[dreg:$0x3] =	wrdreg $0x4A200  }
0xb0: {  	[dreg:$0x4] =	wrdreg $0x9  }
0xb1: {  	_ =	task.clear_ibuf [dreg:s6], $0x5FFFF;
	_ =	strace $0x90000049  }
0xb2: {  	s29 =	simm.s32 $0x9;
	_ =	strace $0x8000004B  }
0xb3: {  	_ =	swait.ge [sflag:s29], $0x1  }
0xb4: {  	[sflag:s29] =	ssyncadd.s32 $0xFFFFFFFF  }
0xb5: {  	_ =	strace $0x9000004B  }
0xb6: {  	_ =	sfence  }
0xb7: {  	s30 =	sld [smem:$0x0];
	_ =	sdelay $0x2  }
0xb8: {  	s31 =	sshll.u32 s1, $0xD;
	s1 =	sshrl.u32 s1, $0x2  }
0xb9: {  	s3 =	sand.u32 $0x4000, s31;
	s1 =	sadd.s32 s1, s30  }
0xba: {  	s0 =	sor.u32 s3, s0;
	s1 =	sshll.u32 s1, $0x11  }
0xbb: {  	s0 =	sor.u32 s1, s0  }
0xbc: {  	s0 =	sadd.s32 $0x8F2B, s0  }
0xbd: {  	[sflag:s0] =	ssyncadd.remote.s32 $0x1  }
0xbe: {  	_ =	sfence.sel $0xFFFF  }
0xbf: {  	[dreg:$0x0] =	wrdreg $0xFFFFFFFF;
	(pc) =	sbr.abs _section_cstart, $3  }
0xc0: {  	[dreg:$0x1] =	wrdreg $0xFFFFFFFF  }
0xc1: {  	_ =	task.clear_ibuf [dreg:s6], $0x2FFFF;
	_ =	strace $0x9FFFFFFF  }
0xc2: {  	(tm) =	ssettm $0x7FFFFFFF  }
0xc3: {  	_ =	shalt  }
tec
execute0_lowered:
.L_overlay_start_1:
0x0: {  	(tag) =	ssettag $0x1  }
0x1: {  	s0 =	rddreg [dreg:$0x0]  }
0x2: {  	s1 =	rddreg [dreg:$0x1];
	s2 =	simm.s32 $0x0  }
0x3: {  	s3 =	srdreg.scid;
	s10 =	stileid.u32;
	s28 =	simm.s32 $0x1  }
0x4: {  	s29 =	simm.s32 $0x2;
	s30 =	simm.s32 $0x2220;
	s31 =	simm.s32 $0x3  }
0x5: {  	[smem:$0x7FF] =	sst s2;
	s4 =	sadd.s32 $0x2BC00, s0;
	s5 =	sadd.s32 $0x17C00, s0  }
0x6: {  	s6 =	sadd.s32 $0xDE00, s0;
	s3 =	sand.u32 $0x1, s3;
	s7 =	sadd.s32 $0x4000, s0  }
0x7: {  	s14 =	smul.u32 $0xA000, s10;
	s0 =	sadd.s32 $0x3FC00, s0;
	s10 =	sshll.u32 s10, $0x1  }
0x8: {  	_ =	strace $0x8000004A;
	s8 =	ssub.s32 $0x2, s3;
	s21 =	sor.u32 s3, s10  }
0x9: {  	s3 =	smul.u32 $0xA0000, s3;
	s9 =	sshrl.u32 s8, $0x1;
	s16 =	sadd.s32 $0x2000, s14  }
0xa: {  	s17 =	sadd.s32 $0x4000, s14;
	s18 =	sadd.s32 $0x6000, s14;
	s19 =	sadd.s32 $0x8000, s14  }
0xb: {  	s15 =	ssub.s32 s8, s9;
	s8 =	sadd.s32 s14, s1;
	s9 =	smul.u32 $0x2710, s21  }
0xc: {  	s10 =	sadd.s32 s16, s1;
	s11 =	sadd.s32 s17, s1;
	s12 =	sadd.s32 s18, s1  }
0xd: {  	s13 =	sadd.s32 s19, s1;
	s14 =	sadd.s32 s14, s3;
	s16 =	sadd.s32 s3, s16  }
0xe: {  	s23 =	sadd.s32 s3, s17;
	s24 =	sadd.s32 s3, s18;
	s3 =	sadd.s32 s3, s19  }
0xf: {  	s14 =	sshrl.u32 s14, $0x3;
	s16 =	sshrl.u32 s16, $0x3;
	s25 =	sshrl.u32 s24, $0x3  }
0x10: {  	s3 =	sshrl.u32 s3, $0x3;
	s26 =	smax.u32 s15, $0x1;
	s24 =	simm.s32 $0x80  }
0x11: {  	s15 =	simm.s32 $0x10;
	s20 =	sshrl.u32 s9, $0x3;
	s14 =	sadd.s32 s0, s14  }
0x12: {  	s22 =	sadd.s32 s0, s16;
	[dreg:$0xa] =	wrdreg s26;
	s26 =	simm.s32 $0x180  }
0x13: {  	s16 =	simm.s32 $0x4220;
	s20 =	sadd.s32 $0x4E0, s20;
	[dreg:$0x5] =	wrdreg s14  }
0x14: {  	[dreg:$0x6] =	wrdreg s22;
	s14 =	sshrl.u32 s23, $0x3;
	s21 =	sadd.s32 s6, s20  }
0x15: {  	s22 =	simm.s32 $0x220;
	s20 =	sadd.s32 s7, s20;
	[dreg:$0x3] =	wrdreg s21  }
0x16: {  	s23 =	simm.s32 $0x5;
	s14 =	sadd.s32 s0, s14;
	[dreg:$0x4] =	wrdreg s20  }
0x17: {  	[dreg:$0x7] =	wrdreg s14;
	s14 =	sadd.s32 s0, s25;
	s0 =	sadd.s32 s0, s3  }
0x18: {  	s25 =	simm.s32 $0x100;
	s3 =	simm.s32 $0x200;
	[dreg:$0x8] =	wrdreg s14  }
0x19: {  	v0 =	vimm.f32 $0.0e+00;
	[dreg:$0x9] =	wrdreg s0;
	s0 =	simm.s32 $0x4;
	s14 =	simm.s32 $0x210  }
.LBB2_1:
0x1a: {  	s18 =	simm.s32 $0x100;
	s17 =	simm.s32 $0x0  }
.LBB2_2:
0x1b: {  	p0 =	sne.s32 s18, $0x7F00;
	[tilespmem:s17+$0x250] =	vst v0;
	s19 =	smov.u32 s18;
	s18 =	sadd.s32 $0x100, s18  }
.Ltmp0:
0x1c: {  	[tilespmem:s17+$0x240] =	vst v0;
	(pc) =	sbr.rel @p0 .LBB2_2-.Ltmp0, $3  }
0x1d: {  	[tilespmem:s17+$0x220] =	vst v0  }
0x1e: {  	[tilespmem:s17+$0x230] =	vst v0;
	_ =	sdelay $0x1  }
0x1f: {  	s17 =	sshra.s32 s19, $0x2  }
0x20: {  	[tilespmem:s17+$0x250] =	vst v0  }
0x21: {  	[tilespmem:s17+$0x240] =	vst v0  }
0x22: {  	[tilespmem:s17+$0x220] =	vst v0  }
0x23: {  	[tilespmem:s17+$0x230] =	vst v0  }
0x24: {  	[spmem:s8] =	stream.linear.scatter [tilespmem:s22], [sflag:$0x5], $0x2000, $0x38;
	[tilespmem:$0xEA20] =	vst v63  }
0x25: {  	_ =	swait.ge [sflag:s23], $0x2000  }
0x26: {  	[sflag:s23] =	ssyncset.done $0x0  }
0x27: {  	[sflag:s23] =	ssyncadd.s32 $0xFFFFE000  }
0x28: {  	[spmem:s10] =	stream.linear.scatter [tilespmem:s22], [sflag:$0x5], $0x2000, $0x38;
	[tilespmem:$0xEA20] =	vst v63  }
0x29: {  	_ =	swait.ge [sflag:s23], $0x2000  }
0x2a: {  	[sflag:s23] =	ssyncset.done $0x0  }
0x2b: {  	[sflag:s23] =	ssyncadd.s32 $0xFFFFE000  }
0x2c: {  	[spmem:s11] =	stream.linear.scatter [tilespmem:s22], [sflag:$0x5], $0x2000, $0x38;
	[tilespmem:$0xEA20] =	vst v63  }
0x2d: {  	_ =	swait.ge [sflag:s23], $0x2000  }
0x2e: {  	[sflag:s23] =	ssyncset.done $0x0  }
0x2f: {  	[sflag:s23] =	ssyncadd.s32 $0xFFFFE000  }
0x30: {  	[spmem:s12] =	stream.linear.scatter [tilespmem:s22], [sflag:$0x5], $0x2000, $0x38;
	[tilespmem:$0xEA20] =	vst v63  }
0x31: {  	_ =	swait.ge [sflag:s23], $0x2000  }
0x32: {  	[sflag:s23] =	ssyncset.done $0x0  }
0x33: {  	[sflag:s23] =	ssyncadd.s32 $0xFFFFE000  }
0x34: {  	[spmem:s13] =	stream.linear.scatter [tilespmem:s22], [sflag:$0x5], $0x2000, $0x38;
	[tilespmem:$0xEA20] =	vst v63  }
0x35: {  	_ =	swait.ge [sflag:s23], $0x2000  }
0x36: {  	[sflag:s23] =	ssyncset.done $0x0  }
0x37: {  	[sflag:s23] =	ssyncadd.s32 $0xFFFFE000  }
0x38: {  	s17 =	simm.s32 $0x0;
	s18 =	simm.s32 $0x0;
	[bflag:$0x0] =	sbarrier.arrive $0xFFFF  }
.LBB2_4:
0x39: {  	s19 =	sshll.u32 s18, $0x8  }
0x3a: {  	s19 =	sadd.s32 s9, s19  }
0x3b: {  	s19 =	sshrl.u32 s19, $0x3  }
0x3c: {  	s20 =	sadd.s32 s6, s19  }
0x3d: {  	[tilespmem:s17], [sflag:$0x1] =	stream.linear.gather [hbm4b:s20+s17], $0x80, $0x38;
	[tilespmem:$0xEA20] =	vst v63  }
0x3e: {  	s21 =	sadd.s32 s7, s19;
	s19 =	sadd.s32 $0x10, s19  }
0x3f: {  	[tilespmem:s24], [sflag:$0x2] =	stream.linear.gather [hbm4b:s21+s17], $0x80, $0x38;
	[tilespmem:$0xEA20] =	vst v63  }
0x40: {  	s21 =	sadd.s32 s6, s19  }
0x41: {  	[tilespmem:s25], [sflag:$0x3] =	stream.linear.gather [hbm4b:s21+s17], $0x80, $0x38;
	[tilespmem:$0xEA20] =	vst v63  }
0x42: {  	s19 =	sadd.s32 s7, s19  }
0x43: {  	[tilespmem:s26], [sflag:$0x4] =	stream.linear.gather [hbm4b:s19+s17], $0x80, $0x38;
	[tilespmem:$0xEA20] =	vst v63  }
0x44: {  	_ =	swait.ge [sflag:s28], $0x80  }
0x45: {  	[sflag:s28] =	ssyncset.done $0x0  }
0x46: {  	[sflag:s28] =	ssyncadd.s32 $0xFFFFFF80  }
0x47: {  	_ =	swait.ge [sflag:s29], $0x80  }
0x48: {  	[sflag:s29] =	ssyncset.done $0x0  }
0x49: {  	[sflag:s29] =	ssyncadd.s32 $0xFFFFFF80  }
0x4a: {  	[tilespmem:s22], [sflag:$0x1] =	stream.indirect.gather [hbm4b:s4+s24], $0x40, s17, s24, $0xb8;
	[tilespmem:$0xEA20] =	vst v63  }
0x4b: {  	_ = 	snop  }
0x4c: {  	[tilespmem:s30], [sflag:$0x2] =	stream.indirect.gather [hbm4b:s5+s24], $0x40, s24, s24, $0xb8;
	[tilespmem:$0xEA20] =	vst v63  }
0x4d: {  	_ =	swait.ge [sflag:s28], $0x2000  }
0x4e: {  	[sflag:s28] =	ssyncset.done $0x0  }
0x4f: {  	[sflag:s28] =	ssyncadd.s32 $0xFFFFE000  }
0x50: {  	_ =	swait.ge [sflag:s29], $0x2000  }
0x51: {  	[sflag:s29] =	ssyncset.done $0x0  }
0x52: {  	s19 =	simm.s32 $0x0;
	[sflag:s29] =	ssyncadd.s32 $0xFFFFE000  }
0x53: {  	v3 =	vld [tilespmem:s19+$0x2220]  }
0x54: {  	v4 =	vld [tilespmem:s19+$0x2230]  }
0x55: {  	v2 =	vld [tilespmem:s19+$0x2240]  }
0x56: {  	v1 =	vld [tilespmem:s19+$0x2250]  }
0x57: {  	v5 =	vld [tilespmem:s19+$0x220]  }
0x58: {  	v7 =	vld [tilespmem:s19+$0x230]  }
0x59: {  	s20 =	simm.s32 $0x100;
	v6 =	vld [tilespmem:s19+$0x240]  }
.LBB2_5:
0x5a: {  	p0 =	sne.s32 s20, $0x7F00;
	v8 =	vld [tilespmem:s19+$0x250]  }
0x5b: {  	s21 =	sshra.s32 s20, $0x2  }
0x5c: {  	v5 =	vadd.f32 v3, v5;
	v3 =	vld [tilespmem:s21+$0x2220]  }
0x5d: {  	v7 =	vadd.f32 v4, v7;
	v4 =	vld [tilespmem:s21+$0x2230]  }
.Ltmp1:
0x5e: {  	v5 =	vmax.f32 v5, $0.0e+00;
	v6 =	vadd.f32 v2, v6;
	v2 =	vld [tilespmem:s21+$0x2240];
	(pc) =	sbr.rel @p0 .LBB2_5-.Ltmp1, $4  }
0x5f: {  	[tilespmem:s19+$0x220] =	vst v5;
	v7 =	vmax.f32 v7, $0.0e+00;
	v8 =	vadd.f32 v1, v8;
	v1 =	vld [tilespmem:s21+$0x2250]  }
0x60: {  	v5 =	vld [tilespmem:s21+$0x220];
	[tilespmem:s19+$0x230] =	vst v7;
	v6 =	vmax.f32 v6, $0.0e+00  }
0x61: {  	v7 =	vld [tilespmem:s21+$0x230];
	[tilespmem:s19+$0x240] =	vst v6;
	v8 =	vmax.f32 v8, $0.0e+00  }
0x62: {  	s20 =	sadd.s32 $0x100, s20;
	v6 =	vld [tilespmem:s21+$0x240];
	[tilespmem:s19+$0x250] =	vst v8;
	s19 =	smov.u32 s21  }
0x63: {  	v8 =	vld [tilespmem:s19+$0x250];
	_ =	sdelay $0x1  }
0x64: {  	v3 =	vadd.f32 v3, v5  }
0x65: {  	v4 =	vadd.f32 v4, v7  }
0x66: {  	v3 =	vmax.f32 v3, $0.0e+00;
	v2 =	vadd.f32 v2, v6  }
0x67: {  	[tilespmem:s19+$0x220] =	vst v3;
	v3 =	vmax.f32 v4, $0.0e+00;
	v1 =	vadd.f32 v1, v8  }
0x68: {  	[tilespmem:s19+$0x230] =	vst v3;
	v2 =	vmax.f32 v2, $0.0e+00  }
0x69: {  	[tilespmem:s19+$0x240] =	vst v2;
	v1 =	vmax.f32 v1, $0.0e+00  }
0x6a: {  	s21 =	simm.s32 $0x0;
	[tilespmem:s19+$0x250] =	vst v1  }
0x6b: {  	[spmem:s1] =	stream.indirect.scatter.add.f32 [tilespmem:s22], [sflag:$0x5], $0x40, s21, s24, $0xb8;
	[tilespmem:$0xEA20] =	vst v63  }
0x6c: {  	_ =	swait.ge [sflag:s23], $0x2000  }
0x6d: {  	[sflag:s23] =	ssyncset.done $0x0  }
0x6e: {  	[sflag:s23] =	ssyncadd.s32 $0xFFFFE000  }
0x6f: {  	_ =	swait.ge [sflag:s31], $0x80  }
0x70: {  	[sflag:s31] =	ssyncset.done $0x0  }
0x71: {  	[sflag:s31] =	ssyncadd.s32 $0xFFFFFF80  }
0x72: {  	_ =	swait.ge [sflag:s0], $0x80  }
0x73: {  	[sflag:s0] =	ssyncset.done $0x0  }
0x74: {  	[sflag:s0] =	ssyncadd.s32 $0xFFFFFF80  }
0x75: {  	[tilespmem:s22], [sflag:$0x1] =	stream.indirect.gather [hbm4b:s4+s24], $0x40, s25, s24, $0xb8;
	[tilespmem:$0xEA20] =	vst v63  }
0x76: {  	_ = 	snop  }
0x77: {  	[tilespmem:s30], [sflag:$0x2] =	stream.indirect.gather [hbm4b:s5+s24], $0x40, s26, s24, $0xb8;
	[tilespmem:$0xEA20] =	vst v63  }
0x78: {  	_ =	swait.ge [sflag:s28], $0x2000  }
0x79: {  	[sflag:s28] =	ssyncset.done $0x0  }
0x7a: {  	[sflag:s28] =	ssyncadd.s32 $0xFFFFE000  }
0x7b: {  	_ =	swait.ge [sflag:s29], $0x2000  }
0x7c: {  	[sflag:s29] =	ssyncset.done $0x0  }
0x7d: {  	s19 =	simm.s32 $0x0;
	[sflag:s29] =	ssyncadd.s32 $0xFFFFE000  }
0x7e: {  	v3 =	vld [tilespmem:s19+$0x2220]  }
0x7f: {  	v4 =	vld [tilespmem:s19+$0x2230]  }
0x80: {  	v2 =	vld [tilespmem:s19+$0x2240]  }
0x81: {  	v1 =	vld [tilespmem:s19+$0x2250]  }
0x82: {  	v5 =	vld [tilespmem:s19+$0x220]  }
0x83: {  	v7 =	vld [tilespmem:s19+$0x230]  }
0x84: {  	s20 =	simm.s32 $0x100;
	v6 =	vld [tilespmem:s19+$0x240]  }
.LBB2_7:
0x85: {  	p0 =	sne.s32 s20, $0x7F00;
	v8 =	vld [tilespmem:s19+$0x250]  }
0x86: {  	s21 =	sshra.s32 s20, $0x2  }
0x87: {  	v5 =	vadd.f32 v3, v5;
	v3 =	vld [tilespmem:s21+$0x2220]  }
0x88: {  	v7 =	vadd.f32 v4, v7;
	v4 =	vld [tilespmem:s21+$0x2230]  }
.Ltmp2:
0x89: {  	v5 =	vmax.f32 v5, $0.0e+00;
	v6 =	vadd.f32 v2, v6;
	v2 =	vld [tilespmem:s21+$0x2240];
	(pc) =	sbr.rel @p0 .LBB2_7-.Ltmp2, $4  }
0x8a: {  	[tilespmem:s19+$0x220] =	vst v5;
	v7 =	vmax.f32 v7, $0.0e+00;
	v8 =	vadd.f32 v1, v8;
	v1 =	vld [tilespmem:s21+$0x2250]  }
0x8b: {  	v5 =	vld [tilespmem:s21+$0x220];
	[tilespmem:s19+$0x230] =	vst v7;
	v6 =	vmax.f32 v6, $0.0e+00  }
0x8c: {  	v7 =	vld [tilespmem:s21+$0x230];
	[tilespmem:s19+$0x240] =	vst v6;
	v8 =	vmax.f32 v8, $0.0e+00  }
0x8d: {  	s20 =	sadd.s32 $0x100, s20;
	v6 =	vld [tilespmem:s21+$0x240];
	[tilespmem:s19+$0x250] =	vst v8;
	s19 =	smov.u32 s21  }
0x8e: {  	v8 =	vld [tilespmem:s19+$0x250];
	_ =	sdelay $0x1  }
0x8f: {  	v3 =	vadd.f32 v3, v5  }
0x90: {  	v4 =	vadd.f32 v4, v7  }
0x91: {  	v3 =	vmax.f32 v3, $0.0e+00;
	v2 =	vadd.f32 v2, v6  }
0x92: {  	[tilespmem:s19+$0x220] =	vst v3;
	v3 =	vmax.f32 v4, $0.0e+00;
	v1 =	vadd.f32 v1, v8  }
0x93: {  	s18 =	sadd.s32 $0x1, s18;
	[tilespmem:s19+$0x230] =	vst v3;
	v2 =	vmax.f32 v2, $0.0e+00  }
0x94: {  	p0 =	sne.s32 s18, $0x27;
	[tilespmem:s19+$0x240] =	vst v2;
	v1 =	vmax.f32 v1, $0.0e+00  }
.Ltmp3:
0x95: {  	[tilespmem:s19+$0x250] =	vst v1;
	(pc) =	sbr.rel @p0 .LBB2_4-.Ltmp3, $4  }
0x96: {  	[spmem:s1] =	stream.indirect.scatter.add.f32 [tilespmem:s22], [sflag:$0x5], $0x40, s25, s24, $0xb8;
	[tilespmem:$0xEA20] =	vst v63  }
0x97: {  	_ =	swait.ge [sflag:s23], $0x2000  }
0x98: {  	[sflag:s23] =	ssyncset.done $0x0  }
0x99: {  	[sflag:s23] =	ssyncadd.s32 $0xFFFFE000  }
0x9a: {  	s17 =	simm.s32 $0x0;
	s18 =	rddreg [dreg:$0x3]  }
0x9b: {  	[tilespmem:s3], [sflag:$0x5] =	stream.linear.gather [hbm4b:s18+s17], $0x10, $0x38;
	[tilespmem:$0xEA20] =	vst v63  }
0x9c: {  	_ =	swait.ge [sflag:s23], $0x10  }
0x9d: {  	[sflag:s23] =	ssyncset.done $0x0  }
0x9e: {  	s20 =	rddreg [dreg:$0x4];
	[sflag:s23] =	ssyncadd.s32 $0xFFFFFFF0  }
0x9f: {  	[tilespmem:s14], [sflag:$0x5] =	stream.linear.gather [hbm4b:s20+s17], $0x10, $0x38;
	[tilespmem:$0xEA20] =	vst v63  }
0xa0: {  	_ =	swait.ge [sflag:s23], $0x10  }
0xa1: {  	[sflag:s23] =	ssyncset.done $0x0  }
0xa2: {  	[sflag:s23] =	ssyncadd.s32 $0xFFFFFFF0  }
0xa3: {  	[tilespmem:s16], [sflag:$0x1] =	stream.indirect.gather [hbm4b:s4+s15], $0x40, s3, s15, $0xb8;
	[tilespmem:$0xEA20] =	vst v63  }
0xa4: {  	s21 =	simm.s32 $0x4620  }
0xa5: {  	[tilespmem:s21], [sflag:$0x2] =	stream.indirect.gather [hbm4b:s5+s15], $0x40, s14, s15, $0xb8;
	[tilespmem:$0xEA20] =	vst v63  }
0xa6: {  	_ =	swait.ge [sflag:s28], $0x400  }
0xa7: {  	[sflag:s28] =	ssyncset.done $0x0  }
0xa8: {  	[sflag:s28] =	ssyncadd.s32 $0xFFFFFC00  }
0xa9: {  	_ =	swait.ge [sflag:s29], $0x400  }
0xaa: {  	[sflag:s29] =	ssyncset.done $0x0  }
0xab: {  	s17 =	simm.s32 $0x0;
	[sflag:s29] =	ssyncadd.s32 $0xFFFFFC00  }
0xac: {  	v3 =	vld [tilespmem:s17+$0x4620]  }
0xad: {  	v4 =	vld [tilespmem:s17+$0x4630]  }
0xae: {  	v2 =	vld [tilespmem:s17+$0x4640]  }
0xaf: {  	v1 =	vld [tilespmem:s17+$0x4650]  }
0xb0: {  	v5 =	vld [tilespmem:s17+$0x4220]  }
0xb1: {  	v7 =	vld [tilespmem:s17+$0x4230]  }
0xb2: {  	s18 =	simm.s32 $0x100;
	v6 =	vld [tilespmem:s17+$0x4240]  }
.LBB2_10:
0xb3: {  	p0 =	sne.s32 s18, $0xF00;
	v8 =	vld [tilespmem:s17+$0x4250]  }
0xb4: {  	s19 =	sshra.s32 s18, $0x2  }
0xb5: {  	v5 =	vadd.f32 v3, v5;
	v3 =	vld [tilespmem:s19+$0x4620]  }
0xb6: {  	v7 =	vadd.f32 v4, v7;
	v4 =	vld [tilespmem:s19+$0x4630]  }
.Ltmp4:
0xb7: {  	v5 =	vmax.f32 v5, $0.0e+00;
	v6 =	vadd.f32 v2, v6;
	v2 =	vld [tilespmem:s19+$0x4640];
	(pc) =	sbr.rel @p0 .LBB2_10-.Ltmp4, $4  }
0xb8: {  	[tilespmem:s17+$0x4220] =	vst v5;
	v7 =	vmax.f32 v7, $0.0e+00;
	v8 =	vadd.f32 v1, v8;
	v1 =	vld [tilespmem:s19+$0x4650]  }
0xb9: {  	v5 =	vld [tilespmem:s19+$0x4220];
	[tilespmem:s17+$0x4230] =	vst v7;
	v6 =	vmax.f32 v6, $0.0e+00  }
0xba: {  	v7 =	vld [tilespmem:s19+$0x4230];
	[tilespmem:s17+$0x4240] =	vst v6;
	v8 =	vmax.f32 v8, $0.0e+00  }
0xbb: {  	s18 =	sadd.s32 $0x100, s18;
	v6 =	vld [tilespmem:s19+$0x4240];
	[tilespmem:s17+$0x4250] =	vst v8;
	s17 =	smov.u32 s19  }
0xbc: {  	v8 =	vld [tilespmem:s17+$0x4250];
	_ =	sdelay $0x1  }
0xbd: {  	v3 =	vadd.f32 v3, v5  }
0xbe: {  	v4 =	vadd.f32 v4, v7  }
0xbf: {  	v3 =	vmax.f32 v3, $0.0e+00;
	v2 =	vadd.f32 v2, v6  }
0xc0: {  	[tilespmem:s17+$0x4220] =	vst v3;
	v3 =	vmax.f32 v4, $0.0e+00;
	v1 =	vadd.f32 v1, v8  }
0xc1: {  	[tilespmem:s17+$0x4230] =	vst v3;
	v2 =	vmax.f32 v2, $0.0e+00  }
0xc2: {  	[tilespmem:s17+$0x4240] =	vst v2;
	v1 =	vmax.f32 v1, $0.0e+00  }
0xc3: {  	[tilespmem:s17+$0x4250] =	vst v1  }
0xc4: {  	[spmem:s1] =	stream.indirect.scatter.add.f32 [tilespmem:s16], [sflag:$0x5], $0x40, s3, s15, $0xb8;
	[tilespmem:$0xEA20] =	vst v63  }
0xc5: {  	_ =	swait.ge [sflag:s23], $0x400  }
0xc6: {  	[sflag:s23] =	ssyncset.done $0x0  }
0xc7: {  	s19 =	stileid.u32;
	[sflag:s23] =	ssyncadd.s32 $0xFFFFFC00  }
0xc8: {  	s17 =	sshll.u32 s19, $0x6;
	[bflag:$0x0] =	sbarrier.arrive $0xFFFF  }
0xc9: {  	s18 =	sshrl.u32 s8, $0x3;
	s17 =	sor.u32 $0x1C05, s17;
	s19 =	rddreg [dreg:$0x5]  }
0xca: {  	[hbm:s19], [sflag:s17] =	dma.local [spmem:s18], $0x400  }
0xcb: {  	_ =	swait.ge [sflag:s23], $0x400  }
0xcc: {  	[sflag:s23] =	ssyncset.done $0x0  }
0xcd: {  	s20 =	sshrl.u32 s10, $0x3;
	s21 =	rddreg [dreg:$0x6];
	[sflag:s23] =	ssyncadd.s32 $0xFFFFFC00  }
0xce: {  	[hbm:s21], [sflag:s17] =	dma.local [spmem:s20], $0x400  }
0xcf: {  	_ =	swait.ge [sflag:s23], $0x400  }
0xd0: {  	[sflag:s23] =	ssyncset.done $0x0  }
0xd1: {  	s20 =	sshrl.u32 s11, $0x3;
	s21 =	rddreg [dreg:$0x7];
	[sflag:s23] =	ssyncadd.s32 $0xFFFFFC00  }
0xd2: {  	[hbm:s21], [sflag:s17] =	dma.local [spmem:s20], $0x400  }
0xd3: {  	_ =	swait.ge [sflag:s23], $0x400  }
0xd4: {  	[sflag:s23] =	ssyncset.done $0x0  }
0xd5: {  	s20 =	sshrl.u32 s12, $0x3;
	s21 =	rddreg [dreg:$0x8];
	[sflag:s23] =	ssyncadd.s32 $0xFFFFFC00  }
0xd6: {  	[hbm:s21], [sflag:s17] =	dma.local [spmem:s20], $0x400  }
0xd7: {  	_ =	swait.ge [sflag:s23], $0x400  }
0xd8: {  	[sflag:s23] =	ssyncset.done $0x0  }
0xd9: {  	s19 =	sshrl.u32 s13, $0x3;
	s20 =	rddreg [dreg:$0x9];
	[sflag:s23] =	ssyncadd.s32 $0xFFFFFC00  }
0xda: {  	[hbm:s20], [sflag:s17] =	dma.local [spmem:s19], $0x400  }
0xdb: {  	_ =	swait.ge [sflag:s23], $0x400  }
0xdc: {  	s2 =	sadd.s32 $0x1, s2;
	s21 =	rddreg [dreg:$0xa]  }
0xdd: {  	p0 =	sne.s32 s2, s21  }
.Ltmp5:
0xde: {  	_ = 	snop;
	(pc) =	sbr.rel @p0 .LBB2_1-.Ltmp5, $3  }
0xdf: {  	_ =	sdelay $0x1  }
0xe0: {  	[sflag:s23] =	ssyncset.done $0x0  }
0xe1: {  	[sflag:s23] =	ssyncadd.s32 $0xFFFFFC00  }
0xe2: {  	_ =	sfence.sel $0x180000  }
0xe3: {  	[bflag:$0x0] =	sbarrier.arrive $0xFFFF  }
0xe4: {  	_ =	strace $0x9000004A  }
0xe5: {  	s0 =	stileid.u32;
	[bflag:$0x2] =	sbarrier.arrive $0xFFFF  }
0xe6: {  	p0 =	sne.s32 s0, $0x0;
	s0 =	rddreg [dreg:$0x2]  }
0xe7: {  	s0 =	sadd.s32 @!p0 $0x100000, s0  }
0xe8: {  	[sflag:s0] =	ssyncadd.tile.s32 @!p0 $0x1;
	_ =	shalt  }
.Lfunc_end2:
_tile_overlayer_lowered:
.L_overlay_start_2:
0xe9: {  	(tag) =	ssettag $0x2  }
0xea: {  	s0 =	rddreg [dreg:$0x0];
	s2 =	stileid.u32  }
0xeb: {  	s1 =	rddreg [dreg:$0x1];
	p0 =	sne.s32 s2, $0x0  }
0xec: {  	s3 =	rddreg [dreg:$0x2];
	[bflag:$0x3] =	sbarrier.arrive $0xFFFF;
	s2 =	simm.s32 @!p0 $0x1C05  }
0xed: {  	[timem:s3], [sflag:s2] =	dma.local @!p0 [hbm:s0], s1  }
0xee: {  	s0 =	simm.s32 @!p0 $0x5  }
0xef: {  	_ =	swait.ge @!p0 [sflag:s0], s1  }
0xf0: {  	s1 =	ssub.s32 @!p0 $0x0, s1;
	[sflag:s0] =	ssyncset.done @!p0 $0x0  }
0xf1: {  	[sflag:s0] =	ssyncadd.s32 @!p0 s1  }
0xf2: {  	[bflag:$0x3] =	sbarrier.arrive $0xFFFF  }
0xf3: {  	_ =	shalt  }

</sc_bundles>
